<compile_context>
chip_gen: v7x
topology: tpu7x:2x2x1
jax: 0.10.2.dev20260603
libtpu: 0.0.44.dev20260713+nightly
codegen_flags: <defaults>
</compile_context>

<pallas_src>
import functools

import jax
import jax.numpy as jnp
from jax import lax
from jax.experimental import pallas as pl
from jax.experimental.pallas import tpu as pltpu
from jax.experimental.pallas import tpu_sc as plsc

_N = 10000
_INC = 320000
_D = 128
_G = 64
_NCLS = 10
_NC, _NS = 2, 16
_CHUNK = 128
_NCHUNKS = _INC // _CHUNK
_CPW = -(-_NCHUNKS // (_NC * _NS))
_NP = 10240
_RPT = _NP // _NS




def _counts_body(hei, out_n, out_e, idxv, cnt, iotav, acc_sh):
    cid = lax.axis_index("c")
    sid = lax.axis_index("s")
    zero16 = jnp.zeros((16,), jnp.float32)
    ones16 = jnp.ones((16,), jnp.float32)

    def zrow(r, _):
        for k in range(8):
            cnt[r, pl.ds(k * 16, 16)] = zero16
        return _

    lax.fori_loop(0, 128, zrow, None)
    for k in range(8):
        iotav[pl.ds(k * 16, 16)] = lax.iota(jnp.int32, 16) + (16 * k)
    pltpu.sync_copy(cnt.at[pl.ds(0, 8)], acc_sh.at[pl.ds(sid * 8, 8)])
    plsc.subcore_barrier()

    def histo(row):
        def chunk(j, _):
            c = sid + _NS * j

            @pl.when(c < _NCHUNKS)
            def _do():
                pltpu.sync_copy(hei.at[row, pl.ds(c * _CHUNK, _CHUNK)], idxv)
                for k in range(8):
                    iv = idxv[pl.ds(k * 16, 16)]
                    plsc.addupdate_scatter(
                        cnt,
                        [lax.shift_right_logical(iv, 7),
                         jnp.bitwise_and(iv, 127)],
                        ones16)

            return _

        lax.fori_loop(0, -(-_NCHUNKS // _NS), chunk, None)

    @pl.when(cid == 0)
    def _hn():
        histo(0)

    @pl.when(cid == 1)
    def _he():
        histo(1)

    pltpu.sync_copy(cnt, acc_sh.at[iotav], add=True)
    plsc.subcore_barrier()

    @pl.when(cid == 0)
    def _wn():
        pltpu.sync_copy(acc_sh.at[pl.ds(sid * 8, 8)], out_n.at[pl.ds(sid * 8, 8)])

    @pl.when(cid == 1)
    def _we():
        pltpu.sync_copy(acc_sh.at[pl.ds(sid * 8, 8)], out_e.at[pl.ds(sid * 8, 8)])


_counts_kernel = pl.kernel(
    _counts_body,
    out_type=(jax.ShapeDtypeStruct((128, 128), jnp.float32),
              jax.ShapeDtypeStruct((128, 128), jnp.float32)),
    mesh=plsc.VectorSubcoreMesh(core_axis_name="c", subcore_axis_name="s"),
    compiler_params=pltpu.CompilerParams(needs_layout_passes=False),
    scratch_types=[
        pltpu.VMEM((_CHUNK,), jnp.int32),
        pltpu.VMEM((128, 128), jnp.float32),
        pltpu.VMEM((128,), jnp.int32),
        pltpu.VMEM_SHARED((128, 128), jnp.float32),
    ],
)




def _scatter_body(src_row, dst_row, table, hei, out, idx_s, idx_d, rows, acc, sem):
    cid = lax.axis_index("c")
    sid = lax.axis_index("s")
    wid = sid * _NC + cid
    zero16 = jnp.zeros((16,), jnp.float32)

    def zrow(r, _):
        for k in range(8):
            rows[r, pl.ds(k * 16, 16)] = zero16
        return _

    lax.fori_loop(0, 128, zrow, None)
    for k in range(5):
        pltpu.sync_copy(rows, acc.at[pl.ds(sid * _RPT + k * 128, 128)])
    plsc.subcore_barrier()

    def chunk(j, _):
        c = wid + _NC * _NS * j

        @pl.when(c < _NCHUNKS)
        def _do():
            pltpu.sync_copy(hei.at[src_row, pl.ds(c * _CHUNK, _CHUNK)], idx_s)
            pltpu.sync_copy(hei.at[dst_row, pl.ds(c * _CHUNK, _CHUNK)], idx_d)
            pltpu.async_copy(table.at[idx_s], rows, sem).wait()
            pltpu.sync_copy(rows, acc.at[idx_d], add=True)

        return _

    lax.fori_loop(0, _CPW, chunk, None)
    plsc.subcore_barrier()
    pltpu.sync_copy(acc.at[pl.ds(sid * _RPT, _RPT)],
                    out.at[cid, pl.ds(sid * _RPT, _RPT)])


def _make_scatter(src_row, dst_row):
    return pl.kernel(
        functools.partial(_scatter_body, src_row, dst_row),
        out_type=jax.ShapeDtypeStruct((_NC, _NP, _D), jnp.float32),
        mesh=plsc.VectorSubcoreMesh(core_axis_name="c", subcore_axis_name="s"),
        compiler_params=pltpu.CompilerParams(needs_layout_passes=False),
        scratch_types=[
            pltpu.VMEM((_CHUNK,), jnp.int32),
            pltpu.VMEM((_CHUNK,), jnp.int32),
            pltpu.VMEM((_CHUNK, _D), jnp.float32),
            pltpu.VMEM_SHARED((_NP, _D), jnp.float32),
            pltpu.SemaphoreType.DMA,
        ],
    )


_scatter_n2e = _make_scatter(0, 1)
_scatter_e2n = _make_scatter(1, 0)



_RB = 1000
_NRB = _N // _RB


def _mm_body(x_ref, w_ref, o_ref):
    o_ref[...] = jnp.dot(x_ref[...], w_ref[...],
                         preferred_element_type=jnp.float32)


_mm = pl.pallas_call(
    _mm_body,
    grid=(_NRB,),
    in_specs=[pl.BlockSpec((_RB, _D), lambda i: (i, 0)),
              pl.BlockSpec((_D, _D), lambda i: (0, 0))],
    out_specs=pl.BlockSpec((_RB, _D), lambda i: (i, 0)),
    out_shape=jax.ShapeDtypeStruct((_N, _D), jnp.float32),
)


def _inv(c):
    return jnp.where(c == 0.0, 0.0, 1.0 / c)


def _ecomb_body(p_ref, c_ref, o_ref):
    o_ref[...] = _inv(c_ref[...]) * (p_ref[0] + p_ref[1])


_ecomb = pl.pallas_call(
    _ecomb_body,
    grid=(_NRB,),
    in_specs=[pl.BlockSpec((_NC, _RB, _D), lambda i: (0, i, 0)),
              pl.BlockSpec((_RB, 1), lambda i: (i, 0))],
    out_specs=pl.BlockSpec((_RB, _D), lambda i: (i, 0)),
    out_shape=jax.ShapeDtypeStruct((_N, _D), jnp.float32),
)


def _vcomb_mm_body(q_ref, c_ref, b_ref, w_ref, o_ref):
    v = _inv(c_ref[...]) * (q_ref[0] + q_ref[1]) + b_ref[...]
    v = jnp.maximum(v, 0.0)
    o_ref[...] = jnp.dot(v, w_ref[...], preferred_element_type=jnp.float32)


_vcomb_mm = pl.pallas_call(
    _vcomb_mm_body,
    grid=(_NRB,),
    in_specs=[pl.BlockSpec((_NC, _RB, _D), lambda i: (0, i, 0)),
              pl.BlockSpec((_RB, 1), lambda i: (i, 0)),
              pl.BlockSpec((1, _D), lambda i: (0, 0)),
              pl.BlockSpec((_D, _D), lambda i: (0, 0))],
    out_specs=pl.BlockSpec((_RB, _D), lambda i: (i, 0)),
    out_shape=jax.ShapeDtypeStruct((_N, _D), jnp.float32),
)


def _final_body(q_ref, c_ref, b_ref, bat_ref, wl_ref, bl_ref, o_ref,
                sums, cnts):
    i = pl.program_id(0)

    @pl.when(i == 0)
    def _init():
        sums[...] = jnp.zeros_like(sums)
        cnts[...] = jnp.zeros_like(cnts)

    v = _inv(c_ref[...]) * (q_ref[0] + q_ref[1]) + b_ref[...]
    h = jnp.maximum(v, 0.0)
    gids = lax.broadcasted_iota(jnp.int32, (_G, _RB), 0).astype(jnp.float32)
    onehot = (bat_ref[0] == gids).astype(jnp.float32)
    sums[...] += jnp.dot(onehot, h, preferred_element_type=jnp.float32)
    cnts[...] = cnts[...] + jnp.sum(onehot, axis=1, keepdims=True)

    @pl.when(i == _NRB - 1)
    def _fin():
        g = sums[...] / jnp.maximum(cnts[...], 1.0)
        o_ref[...] = (jnp.dot(g, wl_ref[...],
                              preferred_element_type=jnp.float32)
                      + bl_ref[...])


_final = pl.pallas_call(
    _final_body,
    grid=(_NRB,),
    in_specs=[pl.BlockSpec((_NC, _RB, _D), lambda i: (0, i, 0)),
              pl.BlockSpec((_RB, 1), lambda i: (i, 0)),
              pl.BlockSpec((1, _D), lambda i: (0, 0)),
              pl.BlockSpec((1, 1, _RB), lambda i: (i, 0, 0)),
              pl.BlockSpec((_D, _NCLS), lambda i: (0, 0)),
              pl.BlockSpec((1, _NCLS), lambda i: (0, 0))],
    out_specs=pl.BlockSpec((_G, _NCLS), lambda i: (0, 0)),
    out_shape=jax.ShapeDtypeStruct((_G, _NCLS), jnp.float32),
    scratch_shapes=[pltpu.VMEM((_G, _D), jnp.float32),
                    pltpu.VMEM((_G, 128), jnp.float32)],
)


def kernel(x, hyperedge_index, batch, W0, b0, W1, b1, Wlin, blin):
    cnt_n, cnt_e = _counts_kernel(hyperedge_index)
    c_n = cnt_n.reshape(-1)[:_N].reshape(_N, 1)
    c_e = cnt_e.reshape(-1)[:_N].reshape(_N, 1)

    h0 = _mm(x, W0)
    p1 = _scatter_n2e(h0, hyperedge_index)
    e1 = _ecomb(p1, c_e)
    q1 = _scatter_e2n(e1, hyperedge_index)
    h1 = _vcomb_mm(q1, c_n, b0.reshape(1, _D), W1)
    p2 = _scatter_n2e(h1, hyperedge_index)
    e2 = _ecomb(p2, c_e)
    q2 = _scatter_e2n(e2, hyperedge_index)
    out = _final(q2, c_n, b1.reshape(1, _D),
                 batch.astype(jnp.float32).reshape(_NRB, 1, _RB),
                 Wlin, blin.reshape(1, _NCLS))
    return out

# --- scband reference (transcript-rebuilt; emitter-appended) ---
"""Pipeline reference for scband-customized-hyper-gnn-67826123538758 (READ-ONLY COPY).

The authoritative reference and input builder live on the scoring server;
editing this copy changes nothing except your own understanding.
"""

import jax, jax.numpy as jnp
import numpy as np

N_NODES = 10000
N_INC = 320000
D_FEAT = 128
HIDDEN = 128
NUM_CLASS = 10
NUM_GRAPHS = 64
NUM_HYPEREDGES = 10000  # index values drawn in [0, 10000)


def setup_inputs(seed: int = 0):
    key = jax.random.key(seed)
    ks = jax.random.split(key, 10)
    x = jax.random.normal(ks[0], (N_NODES, D_FEAT), dtype=jnp.float32)
    hyperedge_index = jax.random.randint(ks[1], (2, N_INC), 0, N_NODES, dtype=jnp.int32)
    batch = jnp.sort(jax.random.randint(ks[2], (N_NODES,), 0, NUM_GRAPHS, dtype=jnp.int32))
    s0 = 1.0 / np.sqrt(D_FEAT)
    s1 = 1.0 / np.sqrt(HIDDEN)
    W0 = jax.random.uniform(ks[3], (D_FEAT, HIDDEN), jnp.float32, -s0, s0)
    b0 = jnp.zeros((HIDDEN,), jnp.float32)
    W1 = jax.random.uniform(ks[4], (HIDDEN, HIDDEN), jnp.float32, -s1, s1)
    b1 = jnp.zeros((HIDDEN,), jnp.float32)
    Wlin = jax.random.uniform(ks[5], (HIDDEN, NUM_CLASS), jnp.float32, -s1, s1)
    blin = jax.random.uniform(ks[6], (NUM_CLASS,), jnp.float32, -s1, s1)
    return {"x": x, "hyperedge_index": hyperedge_index, "batch": batch,
            "W0": W0, "b0": b0, "W1": W1, "b1": b1, "Wlin": Wlin, "blin": blin}


def hypergraph_conv(x, hyperedge_index, W, b):
    # PyG HypergraphConv (no attention): X' = D^-1 H W_e B^-1 H^T X Theta + bias
    x = x @ W
    node_idx = hyperedge_index[0]
    edge_idx = hyperedge_index[1]
    hyperedge_weight = jnp.ones((NUM_HYPEREDGES,), x.dtype)
    D = jax.ops.segment_sum(hyperedge_weight[edge_idx], node_idx, num_segments=N_NODES)
    D = jnp.where(D == 0, 0.0, 1.0 / D)
    B = jax.ops.segment_sum(jnp.ones((edge_idx.shape[0],), x.dtype), edge_idx, num_segments=NUM_HYPEREDGES)
    B = jnp.where(B == 0, 0.0, 1.0 / B)
    # node -> hyperedge propagation, message scaled by B[target]
    msg = B[edge_idx][:, None] * x[node_idx]
    out_e = jax.ops.segment_sum(msg, edge_idx, num_segments=NUM_HYPEREDGES)
    # hyperedge -> node propagation, message scaled by D[target]
    msg2 = D[node_idx][:, None] * out_e[edge_idx]
    out_v = jax.ops.segment_sum(msg2, node_idx, num_segments=N_NODES)
    return out_v + b


def global_mean_pool(x, batch):
    sums = jax.ops.segment_sum(x, batch, num_segments=NUM_GRAPHS)
    cnts = jax.ops.segment_sum(jnp.ones((x.shape[0],), x.dtype), batch, num_segments=NUM_GRAPHS)
    return sums / jnp.clip(cnts, 1.0)[:, None]


def reference(x, hyperedge_index, batch, W0, b0, W1, b1, Wlin, blin):
    h = hypergraph_conv(x, hyperedge_index, W0, b0)
    h = jax.nn.relu(h)  # norm=None -> Identity, then relu
    h = hypergraph_conv(h, hyperedge_index, W1, b1)
    h = jax.nn.relu(h)
    g = global_mean_pool(h, batch)
    # dropout in eval mode is identity
    out = g @ Wlin + blin
    return out

if __name__ == "__main__":
    import jax
    _d = setup_inputs()
    print(jax.jit(kernel)(*tuple(_d.values())))

</pallas_src>

<mosaic_0001>
#map = affine_map<(d0, d1) -> (0, 0)>
#map1 = affine_map<(d0, d1) -> (0, 0, 0)>
module attributes {stable_mosaic.version = 14 : i64} {
  func.func @_scatter_body(%arg0: i32, %arg1: i32, %arg2: memref<10000x128xf32, #tpu.memory_space<hbm>>, %arg3: memref<2x320000xi32, #tpu.memory_space<hbm>>, %arg4: memref<2x10240x128xf32, #tpu.memory_space<hbm>>, %arg5: memref<128xi32, #tpu.memory_space<vmem>>, %arg6: memref<128xi32, #tpu.memory_space<vmem>>, %arg7: memref<128x128xf32, #tpu.memory_space<vmem>>, %arg8: memref<10240x128xf32, #tpu.memory_space<vmem_shared>>, %arg9: memref<!tpu.dma_semaphore, #tpu.memory_space<semaphore_mem>>) attributes {dimension_semantics = [#tpu.dimension_semantics<core_parallel>, #tpu.dimension_semantics<subcore_parallel>], iteration_bounds = array<i64: 2, 16>, scalar_prefetch = 0 : i64, scratch_operands = 5 : i64, tpu.core_type = #tpu.core_type<sc_vector_subcore>, window_params = [{transform_indices = #map}, {transform_indices = #map}, {transform_indices = #map1}]} {
    %mul3A = arith.constant 2 : i32
    %mul3A_0 = arith.muli %arg1, %mul3A : i32
    %add3A = arith.addi %mul3A_0, %arg0 : i32
    %broadcast_in_dim3A = arith.constant 0.000000e+00 : f32
    %broadcast_in_dim3A_1 = vector.broadcast %broadcast_in_dim3A : f32 to vector<16xf32>
    %scan3A = arith.constant 0 : i32
    %scan3A_2 = arith.constant 128 : i32
    %scan3A_3 = arith.addi %scan3A, %scan3A_2 : i32
    %scan3A_4 = arith.constant 1 : i32
    scf.for %scan3A_36 = %scan3A to %scan3A_3 step %scan3A_4  : i32 {
      %swap3A = arith.index_cast %scan3A_36 : i32 to index
      %swap3A_37 = arith.constant 0 : index
      %swap3A_38 = tpu.vector_load %arg7[%swap3A, %swap3A_37] {strides = array<i32>} : memref<128x128xf32, #tpu.memory_space<vmem>>, vector<16xf32>,
      tpu.vector_store %arg7[%swap3A, %swap3A_37], %broadcast_in_dim3A_1 {strides = array<i32>} : memref<128x128xf32, #tpu.memory_space<vmem>>, vector<16xf32>,
      %swap3A_39 = arith.index_cast %scan3A_36 : i32 to index
      %swap3A_40 = arith.constant 16 : index
      %swap3A_41 = tpu.vector_load %arg7[%swap3A_39, %swap3A_40] {strides = array<i32>} : memref<128x128xf32, #tpu.memory_space<vmem>>, vector<16xf32>,
      tpu.vector_store %arg7[%swap3A_39, %swap3A_40], %broadcast_in_dim3A_1 {strides = array<i32>} : memref<128x128xf32, #tpu.memory_space<vmem>>, vector<16xf32>,
      %swap3A_42 = arith.index_cast %scan3A_36 : i32 to index
      %swap3A_43 = arith.constant 32 : index
      %swap3A_44 = tpu.vector_load %arg7[%swap3A_42, %swap3A_43] {strides = array<i32>} : memref<128x128xf32, #tpu.memory_space<vmem>>, vector<16xf32>,
      tpu.vector_store %arg7[%swap3A_42, %swap3A_43], %broadcast_in_dim3A_1 {strides = array<i32>} : memref<128x128xf32, #tpu.memory_space<vmem>>, vector<16xf32>,
      %swap3A_45 = arith.index_cast %scan3A_36 : i32 to index
      %swap3A_46 = arith.constant 48 : index
      %swap3A_47 = tpu.vector_load %arg7[%swap3A_45, %swap3A_46] {strides = array<i32>} : memref<128x128xf32, #tpu.memory_space<vmem>>, vector<16xf32>,
      tpu.vector_store %arg7[%swap3A_45, %swap3A_46], %broadcast_in_dim3A_1 {strides = array<i32>} : memref<128x128xf32, #tpu.memory_space<vmem>>, vector<16xf32>,
      %swap3A_48 = arith.index_cast %scan3A_36 : i32 to index
      %swap3A_49 = arith.constant 64 : index
      %swap3A_50 = tpu.vector_load %arg7[%swap3A_48, %swap3A_49] {strides = array<i32>} : memref<128x128xf32, #tpu.memory_space<vmem>>, vector<16xf32>,
      tpu.vector_store %arg7[%swap3A_48, %swap3A_49], %broadcast_in_dim3A_1 {strides = array<i32>} : memref<128x128xf32, #tpu.memory_space<vmem>>, vector<16xf32>,
      %swap3A_51 = arith.index_cast %scan3A_36 : i32 to index
      %swap3A_52 = arith.constant 80 : index
      %swap3A_53 = tpu.vector_load %arg7[%swap3A_51, %swap3A_52] {strides = array<i32>} : memref<128x128xf32, #tpu.memory_space<vmem>>, vector<16xf32>,
      tpu.vector_store %arg7[%swap3A_51, %swap3A_52], %broadcast_in_dim3A_1 {strides = array<i32>} : memref<128x128xf32, #tpu.memory_space<vmem>>, vector<16xf32>,
      %swap3A_54 = arith.index_cast %scan3A_36 : i32 to index
      %swap3A_55 = arith.constant 96 : index
      %swap3A_56 = tpu.vector_load %arg7[%swap3A_54, %swap3A_55] {strides = array<i32>} : memref<128x128xf32, #tpu.memory_space<vmem>>, vector<16xf32>,
      tpu.vector_store %arg7[%swap3A_54, %swap3A_55], %broadcast_in_dim3A_1 {strides = array<i32>} : memref<128x128xf32, #tpu.memory_space<vmem>>, vector<16xf32>,
      %swap3A_57 = arith.index_cast %scan3A_36 : i32 to index
      %swap3A_58 = arith.constant 112 : index
      %swap3A_59 = tpu.vector_load %arg7[%swap3A_57, %swap3A_58] {strides = array<i32>} : memref<128x128xf32, #tpu.memory_space<vmem>>, vector<16xf32>,
      tpu.vector_store %arg7[%swap3A_57, %swap3A_58], %broadcast_in_dim3A_1 {strides = array<i32>} : memref<128x128xf32, #tpu.memory_space<vmem>>, vector<16xf32>,
    }
    %scan3A_5 = arith.constant 128 : i32
    %mul3A_6 = arith.constant 640 : i32
    %mul3A_7 = arith.muli %arg1, %mul3A_6 : i32
    %add3A_8 = arith.constant 0 : i32
    %add3A_9 = arith.addi %mul3A_7, %add3A_8 : i32
    "tpu.region"() ({
      %run_scoped3A = tpu.sem_alloc : memref<!tpu.dma_semaphore, #tpu.memory_space<semaphore_mem>>
      %dma_start3A = arith.constant 0 : i32
      %dma_start3A_36 = tpu.memref_slice %arg8[%add3A_9, %dma_start3A] : memref<10240x128xf32, #tpu.memory_space<vmem_shared>> -> memref<128x128xf32, #tpu.memory_space<vmem_shared>>
      %dma_start3A_37 = arith.constant 0 : i32
      %dma_start3A_38 = tpu.memref_slice %arg8[%add3A_9, %dma_start3A_37] : memref<10240x128xf32, #tpu.memory_space<vmem_shared>> -> memref<128x128xf32, #tpu.memory_space<vmem_shared>>
      tpu.enqueue_dma source(%arg7 : memref<128x128xf32, #tpu.memory_space<vmem>>) target(%dma_start3A_38 : memref<128x128xf32, #tpu.memory_space<vmem_shared>>) target_semaphore(%run_scoped3A : memref<!tpu.dma_semaphore, #tpu.memory_space<semaphore_mem>>)
      %dma_wait3A = arith.constant 0 : i32
      %dma_wait3A_39 = tpu.memref_slice %arg8[%add3A_9, %dma_wait3A] : memref<10240x128xf32, #tpu.memory_space<vmem_shared>> -> memref<128x128xf32, #tpu.memory_space<vmem_shared>>
      %dma_wait3A_40 = arith.constant 0 : i32
      %dma_wait3A_41 = tpu.memref_slice %arg8[%add3A_9, %dma_wait3A_40] : memref<10240x128xf32, #tpu.memory_space<vmem_shared>> -> memref<128x128xf32, #tpu.memory_space<vmem_shared>>
      tpu.wait_dma2 semaphore(%run_scoped3A : memref<!tpu.dma_semaphore, #tpu.memory_space<semaphore_mem>>) src(%arg7 : memref<128x128xf32, #tpu.memory_space<vmem>>) dst(%dma_wait3A_41 : memref<128x128xf32, #tpu.memory_space<vmem_shared>>)
      tpu.yield
    }) : () -> ()
    %mul3A_10 = arith.constant 640 : i32
    %mul3A_11 = arith.muli %arg1, %mul3A_10 : i32
    %add3A_12 = arith.constant 128 : i32
    %add3A_13 = arith.addi %mul3A_11, %add3A_12 : i32
    "tpu.region"() ({
      %run_scoped3A = tpu.sem_alloc : memref<!tpu.dma_semaphore, #tpu.memory_space<semaphore_mem>>
      %dma_start3A = arith.constant 0 : i32
      %dma_start3A_36 = tpu.memref_slice %arg8[%add3A_13, %dma_start3A] : memref<10240x128xf32, #tpu.memory_space<vmem_shared>> -> memref<128x128xf32, #tpu.memory_space<vmem_shared>>
      %dma_start3A_37 = arith.constant 0 : i32
      %dma_start3A_38 = tpu.memref_slice %arg8[%add3A_13, %dma_start3A_37] : memref<10240x128xf32, #tpu.memory_space<vmem_shared>> -> memref<128x128xf32, #tpu.memory_space<vmem_shared>>
      tpu.enqueue_dma source(%arg7 : memref<128x128xf32, #tpu.memory_space<vmem>>) target(%dma_start3A_38 : memref<128x128xf32, #tpu.memory_space<vmem_shared>>) target_semaphore(%run_scoped3A : memref<!tpu.dma_semaphore, #tpu.memory_space<semaphore_mem>>)
      %dma_wait3A = arith.constant 0 : i32
      %dma_wait3A_39 = tpu.memref_slice %arg8[%add3A_13, %dma_wait3A] : memref<10240x128xf32, #tpu.memory_space<vmem_shared>> -> memref<128x128xf32, #tpu.memory_space<vmem_shared>>
      %dma_wait3A_40 = arith.constant 0 : i32
      %dma_wait3A_41 = tpu.memref_slice %arg8[%add3A_13, %dma_wait3A_40] : memref<10240x128xf32, #tpu.memory_space<vmem_shared>> -> memref<128x128xf32, #tpu.memory_space<vmem_shared>>
      tpu.wait_dma2 semaphore(%run_scoped3A : memref<!tpu.dma_semaphore, #tpu.memory_space<semaphore_mem>>) src(%arg7 : memref<128x128xf32, #tpu.memory_space<vmem>>) dst(%dma_wait3A_41 : memref<128x128xf32, #tpu.memory_space<vmem_shared>>)
      tpu.yield
    }) : () -> ()
    %mul3A_14 = arith.constant 640 : i32
    %mul3A_15 = arith.muli %arg1, %mul3A_14 : i32
    %add3A_16 = arith.constant 256 : i32
    %add3A_17 = arith.addi %mul3A_15, %add3A_16 : i32
    "tpu.region"() ({
      %run_scoped3A = tpu.sem_alloc : memref<!tpu.dma_semaphore, #tpu.memory_space<semaphore_mem>>
      %dma_start3A = arith.constant 0 : i32
      %dma_start3A_36 = tpu.memref_slice %arg8[%add3A_17, %dma_start3A] : memref<10240x128xf32, #tpu.memory_space<vmem_shared>> -> memref<128x128xf32, #tpu.memory_space<vmem_shared>>
      %dma_start3A_37 = arith.constant 0 : i32
      %dma_start3A_38 = tpu.memref_slice %arg8[%add3A_17, %dma_start3A_37] : memref<10240x128xf32, #tpu.memory_space<vmem_shared>> -> memref<128x128xf32, #tpu.memory_space<vmem_shared>>
      tpu.enqueue_dma source(%arg7 : memref<128x128xf32, #tpu.memory_space<vmem>>) target(%dma_start3A_38 : memref<128x128xf32, #tpu.memory_space<vmem_shared>>) target_semaphore(%run_scoped3A : memref<!tpu.dma_semaphore, #tpu.memory_space<semaphore_mem>>)
      %dma_wait3A = arith.constant 0 : i32
      %dma_wait3A_39 = tpu.memref_slice %arg8[%add3A_17, %dma_wait3A] : memref<10240x128xf32, #tpu.memory_space<vmem_shared>> -> memref<128x128xf32, #tpu.memory_space<vmem_shared>>
      %dma_wait3A_40 = arith.constant 0 : i32
      %dma_wait3A_41 = tpu.memref_slice %arg8[%add3A_17, %dma_wait3A_40] : memref<10240x128xf32, #tpu.memory_space<vmem_shared>> -> memref<128x128xf32, #tpu.memory_space<vmem_shared>>
      tpu.wait_dma2 semaphore(%run_scoped3A : memref<!tpu.dma_semaphore, #tpu.memory_space<semaphore_mem>>) src(%arg7 : memref<128x128xf32, #tpu.memory_space<vmem>>) dst(%dma_wait3A_41 : memref<128x128xf32, #tpu.memory_space<vmem_shared>>)
      tpu.yield
    }) : () -> ()
    %mul3A_18 = arith.constant 640 : i32
    %mul3A_19 = arith.muli %arg1, %mul3A_18 : i32
    %add3A_20 = arith.constant 384 : i32
    %add3A_21 = arith.addi %mul3A_19, %add3A_20 : i32
    "tpu.region"() ({
      %run_scoped3A = tpu.sem_alloc : memref<!tpu.dma_semaphore, #tpu.memory_space<semaphore_mem>>
      %dma_start3A = arith.constant 0 : i32
      %dma_start3A_36 = tpu.memref_slice %arg8[%add3A_21, %dma_start3A] : memref<10240x128xf32, #tpu.memory_space<vmem_shared>> -> memref<128x128xf32, #tpu.memory_space<vmem_shared>>
      %dma_start3A_37 = arith.constant 0 : i32
      %dma_start3A_38 = tpu.memref_slice %arg8[%add3A_21, %dma_start3A_37] : memref<10240x128xf32, #tpu.memory_space<vmem_shared>> -> memref<128x128xf32, #tpu.memory_space<vmem_shared>>
      tpu.enqueue_dma source(%arg7 : memref<128x128xf32, #tpu.memory_space<vmem>>) target(%dma_start3A_38 : memref<128x128xf32, #tpu.memory_space<vmem_shared>>) target_semaphore(%run_scoped3A : memref<!tpu.dma_semaphore, #tpu.memory_space<semaphore_mem>>)
      %dma_wait3A = arith.constant 0 : i32
      %dma_wait3A_39 = tpu.memref_slice %arg8[%add3A_21, %dma_wait3A] : memref<10240x128xf32, #tpu.memory_space<vmem_shared>> -> memref<128x128xf32, #tpu.memory_space<vmem_shared>>
      %dma_wait3A_40 = arith.constant 0 : i32
      %dma_wait3A_41 = tpu.memref_slice %arg8[%add3A_21, %dma_wait3A_40] : memref<10240x128xf32, #tpu.memory_space<vmem_shared>> -> memref<128x128xf32, #tpu.memory_space<vmem_shared>>
      tpu.wait_dma2 semaphore(%run_scoped3A : memref<!tpu.dma_semaphore, #tpu.memory_space<semaphore_mem>>) src(%arg7 : memref<128x128xf32, #tpu.memory_space<vmem>>) dst(%dma_wait3A_41 : memref<128x128xf32, #tpu.memory_space<vmem_shared>>)
      tpu.yield
    }) : () -> ()
    %mul3A_22 = arith.constant 640 : i32
    %mul3A_23 = arith.muli %arg1, %mul3A_22 : i32
    %add3A_24 = arith.constant 512 : i32
    %add3A_25 = arith.addi %mul3A_23, %add3A_24 : i32
    "tpu.region"() ({
      %run_scoped3A = tpu.sem_alloc : memref<!tpu.dma_semaphore, #tpu.memory_space<semaphore_mem>>
      %dma_start3A = arith.constant 0 : i32
      %dma_start3A_36 = tpu.memref_slice %arg8[%add3A_25, %dma_start3A] : memref<10240x128xf32, #tpu.memory_space<vmem_shared>> -> memref<128x128xf32, #tpu.memory_space<vmem_shared>>
      %dma_start3A_37 = arith.constant 0 : i32
      %dma_start3A_38 = tpu.memref_slice %arg8[%add3A_25, %dma_start3A_37] : memref<10240x128xf32, #tpu.memory_space<vmem_shared>> -> memref<128x128xf32, #tpu.memory_space<vmem_shared>>
      tpu.enqueue_dma source(%arg7 : memref<128x128xf32, #tpu.memory_space<vmem>>) target(%dma_start3A_38 : memref<128x128xf32, #tpu.memory_space<vmem_shared>>) target_semaphore(%run_scoped3A : memref<!tpu.dma_semaphore, #tpu.memory_space<semaphore_mem>>)
      %dma_wait3A = arith.constant 0 : i32
      %dma_wait3A_39 = tpu.memref_slice %arg8[%add3A_25, %dma_wait3A] : memref<10240x128xf32, #tpu.memory_space<vmem_shared>> -> memref<128x128xf32, #tpu.memory_space<vmem_shared>>
      %dma_wait3A_40 = arith.constant 0 : i32
      %dma_wait3A_41 = tpu.memref_slice %arg8[%add3A_25, %dma_wait3A_40] : memref<10240x128xf32, #tpu.memory_space<vmem_shared>> -> memref<128x128xf32, #tpu.memory_space<vmem_shared>>
      tpu.wait_dma2 semaphore(%run_scoped3A : memref<!tpu.dma_semaphore, #tpu.memory_space<semaphore_mem>>) src(%arg7 : memref<128x128xf32, #tpu.memory_space<vmem>>) dst(%dma_wait3A_41 : memref<128x128xf32, #tpu.memory_space<vmem_shared>>)
      tpu.yield
    }) : () -> ()
    %barrier3A = arith.constant 0 : index
    tpu.barrier barrier_id(%barrier3A)
    %scan3A_26 = arith.constant 0 : i32
    %scan3A_27 = arith.constant 79 : i32
    %scan3A_28 = arith.addi %scan3A_26, %scan3A_27 : i32
    %scan3A_29 = arith.constant 1 : i32
    scf.for %scan3A_36 = %scan3A_26 to %scan3A_28 step %scan3A_29  : i32 {
      %mul3A_37 = arith.constant 32 : i32
      %mul3A_38 = arith.muli %mul3A_37, %scan3A_36 : i32
      %add3A_39 = arith.addi %add3A, %mul3A_38 : i32
      %lt3A = arith.constant 2500 : i32
      %lt3A_40 = arith.cmpi slt, %add3A_39, %lt3A : i32
      %convert_element_type3A = arith.extui %lt3A_40 : i1 to i32
      %cond3A = arith.constant 0 : i32
      %cond3A_41 = arith.cmpi ne, %convert_element_type3A, %cond3A : i32
      scf.if %cond3A_41 {
        %mul3A_42 = arith.constant 128 : i32
        %mul3A_43 = arith.muli %add3A_39, %mul3A_42 : i32
        %run_scoped3A = arith.constant 0 : i32
        "tpu.region"() ({
          %run_scoped3A_51 = tpu.sem_alloc : memref<!tpu.dma_semaphore, #tpu.memory_space<semaphore_mem>>
          %dma_start3A_52 = tpu.memref_slice %arg3[%run_scoped3A, %mul3A_43] : memref<2x320000xi32, #tpu.memory_space<hbm>> -> memref<1x128xi32, #tpu.memory_space<hbm>>
          %dma_start3A_53 = tpu.memref_squeeze %dma_start3A_52 : memref<1x128xi32, #tpu.memory_space<hbm>> -> memref<128xi32, #tpu.memory_space<hbm>>
          %dma_start3A_54 = tpu.memref_slice %arg3[%run_scoped3A, %mul3A_43] : memref<2x320000xi32, #tpu.memory_space<hbm>> -> memref<1x128xi32, #tpu.memory_space<hbm>>
          %dma_start3A_55 = tpu.memref_squeeze %dma_start3A_54 : memref<1x128xi32, #tpu.memory_space<hbm>> -> memref<128xi32, #tpu.memory_space<hbm>>
          tpu.enqueue_dma source(%dma_start3A_55 : memref<128xi32, #tpu.memory_space<hbm>>) target(%arg5 : memref<128xi32, #tpu.memory_space<vmem>>) target_semaphore(%run_scoped3A_51 : memref<!tpu.dma_semaphore, #tpu.memory_space<semaphore_mem>>)
          %dma_wait3A_56 = tpu.memref_slice %arg3[%run_scoped3A, %mul3A_43] : memref<2x320000xi32, #tpu.memory_space<hbm>> -> memref<1x128xi32, #tpu.memory_space<hbm>>
          %dma_wait3A_57 = tpu.memref_squeeze %dma_wait3A_56 : memref<1x128xi32, #tpu.memory_space<hbm>> -> memref<128xi32, #tpu.memory_space<hbm>>
          %dma_wait3A_58 = tpu.memref_slice %arg3[%run_scoped3A, %mul3A_43] : memref<2x320000xi32, #tpu.memory_space<hbm>> -> memref<1x128xi32, #tpu.memory_space<hbm>>
          %dma_wait3A_59 = tpu.memref_squeeze %dma_wait3A_58 : memref<1x128xi32, #tpu.memory_space<hbm>> -> memref<128xi32, #tpu.memory_space<hbm>>
          tpu.wait_dma2 semaphore(%run_scoped3A_51 : memref<!tpu.dma_semaphore, #tpu.memory_space<semaphore_mem>>) src(%dma_wait3A_59 : memref<128xi32, #tpu.memory_space<hbm>>) dst(%arg5 : memref<128xi32, #tpu.memory_space<vmem>>)
          tpu.yield
        }) : () -> ()
        %mul3A_44 = arith.constant 128 : i32
        %mul3A_45 = arith.muli %add3A_39, %mul3A_44 : i32
        %run_scoped3A_46 = arith.constant 1 : i32
        "tpu.region"() ({
          %run_scoped3A_51 = tpu.sem_alloc : memref<!tpu.dma_semaphore, #tpu.memory_space<semaphore_mem>>
          %dma_start3A_52 = tpu.memref_slice %arg3[%run_scoped3A_46, %mul3A_45] : memref<2x320000xi32, #tpu.memory_space<hbm>> -> memref<1x128xi32, #tpu.memory_space<hbm>>
          %dma_start3A_53 = tpu.memref_squeeze %dma_start3A_52 : memref<1x128xi32, #tpu.memory_space<hbm>> -> memref<128xi32, #tpu.memory_space<hbm>>
          %dma_start3A_54 = tpu.memref_slice %arg3[%run_scoped3A_46, %mul3A_45] : memref<2x320000xi32, #tpu.memory_space<hbm>> -> memref<1x128xi32, #tpu.memory_space<hbm>>
          %dma_start3A_55 = tpu.memref_squeeze %dma_start3A_54 : memref<1x128xi32, #tpu.memory_space<hbm>> -> memref<128xi32, #tpu.memory_space<hbm>>
          tpu.enqueue_dma source(%dma_start3A_55 : memref<128xi32, #tpu.memory_space<hbm>>) target(%arg6 : memref<128xi32, #tpu.memory_space<vmem>>) target_semaphore(%run_scoped3A_51 : memref<!tpu.dma_semaphore, #tpu.memory_space<semaphore_mem>>)
          %dma_wait3A_56 = tpu.memref_slice %arg3[%run_scoped3A_46, %mul3A_45] : memref<2x320000xi32, #tpu.memory_space<hbm>> -> memref<1x128xi32, #tpu.memory_space<hbm>>
          %dma_wait3A_57 = tpu.memref_squeeze %dma_wait3A_56 : memref<1x128xi32, #tpu.memory_space<hbm>> -> memref<128xi32, #tpu.memory_space<hbm>>
          %dma_wait3A_58 = tpu.memref_slice %arg3[%run_scoped3A_46, %mul3A_45] : memref<2x320000xi32, #tpu.memory_space<hbm>> -> memref<1x128xi32, #tpu.memory_space<hbm>>
          %dma_wait3A_59 = tpu.memref_squeeze %dma_wait3A_58 : memref<1x128xi32, #tpu.memory_space<hbm>> -> memref<128xi32, #tpu.memory_space<hbm>>
          tpu.wait_dma2 semaphore(%run_scoped3A_51 : memref<!tpu.dma_semaphore, #tpu.memory_space<semaphore_mem>>) src(%dma_wait3A_59 : memref<128xi32, #tpu.memory_space<hbm>>) dst(%arg6 : memref<128xi32, #tpu.memory_space<vmem>>)
          tpu.yield
        }) : () -> ()
        %dma_start3A = arith.constant 0 : i32
        %dma_start3A_47 = arith.constant 0 : i32
        %dma_start3A_48 = tpu.memref_slice %arg2[%dma_start3A, %dma_start3A_47] : memref<10000x128xf32, #tpu.memory_space<hbm>> -> memref<10000x128xf32, #tpu.memory_space<hbm>>
        tpu.enqueue_indirect_dma source(%dma_start3A_48 : memref<10000x128xf32, #tpu.memory_space<hbm>>) target(%arg7 : memref<128x128xf32, #tpu.memory_space<vmem>>) offsets(%arg5 : memref<128xi32, #tpu.memory_space<vmem>>) semaphore(%arg9 : memref<!tpu.dma_semaphore, #tpu.memory_space<semaphore_mem>>)
        %dma_wait3A = arith.constant 0 : i32
        %dma_wait3A_49 = arith.constant 0 : i32
        %dma_wait3A_50 = tpu.memref_slice %arg2[%dma_wait3A, %dma_wait3A_49] : memref<10000x128xf32, #tpu.memory_space<hbm>> -> memref<10000x128xf32, #tpu.memory_space<hbm>>
        tpu.wait_indirect_dma semaphore(%arg9 : memref<!tpu.dma_semaphore, #tpu.memory_space<semaphore_mem>>) src(%dma_wait3A_50 : memref<10000x128xf32, #tpu.memory_space<hbm>>) dst(%arg7 : memref<128x128xf32, #tpu.memory_space<vmem>>)
        "tpu.region"() ({
          %run_scoped3A_51 = tpu.sem_alloc : memref<!tpu.dma_semaphore, #tpu.memory_space<semaphore_mem>>
          %dma_start3A_52 = arith.constant 0 : i32
          %dma_start3A_53 = arith.constant 0 : i32
          %dma_start3A_54 = tpu.memref_slice %arg8[%dma_start3A_52, %dma_start3A_53] : memref<10240x128xf32, #tpu.memory_space<vmem_shared>> -> memref<10240x128xf32, #tpu.memory_space<vmem_shared>>
          tpu.enqueue_indirect_dma source(%arg7 : memref<128x128xf32, #tpu.memory_space<vmem>>) target(%dma_start3A_54 : memref<10240x128xf32, #tpu.memory_space<vmem_shared>>) offsets(%arg6 : memref<128xi32, #tpu.memory_space<vmem>>) semaphore(%run_scoped3A_51 : memref<!tpu.dma_semaphore, #tpu.memory_space<semaphore_mem>>) {add = true}
          %dma_wait3A_55 = arith.constant 0 : i32
          %dma_wait3A_56 = arith.constant 0 : i32
          %dma_wait3A_57 = tpu.memref_slice %arg8[%dma_wait3A_55, %dma_wait3A_56] : memref<10240x128xf32, #tpu.memory_space<vmem_shared>> -> memref<10240x128xf32, #tpu.memory_space<vmem_shared>>
          tpu.wait_indirect_dma semaphore(%run_scoped3A_51 : memref<!tpu.dma_semaphore, #tpu.memory_space<semaphore_mem>>) src(%arg7 : memref<128x128xf32, #tpu.memory_space<vmem>>) dst(%dma_wait3A_57 : memref<10240x128xf32, #tpu.memory_space<vmem_shared>>)
          tpu.yield
        }) : () -> ()
      } else {
      }
    }
    %scan3A_30 = arith.constant 79 : i32
    %barrier3A_31 = arith.constant 0 : index
    tpu.barrier barrier_id(%barrier3A_31)
    %mul3A_32 = arith.constant 640 : i32
    %mul3A_33 = arith.muli %arg1, %mul3A_32 : i32
    %mul3A_34 = arith.constant 640 : i32
    %mul3A_35 = arith.muli %arg1, %mul3A_34 : i32
    "tpu.region"() ({
      %run_scoped3A = tpu.sem_alloc : memref<!tpu.dma_semaphore, #tpu.memory_space<semaphore_mem>>
      %dma_start3A = arith.constant 0 : i32
      %dma_start3A_36 = tpu.memref_slice %arg4[%arg0, %mul3A_35, %dma_start3A] : memref<2x10240x128xf32, #tpu.memory_space<hbm>> -> memref<1x640x128xf32, #tpu.memory_space<hbm>>
      %dma_start3A_37 = tpu.memref_squeeze %dma_start3A_36 : memref<1x640x128xf32, #tpu.memory_space<hbm>> -> memref<640x128xf32, #tpu.memory_space<hbm>>
      %dma_start3A_38 = arith.constant 0 : i32
      %dma_start3A_39 = tpu.memref_slice %arg8[%mul3A_33, %dma_start3A_38] : memref<10240x128xf32, #tpu.memory_space<vmem_shared>> -> memref<640x128xf32, #tpu.memory_space<vmem_shared>>
      tpu.enqueue_dma source(%dma_start3A_39 : memref<640x128xf32, #tpu.memory_space<vmem_shared>>) target(%dma_start3A_37 : memref<640x128xf32, #tpu.memory_space<hbm>>) target_semaphore(%run_scoped3A : memref<!tpu.dma_semaphore, #tpu.memory_space<semaphore_mem>>)
      %dma_wait3A = arith.constant 0 : i32
      %dma_wait3A_40 = tpu.memref_slice %arg4[%arg0, %mul3A_35, %dma_wait3A] : memref<2x10240x128xf32, #tpu.memory_space<hbm>> -> memref<1x640x128xf32, #tpu.memory_space<hbm>>
      %dma_wait3A_41 = tpu.memref_squeeze %dma_wait3A_40 : memref<1x640x128xf32, #tpu.memory_space<hbm>> -> memref<640x128xf32, #tpu.memory_space<hbm>>
      %dma_wait3A_42 = arith.constant 0 : i32
      %dma_wait3A_43 = tpu.memref_slice %arg8[%mul3A_33, %dma_wait3A_42] : memref<10240x128xf32, #tpu.memory_space<vmem_shared>> -> memref<640x128xf32, #tpu.memory_space<vmem_shared>>
      tpu.wait_dma2 semaphore(%run_scoped3A : memref<!tpu.dma_semaphore, #tpu.memory_space<semaphore_mem>>) src(%dma_wait3A_43 : memref<640x128xf32, #tpu.memory_space<vmem_shared>>) dst(%dma_wait3A_41 : memref<640x128xf32, #tpu.memory_space<hbm>>)
      tpu.yield
    }) : () -> ()
    return
  }
}

#map = affine_map<(d0, d1) -> (0, 0)>
#map1 = affine_map<(d0, d1) -> (0, 0, 0)>
module attributes {stable_mosaic.version = 14 : i64} {
  func.func @_scatter_body(%arg0: i32, %arg1: i32, %arg2: memref<10000x128xf32, #tpu.memory_space<hbm>>, %arg3: memref<2x320000xi32, #tpu.memory_space<hbm>>, %arg4: memref<2x10240x128xf32, #tpu.memory_space<hbm>>, %arg5: memref<128xi32, #tpu.memory_space<vmem>>, %arg6: memref<128xi32, #tpu.memory_space<vmem>>, %arg7: memref<128x128xf32, #tpu.memory_space<vmem>>, %arg8: memref<10240x128xf32, #tpu.memory_space<vmem_shared>>, %arg9: memref<!tpu.dma_semaphore, #tpu.memory_space<semaphore_mem>>) attributes {dimension_semantics = [#tpu.dimension_semantics<core_parallel>, #tpu.dimension_semantics<subcore_parallel>], iteration_bounds = array<i64: 2, 16>, scalar_prefetch = 0 : i64, scratch_operands = 5 : i64, tpu.core_type = #tpu.core_type<sc_vector_subcore>, window_params = [{transform_indices = #map}, {transform_indices = #map}, {transform_indices = #map1}]} {
    %mul3A = arith.constant 2 : i32
    %mul3A_0 = arith.muli %arg1, %mul3A : i32
    %add3A = arith.addi %mul3A_0, %arg0 : i32
    %broadcast_in_dim3A = arith.constant 0.000000e+00 : f32
    %broadcast_in_dim3A_1 = vector.broadcast %broadcast_in_dim3A : f32 to vector<16xf32>
    %scan3A = arith.constant 0 : i32
    %scan3A_2 = arith.constant 128 : i32
    %scan3A_3 = arith.addi %scan3A, %scan3A_2 : i32
    %scan3A_4 = arith.constant 1 : i32
    scf.for %scan3A_36 = %scan3A to %scan3A_3 step %scan3A_4  : i32 {
      %swap3A = arith.index_cast %scan3A_36 : i32 to index
      %swap3A_37 = arith.constant 0 : index
      %swap3A_38 = tpu.vector_load %arg7[%swap3A, %swap3A_37] {strides = array<i32>} : memref<128x128xf32, #tpu.memory_space<vmem>>, vector<16xf32>,
      tpu.vector_store %arg7[%swap3A, %swap3A_37], %broadcast_in_dim3A_1 {strides = array<i32>} : memref<128x128xf32, #tpu.memory_space<vmem>>, vector<16xf32>,
      %swap3A_39 = arith.index_cast %scan3A_36 : i32 to index
      %swap3A_40 = arith.constant 16 : index
      %swap3A_41 = tpu.vector_load %arg7[%swap3A_39, %swap3A_40] {strides = array<i32>} : memref<128x128xf32, #tpu.memory_space<vmem>>, vector<16xf32>,
      tpu.vector_store %arg7[%swap3A_39, %swap3A_40], %broadcast_in_dim3A_1 {strides = array<i32>} : memref<128x128xf32, #tpu.memory_space<vmem>>, vector<16xf32>,
      %swap3A_42 = arith.index_cast %scan3A_36 : i32 to index
      %swap3A_43 = arith.constant 32 : index
      %swap3A_44 = tpu.vector_load %arg7[%swap3A_42, %swap3A_43] {strides = array<i32>} : memref<128x128xf32, #tpu.memory_space<vmem>>, vector<16xf32>,
      tpu.vector_store %arg7[%swap3A_42, %swap3A_43], %broadcast_in_dim3A_1 {strides = array<i32>} : memref<128x128xf32, #tpu.memory_space<vmem>>, vector<16xf32>,
      %swap3A_45 = arith.index_cast %scan3A_36 : i32 to index
      %swap3A_46 = arith.constant 48 : index
      %swap3A_47 = tpu.vector_load %arg7[%swap3A_45, %swap3A_46] {strides = array<i32>} : memref<128x128xf32, #tpu.memory_space<vmem>>, vector<16xf32>,
      tpu.vector_store %arg7[%swap3A_45, %swap3A_46], %broadcast_in_dim3A_1 {strides = array<i32>} : memref<128x128xf32, #tpu.memory_space<vmem>>, vector<16xf32>,
      %swap3A_48 = arith.index_cast %scan3A_36 : i32 to index
      %swap3A_49 = arith.constant 64 : index
      %swap3A_50 = tpu.vector_load %arg7[%swap3A_48, %swap3A_49] {strides = array<i32>} : memref<128x128xf32, #tpu.memory_space<vmem>>, vector<16xf32>,
      tpu.vector_store %arg7[%swap3A_48, %swap3A_49], %broadcast_in_dim3A_1 {strides = array<i32>} : memref<128x128xf32, #tpu.memory_space<vmem>>, vector<16xf32>,
      %swap3A_51 = arith.index_cast %scan3A_36 : i32 to index
      %swap3A_52 = arith.constant 80 : index
      %swap3A_53 = tpu.vector_load %arg7[%swap3A_51, %swap3A_52] {strides = array<i32>} : memref<128x128xf32, #tpu.memory_space<vmem>>, vector<16xf32>,
      tpu.vector_store %arg7[%swap3A_51, %swap3A_52], %broadcast_in_dim3A_1 {strides = array<i32>} : memref<128x128xf32, #tpu.memory_space<vmem>>, vector<16xf32>,
      %swap3A_54 = arith.index_cast %scan3A_36 : i32 to index
      %swap3A_55 = arith.constant 96 : index
      %swap3A_56 = tpu.vector_load %arg7[%swap3A_54, %swap3A_55] {strides = array<i32>} : memref<128x128xf32, #tpu.memory_space<vmem>>, vector<16xf32>,
      tpu.vector_store %arg7[%swap3A_54, %swap3A_55], %broadcast_in_dim3A_1 {strides = array<i32>} : memref<128x128xf32, #tpu.memory_space<vmem>>, vector<16xf32>,
      %swap3A_57 = arith.index_cast %scan3A_36 : i32 to index
      %swap3A_58 = arith.constant 112 : index
      %swap3A_59 = tpu.vector_load %arg7[%swap3A_57, %swap3A_58] {strides = array<i32>} : memref<128x128xf32, #tpu.memory_space<vmem>>, vector<16xf32>,
      tpu.vector_store %arg7[%swap3A_57, %swap3A_58], %broadcast_in_dim3A_1 {strides = array<i32>} : memref<128x128xf32, #tpu.memory_space<vmem>>, vector<16xf32>,
    }
    %scan3A_5 = arith.constant 128 : i32
    %mul3A_6 = arith.constant 640 : i32
    %mul3A_7 = arith.muli %arg1, %mul3A_6 : i32
    %add3A_8 = arith.constant 0 : i32
    %add3A_9 = arith.addi %mul3A_7, %add3A_8 : i32
    "tpu.region"() ({
      %run_scoped3A = tpu.sem_alloc : memref<!tpu.dma_semaphore, #tpu.memory_space<semaphore_mem>>
      %dma_start3A = arith.constant 0 : i32
      %dma_start3A_36 = tpu.memref_slice %arg8[%add3A_9, %dma_start3A] : memref<10240x128xf32, #tpu.memory_space<vmem_shared>> -> memref<128x128xf32, #tpu.memory_space<vmem_shared>>
      %dma_start3A_37 = arith.constant 0 : i32
      %dma_start3A_38 = tpu.memref_slice %arg8[%add3A_9, %dma_start3A_37] : memref<10240x128xf32, #tpu.memory_space<vmem_shared>> -> memref<128x128xf32, #tpu.memory_space<vmem_shared>>
      tpu.enqueue_dma source(%arg7 : memref<128x128xf32, #tpu.memory_space<vmem>>) target(%dma_start3A_38 : memref<128x128xf32, #tpu.memory_space<vmem_shared>>) target_semaphore(%run_scoped3A : memref<!tpu.dma_semaphore, #tpu.memory_space<semaphore_mem>>)
      %dma_wait3A = arith.constant 0 : i32
      %dma_wait3A_39 = tpu.memref_slice %arg8[%add3A_9, %dma_wait3A] : memref<10240x128xf32, #tpu.memory_space<vmem_shared>> -> memref<128x128xf32, #tpu.memory_space<vmem_shared>>
      %dma_wait3A_40 = arith.constant 0 : i32
      %dma_wait3A_41 = tpu.memref_slice %arg8[%add3A_9, %dma_wait3A_40] : memref<10240x128xf32, #tpu.memory_space<vmem_shared>> -> memref<128x128xf32, #tpu.memory_space<vmem_shared>>
      tpu.wait_dma2 semaphore(%run_scoped3A : memref<!tpu.dma_semaphore, #tpu.memory_space<semaphore_mem>>) src(%arg7 : memref<128x128xf32, #tpu.memory_space<vmem>>) dst(%dma_wait3A_41 : memref<128x128xf32, #tpu.memory_space<vmem_shared>>)
      tpu.yield
    }) : () -> ()
    %mul3A_10 = arith.constant 640 : i32
    %mul3A_11 = arith.muli %arg1, %mul3A_10 : i32
    %add3A_12 = arith.constant 128 : i32
    %add3A_13 = arith.addi %mul3A_11, %add3A_12 : i32
    "tpu.region"() ({
      %run_scoped3A = tpu.sem_alloc : memref<!tpu.dma_semaphore, #tpu.memory_space<semaphore_mem>>
      %dma_start3A = arith.constant 0 : i32
      %dma_start3A_36 = tpu.memref_slice %arg8[%add3A_13, %dma_start3A] : memref<10240x128xf32, #tpu.memory_space<vmem_shared>> -> memref<128x128xf32, #tpu.memory_space<vmem_shared>>
      %dma_start3A_37 = arith.constant 0 : i32
      %dma_start3A_38 = tpu.memref_slice %arg8[%add3A_13, %dma_start3A_37] : memref<10240x128xf32, #tpu.memory_space<vmem_shared>> -> memref<128x128xf32, #tpu.memory_space<vmem_shared>>
      tpu.enqueue_dma source(%arg7 : memref<128x128xf32, #tpu.memory_space<vmem>>) target(%dma_start3A_38 : memref<128x128xf32, #tpu.memory_space<vmem_shared>>) target_semaphore(%run_scoped3A : memref<!tpu.dma_semaphore, #tpu.memory_space<semaphore_mem>>)
      %dma_wait3A = arith.constant 0 : i32
      %dma_wait3A_39 = tpu.memref_slice %arg8[%add3A_13, %dma_wait3A] : memref<10240x128xf32, #tpu.memory_space<vmem_shared>> -> memref<128x128xf32, #tpu.memory_space<vmem_shared>>
      %dma_wait3A_40 = arith.constant 0 : i32
      %dma_wait3A_41 = tpu.memref_slice %arg8[%add3A_13, %dma_wait3A_40] : memref<10240x128xf32, #tpu.memory_space<vmem_shared>> -> memref<128x128xf32, #tpu.memory_space<vmem_shared>>
      tpu.wait_dma2 semaphore(%run_scoped3A : memref<!tpu.dma_semaphore, #tpu.memory_space<semaphore_mem>>) src(%arg7 : memref<128x128xf32, #tpu.memory_space<vmem>>) dst(%dma_wait3A_41 : memref<128x128xf32, #tpu.memory_space<vmem_shared>>)
      tpu.yield
    }) : () -> ()
    %mul3A_14 = arith.constant 640 : i32
    %mul3A_15 = arith.muli %arg1, %mul3A_14 : i32
    %add3A_16 = arith.constant 256 : i32
    %add3A_17 = arith.addi %mul3A_15, %add3A_16 : i32
    "tpu.region"() ({
      %run_scoped3A = tpu.sem_alloc : memref<!tpu.dma_semaphore, #tpu.memory_space<semaphore_mem>>
      %dma_start3A = arith.constant 0 : i32
      %dma_start3A_36 = tpu.memref_slice %arg8[%add3A_17, %dma_start3A] : memref<10240x128xf32, #tpu.memory_space<vmem_shared>> -> memref<128x128xf32, #tpu.memory_space<vmem_shared>>
      %dma_start3A_37 = arith.constant 0 : i32
      %dma_start3A_38 = tpu.memref_slice %arg8[%add3A_17, %dma_start3A_37] : memref<10240x128xf32, #tpu.memory_space<vmem_shared>> -> memref<128x128xf32, #tpu.memory_space<vmem_shared>>
      tpu.enqueue_dma source(%arg7 : memref<128x128xf32, #tpu.memory_space<vmem>>) target(%dma_start3A_38 : memref<128x128xf32, #tpu.memory_space<vmem_shared>>) target_semaphore(%run_scoped3A : memref<!tpu.dma_semaphore, #tpu.memory_space<semaphore_mem>>)
      %dma_wait3A = arith.constant 0 : i32
      %dma_wait3A_39 = tpu.memref_slice %arg8[%add3A_17, %dma_wait3A] : memref<10240x128xf32, #tpu.memory_space<vmem_shared>> -> memref<128x128xf32, #tpu.memory_space<vmem_shared>>
      %dma_wait3A_40 = arith.constant 0 : i32
      %dma_wait3A_41 = tpu.memref_slice %arg8[%add3A_17, %dma_wait3A_40] : memref<10240x128xf32, #tpu.memory_space<vmem_shared>> -> memref<128x128xf32, #tpu.memory_space<vmem_shared>>
      tpu.wait_dma2 semaphore(%run_scoped3A : memref<!tpu.dma_semaphore, #tpu.memory_space<semaphore_mem>>) src(%arg7 : memref<128x128xf32, #tpu.memory_space<vmem>>) dst(%dma_wait3A_41 : memref<128x128xf32, #tpu.memory_space<vmem_shared>>)
      tpu.yield
    }) : () -> ()
    %mul3A_18 = arith.constant 640 : i32
    %mul3A_19 = arith.muli %arg1, %mul3A_18 : i32
    %add3A_20 = arith.constant 384 : i32
    %add3A_21 = arith.addi %mul3A_19, %add3A_20 : i32
    "tpu.region"() ({
      %run_scoped3A = tpu.sem_alloc : memref<!tpu.dma_semaphore, #tpu.memory_space<semaphore_mem>>
      %dma_start3A = arith.constant 0 : i32
      %dma_start3A_36 = tpu.memref_slice %arg8[%add3A_21, %dma_start3A] : memref<10240x128xf32, #tpu.memory_space<vmem_shared>> -> memref<128x128xf32, #tpu.memory_space<vmem_shared>>
      %dma_start3A_37 = arith.constant 0 : i32
      %dma_start3A_38 = tpu.memref_slice %arg8[%add3A_21, %dma_start3A_37] : memref<10240x128xf32, #tpu.memory_space<vmem_shared>> -> memref<128x128xf32, #tpu.memory_space<vmem_shared>>
      tpu.enqueue_dma source(%arg7 : memref<128x128xf32, #tpu.memory_space<vmem>>) target(%dma_start3A_38 : memref<128x128xf32, #tpu.memory_space<vmem_shared>>) target_semaphore(%run_scoped3A : memref<!tpu.dma_semaphore, #tpu.memory_space<semaphore_mem>>)
      %dma_wait3A = arith.constant 0 : i32
      %dma_wait3A_39 = tpu.memref_slice %arg8[%add3A_21, %dma_wait3A] : memref<10240x128xf32, #tpu.memory_space<vmem_shared>> -> memref<128x128xf32, #tpu.memory_space<vmem_shared>>
      %dma_wait3A_40 = arith.constant 0 : i32
      %dma_wait3A_41 = tpu.memref_slice %arg8[%add3A_21, %dma_wait3A_40] : memref<10240x128xf32, #tpu.memory_space<vmem_shared>> -> memref<128x128xf32, #tpu.memory_space<vmem_shared>>
      tpu.wait_dma2 semaphore(%run_scoped3A : memref<!tpu.dma_semaphore, #tpu.memory_space<semaphore_mem>>) src(%arg7 : memref<128x128xf32, #tpu.memory_space<vmem>>) dst(%dma_wait3A_41 : memref<128x128xf32, #tpu.memory_space<vmem_shared>>)
      tpu.yield
    }) : () -> ()
    %mul3A_22 = arith.constant 640 : i32
    %mul3A_23 = arith.muli %arg1, %mul3A_22 : i32
    %add3A_24 = arith.constant 512 : i32
    %add3A_25 = arith.addi %mul3A_23, %add3A_24 : i32
    "tpu.region"() ({
      %run_scoped3A = tpu.sem_alloc : memref<!tpu.dma_semaphore, #tpu.memory_space<semaphore_mem>>
      %dma_start3A = arith.constant 0 : i32
      %dma_start3A_36 = tpu.memref_slice %arg8[%add3A_25, %dma_start3A] : memref<10240x128xf32, #tpu.memory_space<vmem_shared>> -> memref<128x128xf32, #tpu.memory_space<vmem_shared>>
      %dma_start3A_37 = arith.constant 0 : i32
      %dma_start3A_38 = tpu.memref_slice %arg8[%add3A_25, %dma_start3A_37] : memref<10240x128xf32, #tpu.memory_space<vmem_shared>> -> memref<128x128xf32, #tpu.memory_space<vmem_shared>>
      tpu.enqueue_dma source(%arg7 : memref<128x128xf32, #tpu.memory_space<vmem>>) target(%dma_start3A_38 : memref<128x128xf32, #tpu.memory_space<vmem_shared>>) target_semaphore(%run_scoped3A : memref<!tpu.dma_semaphore, #tpu.memory_space<semaphore_mem>>)
      %dma_wait3A = arith.constant 0 : i32
      %dma_wait3A_39 = tpu.memref_slice %arg8[%add3A_25, %dma_wait3A] : memref<10240x128xf32, #tpu.memory_space<vmem_shared>> -> memref<128x128xf32, #tpu.memory_space<vmem_shared>>
      %dma_wait3A_40 = arith.constant 0 : i32
      %dma_wait3A_41 = tpu.memref_slice %arg8[%add3A_25, %dma_wait3A_40] : memref<10240x128xf32, #tpu.memory_space<vmem_shared>> -> memref<128x128xf32, #tpu.memory_space<vmem_shared>>
      tpu.wait_dma2 semaphore(%run_scoped3A : memref<!tpu.dma_semaphore, #tpu.memory_space<semaphore_mem>>) src(%arg7 : memref<128x128xf32, #tpu.memory_space<vmem>>) dst(%dma_wait3A_41 : memref<128x128xf32, #tpu.memory_space<vmem_shared>>)
      tpu.yield
    }) : () -> ()
    %barrier3A = arith.constant 0 : index
    tpu.barrier barrier_id(%barrier3A)
    %scan3A_26 = arith.constant 0 : i32
    %scan3A_27 = arith.constant 79 : i32
    %scan3A_28 = arith.addi %scan3A_26, %scan3A_27 : i32
    %scan3A_29 = arith.constant 1 : i32
    scf.for %scan3A_36 = %scan3A_26 to %scan3A_28 step %scan3A_29  : i32 {
      %mul3A_37 = arith.constant 32 : i32
      %mul3A_38 = arith.muli %mul3A_37, %scan3A_36 : i32
      %add3A_39 = arith.addi %add3A, %mul3A_38 : i32
      %lt3A = arith.constant 2500 : i32
      %lt3A_40 = arith.cmpi slt, %add3A_39, %lt3A : i32
      %convert_element_type3A = arith.extui %lt3A_40 : i1 to i32
      %cond3A = arith.constant 0 : i32
      %cond3A_41 = arith.cmpi ne, %convert_element_type3A, %cond3A : i32
      scf.if %cond3A_41 {
        %mul3A_42 = arith.constant 128 : i32
        %mul3A_43 = arith.muli %add3A_39, %mul3A_42 : i32
        %run_scoped3A = arith.constant 1 : i32
        "tpu.region"() ({
          %run_scoped3A_51 = tpu.sem_alloc : memref<!tpu.dma_semaphore, #tpu.memory_space<semaphore_mem>>
          %dma_start3A_52 = tpu.memref_slice %arg3[%run_scoped3A, %mul3A_43] : memref<2x320000xi32, #tpu.memory_space<hbm>> -> memref<1x128xi32, #tpu.memory_space<hbm>>
          %dma_start3A_53 = tpu.memref_squeeze %dma_start3A_52 : memref<1x128xi32, #tpu.memory_space<hbm>> -> memref<128xi32, #tpu.memory_space<hbm>>
          %dma_start3A_54 = tpu.memref_slice %arg3[%run_scoped3A, %mul3A_43] : memref<2x320000xi32, #tpu.memory_space<hbm>> -> memref<1x128xi32, #tpu.memory_space<hbm>>
          %dma_start3A_55 = tpu.memref_squeeze %dma_start3A_54 : memref<1x128xi32, #tpu.memory_space<hbm>> -> memref<128xi32, #tpu.memory_space<hbm>>
          tpu.enqueue_dma source(%dma_start3A_55 : memref<128xi32, #tpu.memory_space<hbm>>) target(%arg5 : memref<128xi32, #tpu.memory_space<vmem>>) target_semaphore(%run_scoped3A_51 : memref<!tpu.dma_semaphore, #tpu.memory_space<semaphore_mem>>)
          %dma_wait3A_56 = tpu.memref_slice %arg3[%run_scoped3A, %mul3A_43] : memref<2x320000xi32, #tpu.memory_space<hbm>> -> memref<1x128xi32, #tpu.memory_space<hbm>>
          %dma_wait3A_57 = tpu.memref_squeeze %dma_wait3A_56 : memref<1x128xi32, #tpu.memory_space<hbm>> -> memref<128xi32, #tpu.memory_space<hbm>>
          %dma_wait3A_58 = tpu.memref_slice %arg3[%run_scoped3A, %mul3A_43] : memref<2x320000xi32, #tpu.memory_space<hbm>> -> memref<1x128xi32, #tpu.memory_space<hbm>>
          %dma_wait3A_59 = tpu.memref_squeeze %dma_wait3A_58 : memref<1x128xi32, #tpu.memory_space<hbm>> -> memref<128xi32, #tpu.memory_space<hbm>>
          tpu.wait_dma2 semaphore(%run_scoped3A_51 : memref<!tpu.dma_semaphore, #tpu.memory_space<semaphore_mem>>) src(%dma_wait3A_59 : memref<128xi32, #tpu.memory_space<hbm>>) dst(%arg5 : memref<128xi32, #tpu.memory_space<vmem>>)
          tpu.yield
        }) : () -> ()
        %mul3A_44 = arith.constant 128 : i32
        %mul3A_45 = arith.muli %add3A_39, %mul3A_44 : i32
        %run_scoped3A_46 = arith.constant 0 : i32
        "tpu.region"() ({
          %run_scoped3A_51 = tpu.sem_alloc : memref<!tpu.dma_semaphore, #tpu.memory_space<semaphore_mem>>
          %dma_start3A_52 = tpu.memref_slice %arg3[%run_scoped3A_46, %mul3A_45] : memref<2x320000xi32, #tpu.memory_space<hbm>> -> memref<1x128xi32, #tpu.memory_space<hbm>>
          %dma_start3A_53 = tpu.memref_squeeze %dma_start3A_52 : memref<1x128xi32, #tpu.memory_space<hbm>> -> memref<128xi32, #tpu.memory_space<hbm>>
          %dma_start3A_54 = tpu.memref_slice %arg3[%run_scoped3A_46, %mul3A_45] : memref<2x320000xi32, #tpu.memory_space<hbm>> -> memref<1x128xi32, #tpu.memory_space<hbm>>
          %dma_start3A_55 = tpu.memref_squeeze %dma_start3A_54 : memref<1x128xi32, #tpu.memory_space<hbm>> -> memref<128xi32, #tpu.memory_space<hbm>>
          tpu.enqueue_dma source(%dma_start3A_55 : memref<128xi32, #tpu.memory_space<hbm>>) target(%arg6 : memref<128xi32, #tpu.memory_space<vmem>>) target_semaphore(%run_scoped3A_51 : memref<!tpu.dma_semaphore, #tpu.memory_space<semaphore_mem>>)
          %dma_wait3A_56 = tpu.memref_slice %arg3[%run_scoped3A_46, %mul3A_45] : memref<2x320000xi32, #tpu.memory_space<hbm>> -> memref<1x128xi32, #tpu.memory_space<hbm>>
          %dma_wait3A_57 = tpu.memref_squeeze %dma_wait3A_56 : memref<1x128xi32, #tpu.memory_space<hbm>> -> memref<128xi32, #tpu.memory_space<hbm>>
          %dma_wait3A_58 = tpu.memref_slice %arg3[%run_scoped3A_46, %mul3A_45] : memref<2x320000xi32, #tpu.memory_space<hbm>> -> memref<1x128xi32, #tpu.memory_space<hbm>>
          %dma_wait3A_59 = tpu.memref_squeeze %dma_wait3A_58 : memref<1x128xi32, #tpu.memory_space<hbm>> -> memref<128xi32, #tpu.memory_space<hbm>>
          tpu.wait_dma2 semaphore(%run_scoped3A_51 : memref<!tpu.dma_semaphore, #tpu.memory_space<semaphore_mem>>) src(%dma_wait3A_59 : memref<128xi32, #tpu.memory_space<hbm>>) dst(%arg6 : memref<128xi32, #tpu.memory_space<vmem>>)
          tpu.yield
        }) : () -> ()
        %dma_start3A = arith.constant 0 : i32
        %dma_start3A_47 = arith.constant 0 : i32
        %dma_start3A_48 = tpu.memref_slice %arg2[%dma_start3A, %dma_start3A_47] : memref<10000x128xf32, #tpu.memory_space<hbm>> -> memref<10000x128xf32, #tpu.memory_space<hbm>>
        tpu.enqueue_indirect_dma source(%dma_start3A_48 : memref<10000x128xf32, #tpu.memory_space<hbm>>) target(%arg7 : memref<128x128xf32, #tpu.memory_space<vmem>>) offsets(%arg5 : memref<128xi32, #tpu.memory_space<vmem>>) semaphore(%arg9 : memref<!tpu.dma_semaphore, #tpu.memory_space<semaphore_mem>>)
        %dma_wait3A = arith.constant 0 : i32
        %dma_wait3A_49 = arith.constant 0 : i32
        %dma_wait3A_50 = tpu.memref_slice %arg2[%dma_wait3A, %dma_wait3A_49] : memref<10000x128xf32, #tpu.memory_space<hbm>> -> memref<10000x128xf32, #tpu.memory_space<hbm>>
        tpu.wait_indirect_dma semaphore(%arg9 : memref<!tpu.dma_semaphore, #tpu.memory_space<semaphore_mem>>) src(%dma_wait3A_50 : memref<10000x128xf32, #tpu.memory_space<hbm>>) dst(%arg7 : memref<128x128xf32, #tpu.memory_space<vmem>>)
        "tpu.region"() ({
          %run_scoped3A_51 = tpu.sem_alloc : memref<!tpu.dma_semaphore, #tpu.memory_space<semaphore_mem>>
          %dma_start3A_52 = arith.constant 0 : i32
          %dma_start3A_53 = arith.constant 0 : i32
          %dma_start3A_54 = tpu.memref_slice %arg8[%dma_start3A_52, %dma_start3A_53] : memref<10240x128xf32, #tpu.memory_space<vmem_shared>> -> memref<10240x128xf32, #tpu.memory_space<vmem_shared>>
          tpu.enqueue_indirect_dma source(%arg7 : memref<128x128xf32, #tpu.memory_space<vmem>>) target(%dma_start3A_54 : memref<10240x128xf32, #tpu.memory_space<vmem_shared>>) offsets(%arg6 : memref<128xi32, #tpu.memory_space<vmem>>) semaphore(%run_scoped3A_51 : memref<!tpu.dma_semaphore, #tpu.memory_space<semaphore_mem>>) {add = true}
          %dma_wait3A_55 = arith.constant 0 : i32
          %dma_wait3A_56 = arith.constant 0 : i32
          %dma_wait3A_57 = tpu.memref_slice %arg8[%dma_wait3A_55, %dma_wait3A_56] : memref<10240x128xf32, #tpu.memory_space<vmem_shared>> -> memref<10240x128xf32, #tpu.memory_space<vmem_shared>>
          tpu.wait_indirect_dma semaphore(%run_scoped3A_51 : memref<!tpu.dma_semaphore, #tpu.memory_space<semaphore_mem>>) src(%arg7 : memref<128x128xf32, #tpu.memory_space<vmem>>) dst(%dma_wait3A_57 : memref<10240x128xf32, #tpu.memory_space<vmem_shared>>)
          tpu.yield
        }) : () -> ()
      } else {
      }
    }
    %scan3A_30 = arith.constant 79 : i32
    %barrier3A_31 = arith.constant 0 : index
    tpu.barrier barrier_id(%barrier3A_31)
    %mul3A_32 = arith.constant 640 : i32
    %mul3A_33 = arith.muli %arg1, %mul3A_32 : i32
    %mul3A_34 = arith.constant 640 : i32
    %mul3A_35 = arith.muli %arg1, %mul3A_34 : i32
    "tpu.region"() ({
      %run_scoped3A = tpu.sem_alloc : memref<!tpu.dma_semaphore, #tpu.memory_space<semaphore_mem>>
      %dma_start3A = arith.constant 0 : i32
      %dma_start3A_36 = tpu.memref_slice %arg4[%arg0, %mul3A_35, %dma_start3A] : memref<2x10240x128xf32, #tpu.memory_space<hbm>> -> memref<1x640x128xf32, #tpu.memory_space<hbm>>
      %dma_start3A_37 = tpu.memref_squeeze %dma_start3A_36 : memref<1x640x128xf32, #tpu.memory_space<hbm>> -> memref<640x128xf32, #tpu.memory_space<hbm>>
      %dma_start3A_38 = arith.constant 0 : i32
      %dma_start3A_39 = tpu.memref_slice %arg8[%mul3A_33, %dma_start3A_38] : memref<10240x128xf32, #tpu.memory_space<vmem_shared>> -> memref<640x128xf32, #tpu.memory_space<vmem_shared>>
      tpu.enqueue_dma source(%dma_start3A_39 : memref<640x128xf32, #tpu.memory_space<vmem_shared>>) target(%dma_start3A_37 : memref<640x128xf32, #tpu.memory_space<hbm>>) target_semaphore(%run_scoped3A : memref<!tpu.dma_semaphore, #tpu.memory_space<semaphore_mem>>)
      %dma_wait3A = arith.constant 0 : i32
      %dma_wait3A_40 = tpu.memref_slice %arg4[%arg0, %mul3A_35, %dma_wait3A] : memref<2x10240x128xf32, #tpu.memory_space<hbm>> -> memref<1x640x128xf32, #tpu.memory_space<hbm>>
      %dma_wait3A_41 = tpu.memref_squeeze %dma_wait3A_40 : memref<1x640x128xf32, #tpu.memory_space<hbm>> -> memref<640x128xf32, #tpu.memory_space<hbm>>
      %dma_wait3A_42 = arith.constant 0 : i32
      %dma_wait3A_43 = tpu.memref_slice %arg8[%mul3A_33, %dma_wait3A_42] : memref<10240x128xf32, #tpu.memory_space<vmem_shared>> -> memref<640x128xf32, #tpu.memory_space<vmem_shared>>
      tpu.wait_dma2 semaphore(%run_scoped3A : memref<!tpu.dma_semaphore, #tpu.memory_space<semaphore_mem>>) src(%dma_wait3A_43 : memref<640x128xf32, #tpu.memory_space<vmem_shared>>) dst(%dma_wait3A_41 : memref<640x128xf32, #tpu.memory_space<hbm>>)
      tpu.yield
    }) : () -> ()
    return
  }
}

#map = affine_map<(d0, d1) -> (0, 0)>
#map1 = affine_map<(d0, d1) -> (0, 0, 0)>
module attributes {stable_mosaic.version = 14 : i64} {
  func.func @_scatter_body(%arg0: i32, %arg1: i32, %arg2: memref<10000x128xf32, #tpu.memory_space<hbm>>, %arg3: memref<2x320000xi32, #tpu.memory_space<hbm>>, %arg4: memref<2x10240x128xf32, #tpu.memory_space<hbm>>, %arg5: memref<128xi32, #tpu.memory_space<vmem>>, %arg6: memref<128xi32, #tpu.memory_space<vmem>>, %arg7: memref<128x128xf32, #tpu.memory_space<vmem>>, %arg8: memref<10240x128xf32, #tpu.memory_space<vmem_shared>>, %arg9: memref<!tpu.dma_semaphore, #tpu.memory_space<semaphore_mem>>) attributes {dimension_semantics = [#tpu.dimension_semantics<core_parallel>, #tpu.dimension_semantics<subcore_parallel>], iteration_bounds = array<i64: 2, 16>, scalar_prefetch = 0 : i64, scratch_operands = 5 : i64, tpu.core_type = #tpu.core_type<sc_vector_subcore>, window_params = [{transform_indices = #map}, {transform_indices = #map}, {transform_indices = #map1}]} {
    %mul3A = arith.constant 2 : i32
    %mul3A_0 = arith.muli %arg1, %mul3A : i32
    %add3A = arith.addi %mul3A_0, %arg0 : i32
    %broadcast_in_dim3A = arith.constant 0.000000e+00 : f32
    %broadcast_in_dim3A_1 = vector.broadcast %broadcast_in_dim3A : f32 to vector<16xf32>
    %scan3A = arith.constant 0 : i32
    %scan3A_2 = arith.constant 128 : i32
    %scan3A_3 = arith.addi %scan3A, %scan3A_2 : i32
    %scan3A_4 = arith.constant 1 : i32
    scf.for %scan3A_36 = %scan3A to %scan3A_3 step %scan3A_4  : i32 {
      %swap3A = arith.index_cast %scan3A_36 : i32 to index
      %swap3A_37 = arith.constant 0 : index
      %swap3A_38 = tpu.vector_load %arg7[%swap3A, %swap3A_37] {strides = array<i32>} : memref<128x128xf32, #tpu.memory_space<vmem>>, vector<16xf32>,
      tpu.vector_store %arg7[%swap3A, %swap3A_37], %broadcast_in_dim3A_1 {strides = array<i32>} : memref<128x128xf32, #tpu.memory_space<vmem>>, vector<16xf32>,
      %swap3A_39 = arith.index_cast %scan3A_36 : i32 to index
      %swap3A_40 = arith.constant 16 : index
      %swap3A_41 = tpu.vector_load %arg7[%swap3A_39, %swap3A_40] {strides = array<i32>} : memref<128x128xf32, #tpu.memory_space<vmem>>, vector<16xf32>,
      tpu.vector_store %arg7[%swap3A_39, %swap3A_40], %broadcast_in_dim3A_1 {strides = array<i32>} : memref<128x128xf32, #tpu.memory_space<vmem>>, vector<16xf32>,
      %swap3A_42 = arith.index_cast %scan3A_36 : i32 to index
      %swap3A_43 = arith.constant 32 : index
      %swap3A_44 = tpu.vector_load %arg7[%swap3A_42, %swap3A_43] {strides = array<i32>} : memref<128x128xf32, #tpu.memory_space<vmem>>, vector<16xf32>,
      tpu.vector_store %arg7[%swap3A_42, %swap3A_43], %broadcast_in_dim3A_1 {strides = array<i32>} : memref<128x128xf32, #tpu.memory_space<vmem>>, vector<16xf32>,
      %swap3A_45 = arith.index_cast %scan3A_36 : i32 to index
      %swap3A_46 = arith.constant 48 : index
      %swap3A_47 = tpu.vector_load %arg7[%swap3A_45, %swap3A_46] {strides = array<i32>} : memref<128x128xf32, #tpu.memory_space<vmem>>, vector<16xf32>,
      tpu.vector_store %arg7[%swap3A_45, %swap3A_46], %broadcast_in_dim3A_1 {strides = array<i32>} : memref<128x128xf32, #tpu.memory_space<vmem>>, vector<16xf32>,
      %swap3A_48 = arith.index_cast %scan3A_36 : i32 to index
      %swap3A_49 = arith.constant 64 : index
      %swap3A_50 = tpu.vector_load %arg7[%swap3A_48, %swap3A_49] {strides = array<i32>} : memref<128x128xf32, #tpu.memory_space<vmem>>, vector<16xf32>,
      tpu.vector_store %arg7[%swap3A_48, %swap3A_49], %broadcast_in_dim3A_1 {strides = array<i32>} : memref<128x128xf32, #tpu.memory_space<vmem>>, vector<16xf32>,
      %swap3A_51 = arith.index_cast %scan3A_36 : i32 to index
      %swap3A_52 = arith.constant 80 : index
      %swap3A_53 = tpu.vector_load %arg7[%swap3A_51, %swap3A_52] {strides = array<i32>} : memref<128x128xf32, #tpu.memory_space<vmem>>, vector<16xf32>,
      tpu.vector_store %arg7[%swap3A_51, %swap3A_52], %broadcast_in_dim3A_1 {strides = array<i32>} : memref<128x128xf32, #tpu.memory_space<vmem>>, vector<16xf32>,
      %swap3A_54 = arith.index_cast %scan3A_36 : i32 to index
      %swap3A_55 = arith.constant 96 : index
      %swap3A_56 = tpu.vector_load %arg7[%swap3A_54, %swap3A_55] {strides = array<i32>} : memref<128x128xf32, #tpu.memory_space<vmem>>, vector<16xf32>,
      tpu.vector_store %arg7[%swap3A_54, %swap3A_55], %broadcast_in_dim3A_1 {strides = array<i32>} : memref<128x128xf32, #tpu.memory_space<vmem>>, vector<16xf32>,
      %swap3A_57 = arith.index_cast %scan3A_36 : i32 to index
      %swap3A_58 = arith.constant 112 : index
      %swap3A_59 = tpu.vector_load %arg7[%swap3A_57, %swap3A_58] {strides = array<i32>} : memref<128x128xf32, #tpu.memory_space<vmem>>, vector<16xf32>,
      tpu.vector_store %arg7[%swap3A_57, %swap3A_58], %broadcast_in_dim3A_1 {strides = array<i32>} : memref<128x128xf32, #tpu.memory_space<vmem>>, vector<16xf32>,
    }
    %scan3A_5 = arith.constant 128 : i32
    %mul3A_6 = arith.constant 640 : i32
    %mul3A_7 = arith.muli %arg1, %mul3A_6 : i32
    %add3A_8 = arith.constant 0 : i32
    %add3A_9 = arith.addi %mul3A_7, %add3A_8 : i32
    "tpu.region"() ({
      %run_scoped3A = tpu.sem_alloc : memref<!tpu.dma_semaphore, #tpu.memory_space<semaphore_mem>>
      %dma_start3A = arith.constant 0 : i32
      %dma_start3A_36 = tpu.memref_slice %arg8[%add3A_9, %dma_start3A] : memref<10240x128xf32, #tpu.memory_space<vmem_shared>> -> memref<128x128xf32, #tpu.memory_space<vmem_shared>>
      %dma_start3A_37 = arith.constant 0 : i32
      %dma_start3A_38 = tpu.memref_slice %arg8[%add3A_9, %dma_start3A_37] : memref<10240x128xf32, #tpu.memory_space<vmem_shared>> -> memref<128x128xf32, #tpu.memory_space<vmem_shared>>
      tpu.enqueue_dma source(%arg7 : memref<128x128xf32, #tpu.memory_space<vmem>>) target(%dma_start3A_38 : memref<128x128xf32, #tpu.memory_space<vmem_shared>>) target_semaphore(%run_scoped3A : memref<!tpu.dma_semaphore, #tpu.memory_space<semaphore_mem>>)
      %dma_wait3A = arith.constant 0 : i32
      %dma_wait3A_39 = tpu.memref_slice %arg8[%add3A_9, %dma_wait3A] : memref<10240x128xf32, #tpu.memory_space<vmem_shared>> -> memref<128x128xf32, #tpu.memory_space<vmem_shared>>
      %dma_wait3A_40 = arith.constant 0 : i32
      %dma_wait3A_41 = tpu.memref_slice %arg8[%add3A_9, %dma_wait3A_40] : memref<10240x128xf32, #tpu.memory_space<vmem_shared>> -> memref<128x128xf32, #tpu.memory_space<vmem_shared>>
      tpu.wait_dma2 semaphore(%run_scoped3A : memref<!tpu.dma_semaphore, #tpu.memory_space<semaphore_mem>>) src(%arg7 : memref<128x128xf32, #tpu.memory_space<vmem>>) dst(%dma_wait3A_41 : memref<128x128xf32, #tpu.memory_space<vmem_shared>>)
      tpu.yield
    }) : () -> ()
    %mul3A_10 = arith.constant 640 : i32
    %mul3A_11 = arith.muli %arg1, %mul3A_10 : i32
    %add3A_12 = arith.constant 128 : i32
    %add3A_13 = arith.addi %mul3A_11, %add3A_12 : i32
    "tpu.region"() ({
      %run_scoped3A = tpu.sem_alloc : memref<!tpu.dma_semaphore, #tpu.memory_space<semaphore_mem>>
      %dma_start3A = arith.constant 0 : i32
      %dma_start3A_36 = tpu.memref_slice %arg8[%add3A_13, %dma_start3A] : memref<10240x128xf32, #tpu.memory_space<vmem_shared>> -> memref<128x128xf32, #tpu.memory_space<vmem_shared>>
      %dma_start3A_37 = arith.constant 0 : i32
      %dma_start3A_38 = tpu.memref_slice %arg8[%add3A_13, %dma_start3A_37] : memref<10240x128xf32, #tpu.memory_space<vmem_shared>> -> memref<128x128xf32, #tpu.memory_space<vmem_shared>>
      tpu.enqueue_dma source(%arg7 : memref<128x128xf32, #tpu.memory_space<vmem>>) target(%dma_start3A_38 : memref<128x128xf32, #tpu.memory_space<vmem_shared>>) target_semaphore(%run_scoped3A : memref<!tpu.dma_semaphore, #tpu.memory_space<semaphore_mem>>)
      %dma_wait3A = arith.constant 0 : i32
      %dma_wait3A_39 = tpu.memref_slice %arg8[%add3A_13, %dma_wait3A] : memref<10240x128xf32, #tpu.memory_space<vmem_shared>> -> memref<128x128xf32, #tpu.memory_space<vmem_shared>>
      %dma_wait3A_40 = arith.constant 0 : i32
      %dma_wait3A_41 = tpu.memref_slice %arg8[%add3A_13, %dma_wait3A_40] : memref<10240x128xf32, #tpu.memory_space<vmem_shared>> -> memref<128x128xf32, #tpu.memory_space<vmem_shared>>
      tpu.wait_dma2 semaphore(%run_scoped3A : memref<!tpu.dma_semaphore, #tpu.memory_space<semaphore_mem>>) src(%arg7 : memref<128x128xf32, #tpu.memory_space<vmem>>) dst(%dma_wait3A_41 : memref<128x128xf32, #tpu.memory_space<vmem_shared>>)
      tpu.yield
    }) : () -> ()
    %mul3A_14 = arith.constant 640 : i32
    %mul3A_15 = arith.muli %arg1, %mul3A_14 : i32
    %add3A_16 = arith.constant 256 : i32
    %add3A_17 = arith.addi %mul3A_15, %add3A_16 : i32
    "tpu.region"() ({
      %run_scoped3A = tpu.sem_alloc : memref<!tpu.dma_semaphore, #tpu.memory_space<semaphore_mem>>
      %dma_start3A = arith.constant 0 : i32
      %dma_start3A_36 = tpu.memref_slice %arg8[%add3A_17, %dma_start3A] : memref<10240x128xf32, #tpu.memory_space<vmem_shared>> -> memref<128x128xf32, #tpu.memory_space<vmem_shared>>
      %dma_start3A_37 = arith.constant 0 : i32
      %dma_start3A_38 = tpu.memref_slice %arg8[%add3A_17, %dma_start3A_37] : memref<10240x128xf32, #tpu.memory_space<vmem_shared>> -> memref<128x128xf32, #tpu.memory_space<vmem_shared>>
      tpu.enqueue_dma source(%arg7 : memref<128x128xf32, #tpu.memory_space<vmem>>) target(%dma_start3A_38 : memref<128x128xf32, #tpu.memory_space<vmem_shared>>) target_semaphore(%run_scoped3A : memref<!tpu.dma_semaphore, #tpu.memory_space<semaphore_mem>>)
      %dma_wait3A = arith.constant 0 : i32
      %dma_wait3A_39 = tpu.memref_slice %arg8[%add3A_17, %dma_wait3A] : memref<10240x128xf32, #tpu.memory_space<vmem_shared>> -> memref<128x128xf32, #tpu.memory_space<vmem_shared>>
      %dma_wait3A_40 = arith.constant 0 : i32
      %dma_wait3A_41 = tpu.memref_slice %arg8[%add3A_17, %dma_wait3A_40] : memref<10240x128xf32, #tpu.memory_space<vmem_shared>> -> memref<128x128xf32, #tpu.memory_space<vmem_shared>>
      tpu.wait_dma2 semaphore(%run_scoped3A : memref<!tpu.dma_semaphore, #tpu.memory_space<semaphore_mem>>) src(%arg7 : memref<128x128xf32, #tpu.memory_space<vmem>>) dst(%dma_wait3A_41 : memref<128x128xf32, #tpu.memory_space<vmem_shared>>)
      tpu.yield
    }) : () -> ()
    %mul3A_18 = arith.constant 640 : i32
    %mul3A_19 = arith.muli %arg1, %mul3A_18 : i32
    %add3A_20 = arith.constant 384 : i32
    %add3A_21 = arith.addi %mul3A_19, %add3A_20 : i32
    "tpu.region"() ({
      %run_scoped3A = tpu.sem_alloc : memref<!tpu.dma_semaphore, #tpu.memory_space<semaphore_mem>>
      %dma_start3A = arith.constant 0 : i32
      %dma_start3A_36 = tpu.memref_slice %arg8[%add3A_21, %dma_start3A] : memref<10240x128xf32, #tpu.memory_space<vmem_shared>> -> memref<128x128xf32, #tpu.memory_space<vmem_shared>>
      %dma_start3A_37 = arith.constant 0 : i32
      %dma_start3A_38 = tpu.memref_slice %arg8[%add3A_21, %dma_start3A_37] : memref<10240x128xf32, #tpu.memory_space<vmem_shared>> -> memref<128x128xf32, #tpu.memory_space<vmem_shared>>
      tpu.enqueue_dma source(%arg7 : memref<128x128xf32, #tpu.memory_space<vmem>>) target(%dma_start3A_38 : memref<128x128xf32, #tpu.memory_space<vmem_shared>>) target_semaphore(%run_scoped3A : memref<!tpu.dma_semaphore, #tpu.memory_space<semaphore_mem>>)
      %dma_wait3A = arith.constant 0 : i32
      %dma_wait3A_39 = tpu.memref_slice %arg8[%add3A_21, %dma_wait3A] : memref<10240x128xf32, #tpu.memory_space<vmem_shared>> -> memref<128x128xf32, #tpu.memory_space<vmem_shared>>
      %dma_wait3A_40 = arith.constant 0 : i32
      %dma_wait3A_41 = tpu.memref_slice %arg8[%add3A_21, %dma_wait3A_40] : memref<10240x128xf32, #tpu.memory_space<vmem_shared>> -> memref<128x128xf32, #tpu.memory_space<vmem_shared>>
      tpu.wait_dma2 semaphore(%run_scoped3A : memref<!tpu.dma_semaphore, #tpu.memory_space<semaphore_mem>>) src(%arg7 : memref<128x128xf32, #tpu.memory_space<vmem>>) dst(%dma_wait3A_41 : memref<128x128xf32, #tpu.memory_space<vmem_shared>>)
      tpu.yield
    }) : () -> ()
    %mul3A_22 = arith.constant 640 : i32
    %mul3A_23 = arith.muli %arg1, %mul3A_22 : i32
    %add3A_24 = arith.constant 512 : i32
    %add3A_25 = arith.addi %mul3A_23, %add3A_24 : i32
    "tpu.region"() ({
      %run_scoped3A = tpu.sem_alloc : memref<!tpu.dma_semaphore, #tpu.memory_space<semaphore_mem>>
      %dma_start3A = arith.constant 0 : i32
      %dma_start3A_36 = tpu.memref_slice %arg8[%add3A_25, %dma_start3A] : memref<10240x128xf32, #tpu.memory_space<vmem_shared>> -> memref<128x128xf32, #tpu.memory_space<vmem_shared>>
      %dma_start3A_37 = arith.constant 0 : i32
      %dma_start3A_38 = tpu.memref_slice %arg8[%add3A_25, %dma_start3A_37] : memref<10240x128xf32, #tpu.memory_space<vmem_shared>> -> memref<128x128xf32, #tpu.memory_space<vmem_shared>>
      tpu.enqueue_dma source(%arg7 : memref<128x128xf32, #tpu.memory_space<vmem>>) target(%dma_start3A_38 : memref<128x128xf32, #tpu.memory_space<vmem_shared>>) target_semaphore(%run_scoped3A : memref<!tpu.dma_semaphore, #tpu.memory_space<semaphore_mem>>)
      %dma_wait3A = arith.constant 0 : i32
      %dma_wait3A_39 = tpu.memref_slice %arg8[%add3A_25, %dma_wait3A] : memref<10240x128xf32, #tpu.memory_space<vmem_shared>> -> memref<128x128xf32, #tpu.memory_space<vmem_shared>>
      %dma_wait3A_40 = arith.constant 0 : i32
      %dma_wait3A_41 = tpu.memref_slice %arg8[%add3A_25, %dma_wait3A_40] : memref<10240x128xf32, #tpu.memory_space<vmem_shared>> -> memref<128x128xf32, #tpu.memory_space<vmem_shared>>
      tpu.wait_dma2 semaphore(%run_scoped3A : memref<!tpu.dma_semaphore, #tpu.memory_space<semaphore_mem>>) src(%arg7 : memref<128x128xf32, #tpu.memory_space<vmem>>) dst(%dma_wait3A_41 : memref<128x128xf32, #tpu.memory_space<vmem_shared>>)
      tpu.yield
    }) : () -> ()
    %barrier3A = arith.constant 0 : index
    tpu.barrier barrier_id(%barrier3A)
    %scan3A_26 = arith.constant 0 : i32
    %scan3A_27 = arith.constant 79 : i32
    %scan3A_28 = arith.addi %scan3A_26, %scan3A_27 : i32
    %scan3A_29 = arith.constant 1 : i32
    scf.for %scan3A_36 = %scan3A_26 to %scan3A_28 step %scan3A_29  : i32 {
      %mul3A_37 = arith.constant 32 : i32
      %mul3A_38 = arith.muli %mul3A_37, %scan3A_36 : i32
      %add3A_39 = arith.addi %add3A, %mul3A_38 : i32
      %lt3A = arith.constant 2500 : i32
      %lt3A_40 = arith.cmpi slt, %add3A_39, %lt3A : i32
      %convert_element_type3A = arith.extui %lt3A_40 : i1 to i32
      %cond3A = arith.constant 0 : i32
      %cond3A_41 = arith.cmpi ne, %convert_element_type3A, %cond3A : i32
      scf.if %cond3A_41 {
        %mul3A_42 = arith.constant 128 : i32
        %mul3A_43 = arith.muli %add3A_39, %mul3A_42 : i32
        %run_scoped3A = arith.constant 0 : i32
        "tpu.region"() ({
          %run_scoped3A_51 = tpu.sem_alloc : memref<!tpu.dma_semaphore, #tpu.memory_space<semaphore_mem>>
          %dma_start3A_52 = tpu.memref_slice %arg3[%run_scoped3A, %mul3A_43] : memref<2x320000xi32, #tpu.memory_space<hbm>> -> memref<1x128xi32, #tpu.memory_space<hbm>>
          %dma_start3A_53 = tpu.memref_squeeze %dma_start3A_52 : memref<1x128xi32, #tpu.memory_space<hbm>> -> memref<128xi32, #tpu.memory_space<hbm>>
          %dma_start3A_54 = tpu.memref_slice %arg3[%run_scoped3A, %mul3A_43] : memref<2x320000xi32, #tpu.memory_space<hbm>> -> memref<1x128xi32, #tpu.memory_space<hbm>>
          %dma_start3A_55 = tpu.memref_squeeze %dma_start3A_54 : memref<1x128xi32, #tpu.memory_space<hbm>> -> memref<128xi32, #tpu.memory_space<hbm>>
          tpu.enqueue_dma source(%dma_start3A_55 : memref<128xi32, #tpu.memory_space<hbm>>) target(%arg5 : memref<128xi32, #tpu.memory_space<vmem>>) target_semaphore(%run_scoped3A_51 : memref<!tpu.dma_semaphore, #tpu.memory_space<semaphore_mem>>)
          %dma_wait3A_56 = tpu.memref_slice %arg3[%run_scoped3A, %mul3A_43] : memref<2x320000xi32, #tpu.memory_space<hbm>> -> memref<1x128xi32, #tpu.memory_space<hbm>>
          %dma_wait3A_57 = tpu.memref_squeeze %dma_wait3A_56 : memref<1x128xi32, #tpu.memory_space<hbm>> -> memref<128xi32, #tpu.memory_space<hbm>>
          %dma_wait3A_58 = tpu.memref_slice %arg3[%run_scoped3A, %mul3A_43] : memref<2x320000xi32, #tpu.memory_space<hbm>> -> memref<1x128xi32, #tpu.memory_space<hbm>>
          %dma_wait3A_59 = tpu.memref_squeeze %dma_wait3A_58 : memref<1x128xi32, #tpu.memory_space<hbm>> -> memref<128xi32, #tpu.memory_space<hbm>>
          tpu.wait_dma2 semaphore(%run_scoped3A_51 : memref<!tpu.dma_semaphore, #tpu.memory_space<semaphore_mem>>) src(%dma_wait3A_59 : memref<128xi32, #tpu.memory_space<hbm>>) dst(%arg5 : memref<128xi32, #tpu.memory_space<vmem>>)
          tpu.yield
        }) : () -> ()
        %mul3A_44 = arith.constant 128 : i32
        %mul3A_45 = arith.muli %add3A_39, %mul3A_44 : i32
        %run_scoped3A_46 = arith.constant 1 : i32
        "tpu.region"() ({
          %run_scoped3A_51 = tpu.sem_alloc : memref<!tpu.dma_semaphore, #tpu.memory_space<semaphore_mem>>
          %dma_start3A_52 = tpu.memref_slice %arg3[%run_scoped3A_46, %mul3A_45] : memref<2x320000xi32, #tpu.memory_space<hbm>> -> memref<1x128xi32, #tpu.memory_space<hbm>>
          %dma_start3A_53 = tpu.memref_squeeze %dma_start3A_52 : memref<1x128xi32, #tpu.memory_space<hbm>> -> memref<128xi32, #tpu.memory_space<hbm>>
          %dma_start3A_54 = tpu.memref_slice %arg3[%run_scoped3A_46, %mul3A_45] : memref<2x320000xi32, #tpu.memory_space<hbm>> -> memref<1x128xi32, #tpu.memory_space<hbm>>
          %dma_start3A_55 = tpu.memref_squeeze %dma_start3A_54 : memref<1x128xi32, #tpu.memory_space<hbm>> -> memref<128xi32, #tpu.memory_space<hbm>>
          tpu.enqueue_dma source(%dma_start3A_55 : memref<128xi32, #tpu.memory_space<hbm>>) target(%arg6 : memref<128xi32, #tpu.memory_space<vmem>>) target_semaphore(%run_scoped3A_51 : memref<!tpu.dma_semaphore, #tpu.memory_space<semaphore_mem>>)
          %dma_wait3A_56 = tpu.memref_slice %arg3[%run_scoped3A_46, %mul3A_45] : memref<2x320000xi32, #tpu.memory_space<hbm>> -> memref<1x128xi32, #tpu.memory_space<hbm>>
          %dma_wait3A_57 = tpu.memref_squeeze %dma_wait3A_56 : memref<1x128xi32, #tpu.memory_space<hbm>> -> memref<128xi32, #tpu.memory_space<hbm>>
          %dma_wait3A_58 = tpu.memref_slice %arg3[%run_scoped3A_46, %mul3A_45] : memref<2x320000xi32, #tpu.memory_space<hbm>> -> memref<1x128xi32, #tpu.memory_space<hbm>>
          %dma_wait3A_59 = tpu.memref_squeeze %dma_wait3A_58 : memref<1x128xi32, #tpu.memory_space<hbm>> -> memref<128xi32, #tpu.memory_space<hbm>>
          tpu.wait_dma2 semaphore(%run_scoped3A_51 : memref<!tpu.dma_semaphore, #tpu.memory_space<semaphore_mem>>) src(%dma_wait3A_59 : memref<128xi32, #tpu.memory_space<hbm>>) dst(%arg6 : memref<128xi32, #tpu.memory_space<vmem>>)
          tpu.yield
        }) : () -> ()
        %dma_start3A = arith.constant 0 : i32
        %dma_start3A_47 = arith.constant 0 : i32
        %dma_start3A_48 = tpu.memref_slice %arg2[%dma_start3A, %dma_start3A_47] : memref<10000x128xf32, #tpu.memory_space<hbm>> -> memref<10000x128xf32, #tpu.memory_space<hbm>>
        tpu.enqueue_indirect_dma source(%dma_start3A_48 : memref<10000x128xf32, #tpu.memory_space<hbm>>) target(%arg7 : memref<128x128xf32, #tpu.memory_space<vmem>>) offsets(%arg5 : memref<128xi32, #tpu.memory_space<vmem>>) semaphore(%arg9 : memref<!tpu.dma_semaphore, #tpu.memory_space<semaphore_mem>>)
        %dma_wait3A = arith.constant 0 : i32
        %dma_wait3A_49 = arith.constant 0 : i32
        %dma_wait3A_50 = tpu.memref_slice %arg2[%dma_wait3A, %dma_wait3A_49] : memref<10000x128xf32, #tpu.memory_space<hbm>> -> memref<10000x128xf32, #tpu.memory_space<hbm>>
        tpu.wait_indirect_dma semaphore(%arg9 : memref<!tpu.dma_semaphore, #tpu.memory_space<semaphore_mem>>) src(%dma_wait3A_50 : memref<10000x128xf32, #tpu.memory_space<hbm>>) dst(%arg7 : memref<128x128xf32, #tpu.memory_space<vmem>>)
        "tpu.region"() ({
          %run_scoped3A_51 = tpu.sem_alloc : memref<!tpu.dma_semaphore, #tpu.memory_space<semaphore_mem>>
          %dma_start3A_52 = arith.constant 0 : i32
          %dma_start3A_53 = arith.constant 0 : i32
          %dma_start3A_54 = tpu.memref_slice %arg8[%dma_start3A_52, %dma_start3A_53] : memref<10240x128xf32, #tpu.memory_space<vmem_shared>> -> memref<10240x128xf32, #tpu.memory_space<vmem_shared>>
          tpu.enqueue_indirect_dma source(%arg7 : memref<128x128xf32, #tpu.memory_space<vmem>>) target(%dma_start3A_54 : memref<10240x128xf32, #tpu.memory_space<vmem_shared>>) offsets(%arg6 : memref<128xi32, #tpu.memory_space<vmem>>) semaphore(%run_scoped3A_51 : memref<!tpu.dma_semaphore, #tpu.memory_space<semaphore_mem>>) {add = true}
          %dma_wait3A_55 = arith.constant 0 : i32
          %dma_wait3A_56 = arith.constant 0 : i32
          %dma_wait3A_57 = tpu.memref_slice %arg8[%dma_wait3A_55, %dma_wait3A_56] : memref<10240x128xf32, #tpu.memory_space<vmem_shared>> -> memref<10240x128xf32, #tpu.memory_space<vmem_shared>>
          tpu.wait_indirect_dma semaphore(%run_scoped3A_51 : memref<!tpu.dma_semaphore, #tpu.memory_space<semaphore_mem>>) src(%arg7 : memref<128x128xf32, #tpu.memory_space<vmem>>) dst(%dma_wait3A_57 : memref<10240x128xf32, #tpu.memory_space<vmem_shared>>)
          tpu.yield
        }) : () -> ()
      } else {
      }
    }
    %scan3A_30 = arith.constant 79 : i32
    %barrier3A_31 = arith.constant 0 : index
    tpu.barrier barrier_id(%barrier3A_31)
    %mul3A_32 = arith.constant 640 : i32
    %mul3A_33 = arith.muli %arg1, %mul3A_32 : i32
    %mul3A_34 = arith.constant 640 : i32
    %mul3A_35 = arith.muli %arg1, %mul3A_34 : i32
    "tpu.region"() ({
      %run_scoped3A = tpu.sem_alloc : memref<!tpu.dma_semaphore, #tpu.memory_space<semaphore_mem>>
      %dma_start3A = arith.constant 0 : i32
      %dma_start3A_36 = tpu.memref_slice %arg4[%arg0, %mul3A_35, %dma_start3A] : memref<2x10240x128xf32, #tpu.memory_space<hbm>> -> memref<1x640x128xf32, #tpu.memory_space<hbm>>
      %dma_start3A_37 = tpu.memref_squeeze %dma_start3A_36 : memref<1x640x128xf32, #tpu.memory_space<hbm>> -> memref<640x128xf32, #tpu.memory_space<hbm>>
      %dma_start3A_38 = arith.constant 0 : i32
      %dma_start3A_39 = tpu.memref_slice %arg8[%mul3A_33, %dma_start3A_38] : memref<10240x128xf32, #tpu.memory_space<vmem_shared>> -> memref<640x128xf32, #tpu.memory_space<vmem_shared>>
      tpu.enqueue_dma source(%dma_start3A_39 : memref<640x128xf32, #tpu.memory_space<vmem_shared>>) target(%dma_start3A_37 : memref<640x128xf32, #tpu.memory_space<hbm>>) target_semaphore(%run_scoped3A : memref<!tpu.dma_semaphore, #tpu.memory_space<semaphore_mem>>)
      %dma_wait3A = arith.constant 0 : i32
      %dma_wait3A_40 = tpu.memref_slice %arg4[%arg0, %mul3A_35, %dma_wait3A] : memref<2x10240x128xf32, #tpu.memory_space<hbm>> -> memref<1x640x128xf32, #tpu.memory_space<hbm>>
      %dma_wait3A_41 = tpu.memref_squeeze %dma_wait3A_40 : memref<1x640x128xf32, #tpu.memory_space<hbm>> -> memref<640x128xf32, #tpu.memory_space<hbm>>
      %dma_wait3A_42 = arith.constant 0 : i32
      %dma_wait3A_43 = tpu.memref_slice %arg8[%mul3A_33, %dma_wait3A_42] : memref<10240x128xf32, #tpu.memory_space<vmem_shared>> -> memref<640x128xf32, #tpu.memory_space<vmem_shared>>
      tpu.wait_dma2 semaphore(%run_scoped3A : memref<!tpu.dma_semaphore, #tpu.memory_space<semaphore_mem>>) src(%dma_wait3A_43 : memref<640x128xf32, #tpu.memory_space<vmem_shared>>) dst(%dma_wait3A_41 : memref<640x128xf32, #tpu.memory_space<hbm>>)
      tpu.yield
    }) : () -> ()
    return
  }
}

#map = affine_map<(d0, d1) -> (0, 0)>
module attributes {stable_mosaic.version = 14 : i64} {
  func.func @_counts_body(%arg0: i32, %arg1: i32, %arg2: memref<2x320000xi32, #tpu.memory_space<hbm>>, %arg3: memref<128x128xf32, #tpu.memory_space<hbm>>, %arg4: memref<128x128xf32, #tpu.memory_space<hbm>>, %arg5: memref<128xi32, #tpu.memory_space<vmem>>, %arg6: memref<128x128xf32, #tpu.memory_space<vmem>>, %arg7: memref<128xi32, #tpu.memory_space<vmem>>, %arg8: memref<128x128xf32, #tpu.memory_space<vmem_shared>>) attributes {dimension_semantics = [#tpu.dimension_semantics<core_parallel>, #tpu.dimension_semantics<subcore_parallel>], iteration_bounds = array<i64: 2, 16>, scalar_prefetch = 0 : i64, scratch_operands = 4 : i64, tpu.core_type = #tpu.core_type<sc_vector_subcore>, window_params = [{transform_indices = #map}, {transform_indices = #map}, {transform_indices = #map}]} {
    %broadcast_in_dim3A = arith.constant 0.000000e+00 : f32
    %broadcast_in_dim3A_0 = vector.broadcast %broadcast_in_dim3A : f32 to vector<16xf32>
    %broadcast_in_dim3A_1 = arith.constant 1.000000e+00 : f32
    %broadcast_in_dim3A_2 = vector.broadcast %broadcast_in_dim3A_1 : f32 to vector<16xf32>
    %scan3A = arith.constant 0 : i32
    %scan3A_3 = arith.constant 128 : i32
    %scan3A_4 = arith.addi %scan3A, %scan3A_3 : i32
    %scan3A_5 = arith.constant 1 : i32
    scf.for %scan3A_71 = %scan3A to %scan3A_4 step %scan3A_5  : i32 {
      %swap3A_72 = arith.index_cast %scan3A_71 : i32 to index
      %swap3A_73 = arith.constant 0 : index
      %swap3A_74 = tpu.vector_load %arg6[%swap3A_72, %swap3A_73] {strides = array<i32>} : memref<128x128xf32, #tpu.memory_space<vmem>>, vector<16xf32>,
      tpu.vector_store %arg6[%swap3A_72, %swap3A_73], %broadcast_in_dim3A_0 {strides = array<i32>} : memref<128x128xf32, #tpu.memory_space<vmem>>, vector<16xf32>,
      %swap3A_75 = arith.index_cast %scan3A_71 : i32 to index
      %swap3A_76 = arith.constant 16 : index
      %swap3A_77 = tpu.vector_load %arg6[%swap3A_75, %swap3A_76] {strides = array<i32>} : memref<128x128xf32, #tpu.memory_space<vmem>>, vector<16xf32>,
      tpu.vector_store %arg6[%swap3A_75, %swap3A_76], %broadcast_in_dim3A_0 {strides = array<i32>} : memref<128x128xf32, #tpu.memory_space<vmem>>, vector<16xf32>,
      %swap3A_78 = arith.index_cast %scan3A_71 : i32 to index
      %swap3A_79 = arith.constant 32 : index
      %swap3A_80 = tpu.vector_load %arg6[%swap3A_78, %swap3A_79] {strides = array<i32>} : memref<128x128xf32, #tpu.memory_space<vmem>>, vector<16xf32>,
      tpu.vector_store %arg6[%swap3A_78, %swap3A_79], %broadcast_in_dim3A_0 {strides = array<i32>} : memref<128x128xf32, #tpu.memory_space<vmem>>, vector<16xf32>,
      %swap3A_81 = arith.index_cast %scan3A_71 : i32 to index
      %swap3A_82 = arith.constant 48 : index
      %swap3A_83 = tpu.vector_load %arg6[%swap3A_81, %swap3A_82] {strides = array<i32>} : memref<128x128xf32, #tpu.memory_space<vmem>>, vector<16xf32>,
      tpu.vector_store %arg6[%swap3A_81, %swap3A_82], %broadcast_in_dim3A_0 {strides = array<i32>} : memref<128x128xf32, #tpu.memory_space<vmem>>, vector<16xf32>,
      %swap3A_84 = arith.index_cast %scan3A_71 : i32 to index
      %swap3A_85 = arith.constant 64 : index
      %swap3A_86 = tpu.vector_load %arg6[%swap3A_84, %swap3A_85] {strides = array<i32>} : memref<128x128xf32, #tpu.memory_space<vmem>>, vector<16xf32>,
      tpu.vector_store %arg6[%swap3A_84, %swap3A_85], %broadcast_in_dim3A_0 {strides = array<i32>} : memref<128x128xf32, #tpu.memory_space<vmem>>, vector<16xf32>,
      %swap3A_87 = arith.index_cast %scan3A_71 : i32 to index
      %swap3A_88 = arith.constant 80 : index
      %swap3A_89 = tpu.vector_load %arg6[%swap3A_87, %swap3A_88] {strides = array<i32>} : memref<128x128xf32, #tpu.memory_space<vmem>>, vector<16xf32>,
      tpu.vector_store %arg6[%swap3A_87, %swap3A_88], %broadcast_in_dim3A_0 {strides = array<i32>} : memref<128x128xf32, #tpu.memory_space<vmem>>, vector<16xf32>,
      %swap3A_90 = arith.index_cast %scan3A_71 : i32 to index
      %swap3A_91 = arith.constant 96 : index
      %swap3A_92 = tpu.vector_load %arg6[%swap3A_90, %swap3A_91] {strides = array<i32>} : memref<128x128xf32, #tpu.memory_space<vmem>>, vector<16xf32>,
      tpu.vector_store %arg6[%swap3A_90, %swap3A_91], %broadcast_in_dim3A_0 {strides = array<i32>} : memref<128x128xf32, #tpu.memory_space<vmem>>, vector<16xf32>,
      %swap3A_93 = arith.index_cast %scan3A_71 : i32 to index
      %swap3A_94 = arith.constant 112 : index
      %swap3A_95 = tpu.vector_load %arg6[%swap3A_93, %swap3A_94] {strides = array<i32>} : memref<128x128xf32, #tpu.memory_space<vmem>>, vector<16xf32>,
      tpu.vector_store %arg6[%swap3A_93, %swap3A_94], %broadcast_in_dim3A_0 {strides = array<i32>} : memref<128x128xf32, #tpu.memory_space<vmem>>, vector<16xf32>,
    }
    %scan3A_6 = arith.constant 128 : i32
    %iota3A = tpu.iota {dimensions = array<i32: 0>} : vector<16xi32>
    %add3A = arith.constant 0 : i32
    %add3A_7 = vector.broadcast %add3A : i32 to vector<16xi32>
    %add3A_8 = arith.addi %iota3A, %add3A_7 : vector<16xi32>
    %swap3A = arith.constant 0 : index
    %swap3A_9 = tpu.vector_load %arg7[%swap3A] {strides = array<i32>} : memref<128xi32, #tpu.memory_space<vmem>>, vector<16xi32>,
    tpu.vector_store %arg7[%swap3A], %add3A_8 {strides = array<i32>} : memref<128xi32, #tpu.memory_space<vmem>>, vector<16xi32>,
    %iota3A_10 = tpu.iota {dimensions = array<i32: 0>} : vector<16xi32>
    %add3A_11 = arith.constant 16 : i32
    %add3A_12 = vector.broadcast %add3A_11 : i32 to vector<16xi32>
    %add3A_13 = arith.addi %iota3A_10, %add3A_12 : vector<16xi32>
    %swap3A_14 = arith.constant 16 : index
    %swap3A_15 = tpu.vector_load %arg7[%swap3A_14] {strides = array<i32>} : memref<128xi32, #tpu.memory_space<vmem>>, vector<16xi32>,
    tpu.vector_store %arg7[%swap3A_14], %add3A_13 {strides = array<i32>} : memref<128xi32, #tpu.memory_space<vmem>>, vector<16xi32>,
    %iota3A_16 = tpu.iota {dimensions = array<i32: 0>} : vector<16xi32>
    %add3A_17 = arith.constant 32 : i32
    %add3A_18 = vector.broadcast %add3A_17 : i32 to vector<16xi32>
    %add3A_19 = arith.addi %iota3A_16, %add3A_18 : vector<16xi32>
    %swap3A_20 = arith.constant 32 : index
    %swap3A_21 = tpu.vector_load %arg7[%swap3A_20] {strides = array<i32>} : memref<128xi32, #tpu.memory_space<vmem>>, vector<16xi32>,
    tpu.vector_store %arg7[%swap3A_20], %add3A_19 {strides = array<i32>} : memref<128xi32, #tpu.memory_space<vmem>>, vector<16xi32>,
    %iota3A_22 = tpu.iota {dimensions = array<i32: 0>} : vector<16xi32>
    %add3A_23 = arith.constant 48 : i32
    %add3A_24 = vector.broadcast %add3A_23 : i32 to vector<16xi32>
    %add3A_25 = arith.addi %iota3A_22, %add3A_24 : vector<16xi32>
    %swap3A_26 = arith.constant 48 : index
    %swap3A_27 = tpu.vector_load %arg7[%swap3A_26] {strides = array<i32>} : memref<128xi32, #tpu.memory_space<vmem>>, vector<16xi32>,
    tpu.vector_store %arg7[%swap3A_26], %add3A_25 {strides = array<i32>} : memref<128xi32, #tpu.memory_space<vmem>>, vector<16xi32>,
    %iota3A_28 = tpu.iota {dimensions = array<i32: 0>} : vector<16xi32>
    %add3A_29 = arith.constant 64 : i32
    %add3A_30 = vector.broadcast %add3A_29 : i32 to vector<16xi32>
    %add3A_31 = arith.addi %iota3A_28, %add3A_30 : vector<16xi32>
    %swap3A_32 = arith.constant 64 : index
    %swap3A_33 = tpu.vector_load %arg7[%swap3A_32] {strides = array<i32>} : memref<128xi32, #tpu.memory_space<vmem>>, vector<16xi32>,
    tpu.vector_store %arg7[%swap3A_32], %add3A_31 {strides = array<i32>} : memref<128xi32, #tpu.memory_space<vmem>>, vector<16xi32>,
    %iota3A_34 = tpu.iota {dimensions = array<i32: 0>} : vector<16xi32>
    %add3A_35 = arith.constant 80 : i32
    %add3A_36 = vector.broadcast %add3A_35 : i32 to vector<16xi32>
    %add3A_37 = arith.addi %iota3A_34, %add3A_36 : vector<16xi32>
    %swap3A_38 = arith.constant 80 : index
    %swap3A_39 = tpu.vector_load %arg7[%swap3A_38] {strides = array<i32>} : memref<128xi32, #tpu.memory_space<vmem>>, vector<16xi32>,
    tpu.vector_store %arg7[%swap3A_38], %add3A_37 {strides = array<i32>} : memref<128xi32, #tpu.memory_space<vmem>>, vector<16xi32>,
    %iota3A_40 = tpu.iota {dimensions = array<i32: 0>} : vector<16xi32>
    %add3A_41 = arith.constant 96 : i32
    %add3A_42 = vector.broadcast %add3A_41 : i32 to vector<16xi32>
    %add3A_43 = arith.addi %iota3A_40, %add3A_42 : vector<16xi32>
    %swap3A_44 = arith.constant 96 : index
    %swap3A_45 = tpu.vector_load %arg7[%swap3A_44] {strides = array<i32>} : memref<128xi32, #tpu.memory_space<vmem>>, vector<16xi32>,
    tpu.vector_store %arg7[%swap3A_44], %add3A_43 {strides = array<i32>} : memref<128xi32, #tpu.memory_space<vmem>>, vector<16xi32>,
    %iota3A_46 = tpu.iota {dimensions = array<i32: 0>} : vector<16xi32>
    %add3A_47 = arith.constant 112 : i32
    %add3A_48 = vector.broadcast %add3A_47 : i32 to vector<16xi32>
    %add3A_49 = arith.addi %iota3A_46, %add3A_48 : vector<16xi32>
    %swap3A_50 = arith.constant 112 : index
    %swap3A_51 = tpu.vector_load %arg7[%swap3A_50] {strides = array<i32>} : memref<128xi32, #tpu.memory_space<vmem>>, vector<16xi32>,
    tpu.vector_store %arg7[%swap3A_50], %add3A_49 {strides = array<i32>} : memref<128xi32, #tpu.memory_space<vmem>>, vector<16xi32>,
    %mul3A = arith.constant 8 : i32
    %mul3A_52 = arith.muli %arg1, %mul3A : i32
    "tpu.region"() ({
      %run_scoped3A = tpu.sem_alloc : memref<!tpu.dma_semaphore, #tpu.memory_space<semaphore_mem>>
      %dma_start3A = arith.constant 0 : i32
      %dma_start3A_71 = arith.constant 0 : i32
      %dma_start3A_72 = tpu.memref_slice %arg6[%dma_start3A, %dma_start3A_71] : memref<128x128xf32, #tpu.memory_space<vmem>> -> memref<8x128xf32, #tpu.memory_space<vmem>>
      %dma_start3A_73 = arith.constant 0 : i32
      %dma_start3A_74 = tpu.memref_slice %arg8[%mul3A_52, %dma_start3A_73] : memref<128x128xf32, #tpu.memory_space<vmem_shared>> -> memref<8x128xf32, #tpu.memory_space<vmem_shared>>
      %dma_start3A_75 = arith.constant 0 : i32
      %dma_start3A_76 = tpu.memref_slice %arg8[%mul3A_52, %dma_start3A_75] : memref<128x128xf32, #tpu.memory_space<vmem_shared>> -> memref<8x128xf32, #tpu.memory_space<vmem_shared>>
      %dma_start3A_77 = arith.constant 0 : i32
      %dma_start3A_78 = arith.constant 0 : i32
      %dma_start3A_79 = tpu.memref_slice %arg6[%dma_start3A_77, %dma_start3A_78] : memref<128x128xf32, #tpu.memory_space<vmem>> -> memref<8x128xf32, #tpu.memory_space<vmem>>
      tpu.enqueue_dma source(%dma_start3A_79 : memref<8x128xf32, #tpu.memory_space<vmem>>) target(%dma_start3A_76 : memref<8x128xf32, #tpu.memory_space<vmem_shared>>) target_semaphore(%run_scoped3A : memref<!tpu.dma_semaphore, #tpu.memory_space<semaphore_mem>>)
      %dma_wait3A = arith.constant 0 : i32
      %dma_wait3A_80 = arith.constant 0 : i32
      %dma_wait3A_81 = tpu.memref_slice %arg6[%dma_wait3A, %dma_wait3A_80] : memref<128x128xf32, #tpu.memory_space<vmem>> -> memref<8x128xf32, #tpu.memory_space<vmem>>
      %dma_wait3A_82 = arith.constant 0 : i32
      %dma_wait3A_83 = tpu.memref_slice %arg8[%mul3A_52, %dma_wait3A_82] : memref<128x128xf32, #tpu.memory_space<vmem_shared>> -> memref<8x128xf32, #tpu.memory_space<vmem_shared>>
      %dma_wait3A_84 = arith.constant 0 : i32
      %dma_wait3A_85 = tpu.memref_slice %arg8[%mul3A_52, %dma_wait3A_84] : memref<128x128xf32, #tpu.memory_space<vmem_shared>> -> memref<8x128xf32, #tpu.memory_space<vmem_shared>>
      %dma_wait3A_86 = arith.constant 0 : i32
      %dma_wait3A_87 = arith.constant 0 : i32
      %dma_wait3A_88 = tpu.memref_slice %arg6[%dma_wait3A_86, %dma_wait3A_87] : memref<128x128xf32, #tpu.memory_space<vmem>> -> memref<8x128xf32, #tpu.memory_space<vmem>>
      tpu.wait_dma2 semaphore(%run_scoped3A : memref<!tpu.dma_semaphore, #tpu.memory_space<semaphore_mem>>) src(%dma_wait3A_88 : memref<8x128xf32, #tpu.memory_space<vmem>>) dst(%dma_wait3A_85 : memref<8x128xf32, #tpu.memory_space<vmem_shared>>)
      tpu.yield
    }) : () -> ()
    %barrier3A = arith.constant 0 : index
    tpu.barrier barrier_id(%barrier3A)
    %eq3A = arith.constant 0 : i32
    %eq3A_53 = arith.cmpi eq, %arg0, %eq3A : i32
    %convert_element_type3A = arith.extui %eq3A_53 : i1 to i32
    %cond3A = arith.constant 0 : i32
    %cond3A_54 = arith.cmpi ne, %convert_element_type3A, %cond3A : i32
    scf.if %cond3A_54 {
      %scan3A_71 = arith.constant 0 : i32
      %scan3A_72 = arith.constant 157 : i32
      %scan3A_73 = arith.addi %scan3A_71, %scan3A_72 : i32
      %scan3A_74 = arith.constant 1 : i32
      scf.for %scan3A_76 = %scan3A_71 to %scan3A_73 step %scan3A_74  : i32 {
        %mul3A_77 = arith.constant 16 : i32
        %mul3A_78 = arith.muli %mul3A_77, %scan3A_76 : i32
        %add3A_79 = arith.addi %arg1, %mul3A_78 : i32
        %lt3A = arith.constant 2500 : i32
        %lt3A_80 = arith.cmpi slt, %add3A_79, %lt3A : i32
        %convert_element_type3A_81 = arith.extui %lt3A_80 : i1 to i32
        %cond3A_82 = arith.constant 0 : i32
        %cond3A_83 = arith.cmpi ne, %convert_element_type3A_81, %cond3A_82 : i32
        scf.if %cond3A_83 {
          %mul3A_84 = arith.constant 128 : i32
          %mul3A_85 = arith.muli %add3A_79, %mul3A_84 : i32
          %run_scoped3A = arith.constant 0 : i32
          "tpu.region"() ({
            %run_scoped3A_147 = tpu.sem_alloc : memref<!tpu.dma_semaphore, #tpu.memory_space<semaphore_mem>>
            %dma_start3A = tpu.memref_slice %arg2[%run_scoped3A, %mul3A_85] : memref<2x320000xi32, #tpu.memory_space<hbm>> -> memref<1x128xi32, #tpu.memory_space<hbm>>
            %dma_start3A_148 = tpu.memref_squeeze %dma_start3A : memref<1x128xi32, #tpu.memory_space<hbm>> -> memref<128xi32, #tpu.memory_space<hbm>>
            %dma_start3A_149 = tpu.memref_slice %arg2[%run_scoped3A, %mul3A_85] : memref<2x320000xi32, #tpu.memory_space<hbm>> -> memref<1x128xi32, #tpu.memory_space<hbm>>
            %dma_start3A_150 = tpu.memref_squeeze %dma_start3A_149 : memref<1x128xi32, #tpu.memory_space<hbm>> -> memref<128xi32, #tpu.memory_space<hbm>>
            tpu.enqueue_dma source(%dma_start3A_150 : memref<128xi32, #tpu.memory_space<hbm>>) target(%arg5 : memref<128xi32, #tpu.memory_space<vmem>>) target_semaphore(%run_scoped3A_147 : memref<!tpu.dma_semaphore, #tpu.memory_space<semaphore_mem>>)
            %dma_wait3A = tpu.memref_slice %arg2[%run_scoped3A, %mul3A_85] : memref<2x320000xi32, #tpu.memory_space<hbm>> -> memref<1x128xi32, #tpu.memory_space<hbm>>
            %dma_wait3A_151 = tpu.memref_squeeze %dma_wait3A : memref<1x128xi32, #tpu.memory_space<hbm>> -> memref<128xi32, #tpu.memory_space<hbm>>
            %dma_wait3A_152 = tpu.memref_slice %arg2[%run_scoped3A, %mul3A_85] : memref<2x320000xi32, #tpu.memory_space<hbm>> -> memref<1x128xi32, #tpu.memory_space<hbm>>
            %dma_wait3A_153 = tpu.memref_squeeze %dma_wait3A_152 : memref<1x128xi32, #tpu.memory_space<hbm>> -> memref<128xi32, #tpu.memory_space<hbm>>
            tpu.wait_dma2 semaphore(%run_scoped3A_147 : memref<!tpu.dma_semaphore, #tpu.memory_space<semaphore_mem>>) src(%dma_wait3A_153 : memref<128xi32, #tpu.memory_space<hbm>>) dst(%arg5 : memref<128xi32, #tpu.memory_space<vmem>>)
            tpu.yield
          }) : () -> ()
          %get3A = arith.constant 0 : index
          %get3A_86 = tpu.vector_load %arg5[%get3A] {strides = array<i32>} : memref<128xi32, #tpu.memory_space<vmem>>, vector<16xi32>,
          %shift_right_logical3A = arith.constant 7 : i32
          %shift_right_logical3A_87 = vector.broadcast %shift_right_logical3A : i32 to vector<16xi32>
          %shift_right_logical3A_88 = arith.shrui %get3A_86, %shift_right_logical3A_87 : vector<16xi32>
          %and3A = arith.constant 127 : i32
          %and3A_89 = vector.broadcast %and3A : i32 to vector<16xi32>
          %and3A_90 = arith.andi %get3A_86, %and3A_89 : vector<16xi32>
          tpu.vector_store_idx %arg6[%shift_right_logical3A_88, %and3A_90], %broadcast_in_dim3A_2 {add = true} : memref<128x128xf32, #tpu.memory_space<vmem>>[vector<16xi32>, vector<16xi32>], vector<16xf32>,
          %get3A_91 = arith.constant 16 : index
          %get3A_92 = tpu.vector_load %arg5[%get3A_91] {strides = array<i32>} : memref<128xi32, #tpu.memory_space<vmem>>, vector<16xi32>,
          %shift_right_logical3A_93 = arith.constant 7 : i32
          %shift_right_logical3A_94 = vector.broadcast %shift_right_logical3A_93 : i32 to vector<16xi32>
          %shift_right_logical3A_95 = arith.shrui %get3A_92, %shift_right_logical3A_94 : vector<16xi32>
          %and3A_96 = arith.constant 127 : i32
          %and3A_97 = vector.broadcast %and3A_96 : i32 to vector<16xi32>
          %and3A_98 = arith.andi %get3A_92, %and3A_97 : vector<16xi32>
          tpu.vector_store_idx %arg6[%shift_right_logical3A_95, %and3A_98], %broadcast_in_dim3A_2 {add = true} : memref<128x128xf32, #tpu.memory_space<vmem>>[vector<16xi32>, vector<16xi32>], vector<16xf32>,
          %get3A_99 = arith.constant 32 : index
          %get3A_100 = tpu.vector_load %arg5[%get3A_99] {strides = array<i32>} : memref<128xi32, #tpu.memory_space<vmem>>, vector<16xi32>,
          %shift_right_logical3A_101 = arith.constant 7 : i32
          %shift_right_logical3A_102 = vector.broadcast %shift_right_logical3A_101 : i32 to vector<16xi32>
          %shift_right_logical3A_103 = arith.shrui %get3A_100, %shift_right_logical3A_102 : vector<16xi32>
          %and3A_104 = arith.constant 127 : i32
          %and3A_105 = vector.broadcast %and3A_104 : i32 to vector<16xi32>
          %and3A_106 = arith.andi %get3A_100, %and3A_105 : vector<16xi32>
          tpu.vector_store_idx %arg6[%shift_right_logical3A_103, %and3A_106], %broadcast_in_dim3A_2 {add = true} : memref<128x128xf32, #tpu.memory_space<vmem>>[vector<16xi32>, vector<16xi32>], vector<16xf32>,
          %get3A_107 = arith.constant 48 : index
          %get3A_108 = tpu.vector_load %arg5[%get3A_107] {strides = array<i32>} : memref<128xi32, #tpu.memory_space<vmem>>, vector<16xi32>,
          %shift_right_logical3A_109 = arith.constant 7 : i32
          %shift_right_logical3A_110 = vector.broadcast %shift_right_logical3A_109 : i32 to vector<16xi32>
          %shift_right_logical3A_111 = arith.shrui %get3A_108, %shift_right_logical3A_110 : vector<16xi32>
          %and3A_112 = arith.constant 127 : i32
          %and3A_113 = vector.broadcast %and3A_112 : i32 to vector<16xi32>
          %and3A_114 = arith.andi %get3A_108, %and3A_113 : vector<16xi32>
          tpu.vector_store_idx %arg6[%shift_right_logical3A_111, %and3A_114], %broadcast_in_dim3A_2 {add = true} : memref<128x128xf32, #tpu.memory_space<vmem>>[vector<16xi32>, vector<16xi32>], vector<16xf32>,
          %get3A_115 = arith.constant 64 : index
          %get3A_116 = tpu.vector_load %arg5[%get3A_115] {strides = array<i32>} : memref<128xi32, #tpu.memory_space<vmem>>, vector<16xi32>,
          %shift_right_logical3A_117 = arith.constant 7 : i32
          %shift_right_logical3A_118 = vector.broadcast %shift_right_logical3A_117 : i32 to vector<16xi32>
          %shift_right_logical3A_119 = arith.shrui %get3A_116, %shift_right_logical3A_118 : vector<16xi32>
          %and3A_120 = arith.constant 127 : i32
          %and3A_121 = vector.broadcast %and3A_120 : i32 to vector<16xi32>
          %and3A_122 = arith.andi %get3A_116, %and3A_121 : vector<16xi32>
          tpu.vector_store_idx %arg6[%shift_right_logical3A_119, %and3A_122], %broadcast_in_dim3A_2 {add = true} : memref<128x128xf32, #tpu.memory_space<vmem>>[vector<16xi32>, vector<16xi32>], vector<16xf32>,
          %get3A_123 = arith.constant 80 : index
          %get3A_124 = tpu.vector_load %arg5[%get3A_123] {strides = array<i32>} : memref<128xi32, #tpu.memory_space<vmem>>, vector<16xi32>,
          %shift_right_logical3A_125 = arith.constant 7 : i32
          %shift_right_logical3A_126 = vector.broadcast %shift_right_logical3A_125 : i32 to vector<16xi32>
          %shift_right_logical3A_127 = arith.shrui %get3A_124, %shift_right_logical3A_126 : vector<16xi32>
          %and3A_128 = arith.constant 127 : i32
          %and3A_129 = vector.broadcast %and3A_128 : i32 to vector<16xi32>
          %and3A_130 = arith.andi %get3A_124, %and3A_129 : vector<16xi32>
          tpu.vector_store_idx %arg6[%shift_right_logical3A_127, %and3A_130], %broadcast_in_dim3A_2 {add = true} : memref<128x128xf32, #tpu.memory_space<vmem>>[vector<16xi32>, vector<16xi32>], vector<16xf32>,
          %get3A_131 = arith.constant 96 : index
          %get3A_132 = tpu.vector_load %arg5[%get3A_131] {strides = array<i32>} : memref<128xi32, #tpu.memory_space<vmem>>, vector<16xi32>,
          %shift_right_logical3A_133 = arith.constant 7 : i32
          %shift_right_logical3A_134 = vector.broadcast %shift_right_logical3A_133 : i32 to vector<16xi32>
          %shift_right_logical3A_135 = arith.shrui %get3A_132, %shift_right_logical3A_134 : vector<16xi32>
          %and3A_136 = arith.constant 127 : i32
          %and3A_137 = vector.broadcast %and3A_136 : i32 to vector<16xi32>
          %and3A_138 = arith.andi %get3A_132, %and3A_137 : vector<16xi32>
          tpu.vector_store_idx %arg6[%shift_right_logical3A_135, %and3A_138], %broadcast_in_dim3A_2 {add = true} : memref<128x128xf32, #tpu.memory_space<vmem>>[vector<16xi32>, vector<16xi32>], vector<16xf32>,
          %get3A_139 = arith.constant 112 : index
          %get3A_140 = tpu.vector_load %arg5[%get3A_139] {strides = array<i32>} : memref<128xi32, #tpu.memory_space<vmem>>, vector<16xi32>,
          %shift_right_logical3A_141 = arith.constant 7 : i32
          %shift_right_logical3A_142 = vector.broadcast %shift_right_logical3A_141 : i32 to vector<16xi32>
          %shift_right_logical3A_143 = arith.shrui %get3A_140, %shift_right_logical3A_142 : vector<16xi32>
          %and3A_144 = arith.constant 127 : i32
          %and3A_145 = vector.broadcast %and3A_144 : i32 to vector<16xi32>
          %and3A_146 = arith.andi %get3A_140, %and3A_145 : vector<16xi32>
          tpu.vector_store_idx %arg6[%shift_right_logical3A_143, %and3A_146], %broadcast_in_dim3A_2 {add = true} : memref<128x128xf32, #tpu.memory_space<vmem>>[vector<16xi32>, vector<16xi32>], vector<16xf32>,
        } else {
        }
      }
      %scan3A_75 = arith.constant 157 : i32
    } else {
    }
    %eq3A_55 = arith.constant 1 : i32
    %eq3A_56 = arith.cmpi eq, %arg0, %eq3A_55 : i32
    %convert_element_type3A_57 = arith.extui %eq3A_56 : i1 to i32
    %cond3A_58 = arith.constant 0 : i32
    %cond3A_59 = arith.cmpi ne, %convert_element_type3A_57, %cond3A_58 : i32
    scf.if %cond3A_59 {
      %scan3A_71 = arith.constant 0 : i32
      %scan3A_72 = arith.constant 157 : i32
      %scan3A_73 = arith.addi %scan3A_71, %scan3A_72 : i32
      %scan3A_74 = arith.constant 1 : i32
      scf.for %scan3A_76 = %scan3A_71 to %scan3A_73 step %scan3A_74  : i32 {
        %mul3A_77 = arith.constant 16 : i32
        %mul3A_78 = arith.muli %mul3A_77, %scan3A_76 : i32
        %add3A_79 = arith.addi %arg1, %mul3A_78 : i32
        %lt3A = arith.constant 2500 : i32
        %lt3A_80 = arith.cmpi slt, %add3A_79, %lt3A : i32
        %convert_element_type3A_81 = arith.extui %lt3A_80 : i1 to i32
        %cond3A_82 = arith.constant 0 : i32
        %cond3A_83 = arith.cmpi ne, %convert_element_type3A_81, %cond3A_82 : i32
        scf.if %cond3A_83 {
          %mul3A_84 = arith.constant 128 : i32
          %mul3A_85 = arith.muli %add3A_79, %mul3A_84 : i32
          %run_scoped3A = arith.constant 1 : i32
          "tpu.region"() ({
            %run_scoped3A_147 = tpu.sem_alloc : memref<!tpu.dma_semaphore, #tpu.memory_space<semaphore_mem>>
            %dma_start3A = tpu.memref_slice %arg2[%run_scoped3A, %mul3A_85] : memref<2x320000xi32, #tpu.memory_space<hbm>> -> memref<1x128xi32, #tpu.memory_space<hbm>>
            %dma_start3A_148 = tpu.memref_squeeze %dma_start3A : memref<1x128xi32, #tpu.memory_space<hbm>> -> memref<128xi32, #tpu.memory_space<hbm>>
            %dma_start3A_149 = tpu.memref_slice %arg2[%run_scoped3A, %mul3A_85] : memref<2x320000xi32, #tpu.memory_space<hbm>> -> memref<1x128xi32, #tpu.memory_space<hbm>>
            %dma_start3A_150 = tpu.memref_squeeze %dma_start3A_149 : memref<1x128xi32, #tpu.memory_space<hbm>> -> memref<128xi32, #tpu.memory_space<hbm>>
            tpu.enqueue_dma source(%dma_start3A_150 : memref<128xi32, #tpu.memory_space<hbm>>) target(%arg5 : memref<128xi32, #tpu.memory_space<vmem>>) target_semaphore(%run_scoped3A_147 : memref<!tpu.dma_semaphore, #tpu.memory_space<semaphore_mem>>)
            %dma_wait3A = tpu.memref_slice %arg2[%run_scoped3A, %mul3A_85] : memref<2x320000xi32, #tpu.memory_space<hbm>> -> memref<1x128xi32, #tpu.memory_space<hbm>>
            %dma_wait3A_151 = tpu.memref_squeeze %dma_wait3A : memref<1x128xi32, #tpu.memory_space<hbm>> -> memref<128xi32, #tpu.memory_space<hbm>>
            %dma_wait3A_152 = tpu.memref_slice %arg2[%run_scoped3A, %mul3A_85] : memref<2x320000xi32, #tpu.memory_space<hbm>> -> memref<1x128xi32, #tpu.memory_space<hbm>>
            %dma_wait3A_153 = tpu.memref_squeeze %dma_wait3A_152 : memref<1x128xi32, #tpu.memory_space<hbm>> -> memref<128xi32, #tpu.memory_space<hbm>>
            tpu.wait_dma2 semaphore(%run_scoped3A_147 : memref<!tpu.dma_semaphore, #tpu.memory_space<semaphore_mem>>) src(%dma_wait3A_153 : memref<128xi32, #tpu.memory_space<hbm>>) dst(%arg5 : memref<128xi32, #tpu.memory_space<vmem>>)
            tpu.yield
          }) : () -> ()
          %get3A = arith.constant 0 : index
          %get3A_86 = tpu.vector_load %arg5[%get3A] {strides = array<i32>} : memref<128xi32, #tpu.memory_space<vmem>>, vector<16xi32>,
          %shift_right_logical3A = arith.constant 7 : i32
          %shift_right_logical3A_87 = vector.broadcast %shift_right_logical3A : i32 to vector<16xi32>
          %shift_right_logical3A_88 = arith.shrui %get3A_86, %shift_right_logical3A_87 : vector<16xi32>
          %and3A = arith.constant 127 : i32
          %and3A_89 = vector.broadcast %and3A : i32 to vector<16xi32>
          %and3A_90 = arith.andi %get3A_86, %and3A_89 : vector<16xi32>
          tpu.vector_store_idx %arg6[%shift_right_logical3A_88, %and3A_90], %broadcast_in_dim3A_2 {add = true} : memref<128x128xf32, #tpu.memory_space<vmem>>[vector<16xi32>, vector<16xi32>], vector<16xf32>,
          %get3A_91 = arith.constant 16 : index
          %get3A_92 = tpu.vector_load %arg5[%get3A_91] {strides = array<i32>} : memref<128xi32, #tpu.memory_space<vmem>>, vector<16xi32>,
          %shift_right_logical3A_93 = arith.constant 7 : i32
          %shift_right_logical3A_94 = vector.broadcast %shift_right_logical3A_93 : i32 to vector<16xi32>
          %shift_right_logical3A_95 = arith.shrui %get3A_92, %shift_right_logical3A_94 : vector<16xi32>
          %and3A_96 = arith.constant 127 : i32
          %and3A_97 = vector.broadcast %and3A_96 : i32 to vector<16xi32>
          %and3A_98 = arith.andi %get3A_92, %and3A_97 : vector<16xi32>
          tpu.vector_store_idx %arg6[%shift_right_logical3A_95, %and3A_98], %broadcast_in_dim3A_2 {add = true} : memref<128x128xf32, #tpu.memory_space<vmem>>[vector<16xi32>, vector<16xi32>], vector<16xf32>,
          %get3A_99 = arith.constant 32 : index
          %get3A_100 = tpu.vector_load %arg5[%get3A_99] {strides = array<i32>} : memref<128xi32, #tpu.memory_space<vmem>>, vector<16xi32>,
          %shift_right_logical3A_101 = arith.constant 7 : i32
          %shift_right_logical3A_102 = vector.broadcast %shift_right_logical3A_101 : i32 to vector<16xi32>
          %shift_right_logical3A_103 = arith.shrui %get3A_100, %shift_right_logical3A_102 : vector<16xi32>
          %and3A_104 = arith.constant 127 : i32
          %and3A_105 = vector.broadcast %and3A_104 : i32 to vector<16xi32>
          %and3A_106 = arith.andi %get3A_100, %and3A_105 : vector<16xi32>
          tpu.vector_store_idx %arg6[%shift_right_logical3A_103, %and3A_106], %broadcast_in_dim3A_2 {add = true} : memref<128x128xf32, #tpu.memory_space<vmem>>[vector<16xi32>, vector<16xi32>], vector<16xf32>,
          %get3A_107 = arith.constant 48 : index
          %get3A_108 = tpu.vector_load %arg5[%get3A_107] {strides = array<i32>} : memref<128xi32, #tpu.memory_space<vmem>>, vector<16xi32>,
          %shift_right_logical3A_109 = arith.constant 7 : i32
          %shift_right_logical3A_110 = vector.broadcast %shift_right_logical3A_109 : i32 to vector<16xi32>
          %shift_right_logical3A_111 = arith.shrui %get3A_108, %shift_right_logical3A_110 : vector<16xi32>
          %and3A_112 = arith.constant 127 : i32
          %and3A_113 = vector.broadcast %and3A_112 : i32 to vector<16xi32>
          %and3A_114 = arith.andi %get3A_108, %and3A_113 : vector<16xi32>
          tpu.vector_store_idx %arg6[%shift_right_logical3A_111, %and3A_114], %broadcast_in_dim3A_2 {add = true} : memref<128x128xf32, #tpu.memory_space<vmem>>[vector<16xi32>, vector<16xi32>], vector<16xf32>,
          %get3A_115 = arith.constant 64 : index
          %get3A_116 = tpu.vector_load %arg5[%get3A_115] {strides = array<i32>} : memref<128xi32, #tpu.memory_space<vmem>>, vector<16xi32>,
          %shift_right_logical3A_117 = arith.constant 7 : i32
          %shift_right_logical3A_118 = vector.broadcast %shift_right_logical3A_117 : i32 to vector<16xi32>
          %shift_right_logical3A_119 = arith.shrui %get3A_116, %shift_right_logical3A_118 : vector<16xi32>
          %and3A_120 = arith.constant 127 : i32
          %and3A_121 = vector.broadcast %and3A_120 : i32 to vector<16xi32>
          %and3A_122 = arith.andi %get3A_116, %and3A_121 : vector<16xi32>
          tpu.vector_store_idx %arg6[%shift_right_logical3A_119, %and3A_122], %broadcast_in_dim3A_2 {add = true} : memref<128x128xf32, #tpu.memory_space<vmem>>[vector<16xi32>, vector<16xi32>], vector<16xf32>,
          %get3A_123 = arith.constant 80 : index
          %get3A_124 = tpu.vector_load %arg5[%get3A_123] {strides = array<i32>} : memref<128xi32, #tpu.memory_space<vmem>>, vector<16xi32>,
          %shift_right_logical3A_125 = arith.constant 7 : i32
          %shift_right_logical3A_126 = vector.broadcast %shift_right_logical3A_125 : i32 to vector<16xi32>
          %shift_right_logical3A_127 = arith.shrui %get3A_124, %shift_right_logical3A_126 : vector<16xi32>
          %and3A_128 = arith.constant 127 : i32
          %and3A_129 = vector.broadcast %and3A_128 : i32 to vector<16xi32>
          %and3A_130 = arith.andi %get3A_124, %and3A_129 : vector<16xi32>
          tpu.vector_store_idx %arg6[%shift_right_logical3A_127, %and3A_130], %broadcast_in_dim3A_2 {add = true} : memref<128x128xf32, #tpu.memory_space<vmem>>[vector<16xi32>, vector<16xi32>], vector<16xf32>,
          %get3A_131 = arith.constant 96 : index
          %get3A_132 = tpu.vector_load %arg5[%get3A_131] {strides = array<i32>} : memref<128xi32, #tpu.memory_space<vmem>>, vector<16xi32>,
          %shift_right_logical3A_133 = arith.constant 7 : i32
          %shift_right_logical3A_134 = vector.broadcast %shift_right_logical3A_133 : i32 to vector<16xi32>
          %shift_right_logical3A_135 = arith.shrui %get3A_132, %shift_right_logical3A_134 : vector<16xi32>
          %and3A_136 = arith.constant 127 : i32
          %and3A_137 = vector.broadcast %and3A_136 : i32 to vector<16xi32>
          %and3A_138 = arith.andi %get3A_132, %and3A_137 : vector<16xi32>
          tpu.vector_store_idx %arg6[%shift_right_logical3A_135, %and3A_138], %broadcast_in_dim3A_2 {add = true} : memref<128x128xf32, #tpu.memory_space<vmem>>[vector<16xi32>, vector<16xi32>], vector<16xf32>,
          %get3A_139 = arith.constant 112 : index
          %get3A_140 = tpu.vector_load %arg5[%get3A_139] {strides = array<i32>} : memref<128xi32, #tpu.memory_space<vmem>>, vector<16xi32>,
          %shift_right_logical3A_141 = arith.constant 7 : i32
          %shift_right_logical3A_142 = vector.broadcast %shift_right_logical3A_141 : i32 to vector<16xi32>
          %shift_right_logical3A_143 = arith.shrui %get3A_140, %shift_right_logical3A_142 : vector<16xi32>
          %and3A_144 = arith.constant 127 : i32
          %and3A_145 = vector.broadcast %and3A_144 : i32 to vector<16xi32>
          %and3A_146 = arith.andi %get3A_140, %and3A_145 : vector<16xi32>
          tpu.vector_store_idx %arg6[%shift_right_logical3A_143, %and3A_146], %broadcast_in_dim3A_2 {add = true} : memref<128x128xf32, #tpu.memory_space<vmem>>[vector<16xi32>, vector<16xi32>], vector<16xf32>,
        } else {
        }
      }
      %scan3A_75 = arith.constant 157 : i32
    } else {
    }
    "tpu.region"() ({
      %run_scoped3A = tpu.sem_alloc : memref<!tpu.dma_semaphore, #tpu.memory_space<semaphore_mem>>
      %dma_start3A = arith.constant 0 : i32
      %dma_start3A_71 = arith.constant 0 : i32
      %dma_start3A_72 = tpu.memref_slice %arg8[%dma_start3A, %dma_start3A_71] : memref<128x128xf32, #tpu.memory_space<vmem_shared>> -> memref<128x128xf32, #tpu.memory_space<vmem_shared>>
      tpu.enqueue_indirect_dma source(%arg6 : memref<128x128xf32, #tpu.memory_space<vmem>>) target(%dma_start3A_72 : memref<128x128xf32, #tpu.memory_space<vmem_shared>>) offsets(%arg7 : memref<128xi32, #tpu.memory_space<vmem>>) semaphore(%run_scoped3A : memref<!tpu.dma_semaphore, #tpu.memory_space<semaphore_mem>>) {add = true}
      %dma_wait3A = arith.constant 0 : i32
      %dma_wait3A_73 = arith.constant 0 : i32
      %dma_wait3A_74 = tpu.memref_slice %arg8[%dma_wait3A, %dma_wait3A_73] : memref<128x128xf32, #tpu.memory_space<vmem_shared>> -> memref<128x128xf32, #tpu.memory_space<vmem_shared>>
      tpu.wait_indirect_dma semaphore(%run_scoped3A : memref<!tpu.dma_semaphore, #tpu.memory_space<semaphore_mem>>) src(%arg6 : memref<128x128xf32, #tpu.memory_space<vmem>>) dst(%dma_wait3A_74 : memref<128x128xf32, #tpu.memory_space<vmem_shared>>)
      tpu.yield
    }) : () -> ()
    %barrier3A_60 = arith.constant 0 : index
    tpu.barrier barrier_id(%barrier3A_60)
    %eq3A_61 = arith.constant 0 : i32
    %eq3A_62 = arith.cmpi eq, %arg0, %eq3A_61 : i32
    %convert_element_type3A_63 = arith.extui %eq3A_62 : i1 to i32
    %cond3A_64 = arith.constant 0 : i32
    %cond3A_65 = arith.cmpi ne, %convert_element_type3A_63, %cond3A_64 : i32
    scf.if %cond3A_65 {
      %mul3A_71 = arith.constant 8 : i32
      %mul3A_72 = arith.muli %arg1, %mul3A_71 : i32
      %mul3A_73 = arith.constant 8 : i32
      %mul3A_74 = arith.muli %arg1, %mul3A_73 : i32
      "tpu.region"() ({
        %run_scoped3A = tpu.sem_alloc : memref<!tpu.dma_semaphore, #tpu.memory_space<semaphore_mem>>
        %dma_start3A = arith.constant 0 : i32
        %dma_start3A_75 = tpu.memref_slice %arg3[%mul3A_74, %dma_start3A] : memref<128x128xf32, #tpu.memory_space<hbm>> -> memref<8x128xf32, #tpu.memory_space<hbm>>
        %dma_start3A_76 = arith.constant 0 : i32
        %dma_start3A_77 = tpu.memref_slice %arg8[%mul3A_72, %dma_start3A_76] : memref<128x128xf32, #tpu.memory_space<vmem_shared>> -> memref<8x128xf32, #tpu.memory_space<vmem_shared>>
        tpu.enqueue_dma source(%dma_start3A_77 : memref<8x128xf32, #tpu.memory_space<vmem_shared>>) target(%dma_start3A_75 : memref<8x128xf32, #tpu.memory_space<hbm>>) target_semaphore(%run_scoped3A : memref<!tpu.dma_semaphore, #tpu.memory_space<semaphore_mem>>)
        %dma_wait3A = arith.constant 0 : i32
        %dma_wait3A_78 = tpu.memref_slice %arg3[%mul3A_74, %dma_wait3A] : memref<128x128xf32, #tpu.memory_space<hbm>> -> memref<8x128xf32, #tpu.memory_space<hbm>>
        %dma_wait3A_79 = arith.constant 0 : i32
        %dma_wait3A_80 = tpu.memref_slice %arg8[%mul3A_72, %dma_wait3A_79] : memref<128x128xf32, #tpu.memory_space<vmem_shared>> -> memref<8x128xf32, #tpu.memory_space<vmem_shared>>
        tpu.wait_dma2 semaphore(%run_scoped3A : memref<!tpu.dma_semaphore, #tpu.memory_space<semaphore_mem>>) src(%dma_wait3A_80 : memref<8x128xf32, #tpu.memory_space<vmem_shared>>) dst(%dma_wait3A_78 : memref<8x128xf32, #tpu.memory_space<hbm>>)
        tpu.yield
      }) : () -> ()
    } else {
    }
    %eq3A_66 = arith.constant 1 : i32
    %eq3A_67 = arith.cmpi eq, %arg0, %eq3A_66 : i32
    %convert_element_type3A_68 = arith.extui %eq3A_67 : i1 to i32
    %cond3A_69 = arith.constant 0 : i32
    %cond3A_70 = arith.cmpi ne, %convert_element_type3A_68, %cond3A_69 : i32
    scf.if %cond3A_70 {
      %mul3A_71 = arith.constant 8 : i32
      %mul3A_72 = arith.muli %arg1, %mul3A_71 : i32
      %mul3A_73 = arith.constant 8 : i32
      %mul3A_74 = arith.muli %arg1, %mul3A_73 : i32
      "tpu.region"() ({
        %run_scoped3A = tpu.sem_alloc : memref<!tpu.dma_semaphore, #tpu.memory_space<semaphore_mem>>
        %dma_start3A = arith.constant 0 : i32
        %dma_start3A_75 = tpu.memref_slice %arg4[%mul3A_74, %dma_start3A] : memref<128x128xf32, #tpu.memory_space<hbm>> -> memref<8x128xf32, #tpu.memory_space<hbm>>
        %dma_start3A_76 = arith.constant 0 : i32
        %dma_start3A_77 = tpu.memref_slice %arg8[%mul3A_72, %dma_start3A_76] : memref<128x128xf32, #tpu.memory_space<vmem_shared>> -> memref<8x128xf32, #tpu.memory_space<vmem_shared>>
        tpu.enqueue_dma source(%dma_start3A_77 : memref<8x128xf32, #tpu.memory_space<vmem_shared>>) target(%dma_start3A_75 : memref<8x128xf32, #tpu.memory_space<hbm>>) target_semaphore(%run_scoped3A : memref<!tpu.dma_semaphore, #tpu.memory_space<semaphore_mem>>)
        %dma_wait3A = arith.constant 0 : i32
        %dma_wait3A_78 = tpu.memref_slice %arg4[%mul3A_74, %dma_wait3A] : memref<128x128xf32, #tpu.memory_space<hbm>> -> memref<8x128xf32, #tpu.memory_space<hbm>>
        %dma_wait3A_79 = arith.constant 0 : i32
        %dma_wait3A_80 = tpu.memref_slice %arg8[%mul3A_72, %dma_wait3A_79] : memref<128x128xf32, #tpu.memory_space<vmem_shared>> -> memref<8x128xf32, #tpu.memory_space<vmem_shared>>
        tpu.wait_dma2 semaphore(%run_scoped3A : memref<!tpu.dma_semaphore, #tpu.memory_space<semaphore_mem>>) src(%dma_wait3A_80 : memref<8x128xf32, #tpu.memory_space<vmem_shared>>) dst(%dma_wait3A_78 : memref<8x128xf32, #tpu.memory_space<hbm>>)
        tpu.yield
      }) : () -> ()
    } else {
    }
    return
  }
}

#map = affine_map<(d0, d1) -> (0, 0)>
#map1 = affine_map<(d0, d1) -> (0, 0, 0)>
module attributes {stable_mosaic.version = 14 : i64} {
  func.func @_scatter_body(%arg0: i32, %arg1: i32, %arg2: memref<10000x128xf32, #tpu.memory_space<hbm>>, %arg3: memref<2x320000xi32, #tpu.memory_space<hbm>>, %arg4: memref<2x10240x128xf32, #tpu.memory_space<hbm>>, %arg5: memref<128xi32, #tpu.memory_space<vmem>>, %arg6: memref<128xi32, #tpu.memory_space<vmem>>, %arg7: memref<128x128xf32, #tpu.memory_space<vmem>>, %arg8: memref<10240x128xf32, #tpu.memory_space<vmem_shared>>, %arg9: memref<!tpu.dma_semaphore, #tpu.memory_space<semaphore_mem>>) attributes {dimension_semantics = [#tpu.dimension_semantics<core_parallel>, #tpu.dimension_semantics<subcore_parallel>], iteration_bounds = array<i64: 2, 16>, scalar_prefetch = 0 : i64, scratch_operands = 5 : i64, tpu.core_type = #tpu.core_type<sc_vector_subcore>, window_params = [{transform_indices = #map}, {transform_indices = #map}, {transform_indices = #map1}]} {
    %mul3A = arith.constant 2 : i32
    %mul3A_0 = arith.muli %arg1, %mul3A : i32
    %add3A = arith.addi %mul3A_0, %arg0 : i32
    %broadcast_in_dim3A = arith.constant 0.000000e+00 : f32
    %broadcast_in_dim3A_1 = vector.broadcast %broadcast_in_dim3A : f32 to vector<16xf32>
    %scan3A = arith.constant 0 : i32
    %scan3A_2 = arith.constant 128 : i32
    %scan3A_3 = arith.addi %scan3A, %scan3A_2 : i32
    %scan3A_4 = arith.constant 1 : i32
    scf.for %scan3A_36 = %scan3A to %scan3A_3 step %scan3A_4  : i32 {
      %swap3A = arith.index_cast %scan3A_36 : i32 to index
      %swap3A_37 = arith.constant 0 : index
      %swap3A_38 = tpu.vector_load %arg7[%swap3A, %swap3A_37] {strides = array<i32>} : memref<128x128xf32, #tpu.memory_space<vmem>>, vector<16xf32>,
      tpu.vector_store %arg7[%swap3A, %swap3A_37], %broadcast_in_dim3A_1 {strides = array<i32>} : memref<128x128xf32, #tpu.memory_space<vmem>>, vector<16xf32>,
      %swap3A_39 = arith.index_cast %scan3A_36 : i32 to index
      %swap3A_40 = arith.constant 16 : index
      %swap3A_41 = tpu.vector_load %arg7[%swap3A_39, %swap3A_40] {strides = array<i32>} : memref<128x128xf32, #tpu.memory_space<vmem>>, vector<16xf32>,
      tpu.vector_store %arg7[%swap3A_39, %swap3A_40], %broadcast_in_dim3A_1 {strides = array<i32>} : memref<128x128xf32, #tpu.memory_space<vmem>>, vector<16xf32>,
      %swap3A_42 = arith.index_cast %scan3A_36 : i32 to index
      %swap3A_43 = arith.constant 32 : index
      %swap3A_44 = tpu.vector_load %arg7[%swap3A_42, %swap3A_43] {strides = array<i32>} : memref<128x128xf32, #tpu.memory_space<vmem>>, vector<16xf32>,
      tpu.vector_store %arg7[%swap3A_42, %swap3A_43], %broadcast_in_dim3A_1 {strides = array<i32>} : memref<128x128xf32, #tpu.memory_space<vmem>>, vector<16xf32>,
      %swap3A_45 = arith.index_cast %scan3A_36 : i32 to index
      %swap3A_46 = arith.constant 48 : index
      %swap3A_47 = tpu.vector_load %arg7[%swap3A_45, %swap3A_46] {strides = array<i32>} : memref<128x128xf32, #tpu.memory_space<vmem>>, vector<16xf32>,
      tpu.vector_store %arg7[%swap3A_45, %swap3A_46], %broadcast_in_dim3A_1 {strides = array<i32>} : memref<128x128xf32, #tpu.memory_space<vmem>>, vector<16xf32>,
      %swap3A_48 = arith.index_cast %scan3A_36 : i32 to index
      %swap3A_49 = arith.constant 64 : index
      %swap3A_50 = tpu.vector_load %arg7[%swap3A_48, %swap3A_49] {strides = array<i32>} : memref<128x128xf32, #tpu.memory_space<vmem>>, vector<16xf32>,
      tpu.vector_store %arg7[%swap3A_48, %swap3A_49], %broadcast_in_dim3A_1 {strides = array<i32>} : memref<128x128xf32, #tpu.memory_space<vmem>>, vector<16xf32>,
      %swap3A_51 = arith.index_cast %scan3A_36 : i32 to index
      %swap3A_52 = arith.constant 80 : index
      %swap3A_53 = tpu.vector_load %arg7[%swap3A_51, %swap3A_52] {strides = array<i32>} : memref<128x128xf32, #tpu.memory_space<vmem>>, vector<16xf32>,
      tpu.vector_store %arg7[%swap3A_51, %swap3A_52], %broadcast_in_dim3A_1 {strides = array<i32>} : memref<128x128xf32, #tpu.memory_space<vmem>>, vector<16xf32>,
      %swap3A_54 = arith.index_cast %scan3A_36 : i32 to index
      %swap3A_55 = arith.constant 96 : index
      %swap3A_56 = tpu.vector_load %arg7[%swap3A_54, %swap3A_55] {strides = array<i32>} : memref<128x128xf32, #tpu.memory_space<vmem>>, vector<16xf32>,
      tpu.vector_store %arg7[%swap3A_54, %swap3A_55], %broadcast_in_dim3A_1 {strides = array<i32>} : memref<128x128xf32, #tpu.memory_space<vmem>>, vector<16xf32>,
      %swap3A_57 = arith.index_cast %scan3A_36 : i32 to index
      %swap3A_58 = arith.constant 112 : index
      %swap3A_59 = tpu.vector_load %arg7[%swap3A_57, %swap3A_58] {strides = array<i32>} : memref<128x128xf32, #tpu.memory_space<vmem>>, vector<16xf32>,
      tpu.vector_store %arg7[%swap3A_57, %swap3A_58], %broadcast_in_dim3A_1 {strides = array<i32>} : memref<128x128xf32, #tpu.memory_space<vmem>>, vector<16xf32>,
    }
    %scan3A_5 = arith.constant 128 : i32
    %mul3A_6 = arith.constant 640 : i32
    %mul3A_7 = arith.muli %arg1, %mul3A_6 : i32
    %add3A_8 = arith.constant 0 : i32
    %add3A_9 = arith.addi %mul3A_7, %add3A_8 : i32
    "tpu.region"() ({
      %run_scoped3A = tpu.sem_alloc : memref<!tpu.dma_semaphore, #tpu.memory_space<semaphore_mem>>
      %dma_start3A = arith.constant 0 : i32
      %dma_start3A_36 = tpu.memref_slice %arg8[%add3A_9, %dma_start3A] : memref<10240x128xf32, #tpu.memory_space<vmem_shared>> -> memref<128x128xf32, #tpu.memory_space<vmem_shared>>
      %dma_start3A_37 = arith.constant 0 : i32
      %dma_start3A_38 = tpu.memref_slice %arg8[%add3A_9, %dma_start3A_37] : memref<10240x128xf32, #tpu.memory_space<vmem_shared>> -> memref<128x128xf32, #tpu.memory_space<vmem_shared>>
      tpu.enqueue_dma source(%arg7 : memref<128x128xf32, #tpu.memory_space<vmem>>) target(%dma_start3A_38 : memref<128x128xf32, #tpu.memory_space<vmem_shared>>) target_semaphore(%run_scoped3A : memref<!tpu.dma_semaphore, #tpu.memory_space<semaphore_mem>>)
      %dma_wait3A = arith.constant 0 : i32
      %dma_wait3A_39 = tpu.memref_slice %arg8[%add3A_9, %dma_wait3A] : memref<10240x128xf32, #tpu.memory_space<vmem_shared>> -> memref<128x128xf32, #tpu.memory_space<vmem_shared>>
      %dma_wait3A_40 = arith.constant 0 : i32
      %dma_wait3A_41 = tpu.memref_slice %arg8[%add3A_9, %dma_wait3A_40] : memref<10240x128xf32, #tpu.memory_space<vmem_shared>> -> memref<128x128xf32, #tpu.memory_space<vmem_shared>>
      tpu.wait_dma2 semaphore(%run_scoped3A : memref<!tpu.dma_semaphore, #tpu.memory_space<semaphore_mem>>) src(%arg7 : memref<128x128xf32, #tpu.memory_space<vmem>>) dst(%dma_wait3A_41 : memref<128x128xf32, #tpu.memory_space<vmem_shared>>)
      tpu.yield
    }) : () -> ()
    %mul3A_10 = arith.constant 640 : i32
    %mul3A_11 = arith.muli %arg1, %mul3A_10 : i32
    %add3A_12 = arith.constant 128 : i32
    %add3A_13 = arith.addi %mul3A_11, %add3A_12 : i32
    "tpu.region"() ({
      %run_scoped3A = tpu.sem_alloc : memref<!tpu.dma_semaphore, #tpu.memory_space<semaphore_mem>>
      %dma_start3A = arith.constant 0 : i32
      %dma_start3A_36 = tpu.memref_slice %arg8[%add3A_13, %dma_start3A] : memref<10240x128xf32, #tpu.memory_space<vmem_shared>> -> memref<128x128xf32, #tpu.memory_space<vmem_shared>>
      %dma_start3A_37 = arith.constant 0 : i32
      %dma_start3A_38 = tpu.memref_slice %arg8[%add3A_13, %dma_start3A_37] : memref<10240x128xf32, #tpu.memory_space<vmem_shared>> -> memref<128x128xf32, #tpu.memory_space<vmem_shared>>
      tpu.enqueue_dma source(%arg7 : memref<128x128xf32, #tpu.memory_space<vmem>>) target(%dma_start3A_38 : memref<128x128xf32, #tpu.memory_space<vmem_shared>>) target_semaphore(%run_scoped3A : memref<!tpu.dma_semaphore, #tpu.memory_space<semaphore_mem>>)
      %dma_wait3A = arith.constant 0 : i32
      %dma_wait3A_39 = tpu.memref_slice %arg8[%add3A_13, %dma_wait3A] : memref<10240x128xf32, #tpu.memory_space<vmem_shared>> -> memref<128x128xf32, #tpu.memory_space<vmem_shared>>
      %dma_wait3A_40 = arith.constant 0 : i32
      %dma_wait3A_41 = tpu.memref_slice %arg8[%add3A_13, %dma_wait3A_40] : memref<10240x128xf32, #tpu.memory_space<vmem_shared>> -> memref<128x128xf32, #tpu.memory_space<vmem_shared>>
      tpu.wait_dma2 semaphore(%run_scoped3A : memref<!tpu.dma_semaphore, #tpu.memory_space<semaphore_mem>>) src(%arg7 : memref<128x128xf32, #tpu.memory_space<vmem>>) dst(%dma_wait3A_41 : memref<128x128xf32, #tpu.memory_space<vmem_shared>>)
      tpu.yield
    }) : () -> ()
    %mul3A_14 = arith.constant 640 : i32
    %mul3A_15 = arith.muli %arg1, %mul3A_14 : i32
    %add3A_16 = arith.constant 256 : i32
    %add3A_17 = arith.addi %mul3A_15, %add3A_16 : i32
    "tpu.region"() ({
      %run_scoped3A = tpu.sem_alloc : memref<!tpu.dma_semaphore, #tpu.memory_space<semaphore_mem>>
      %dma_start3A = arith.constant 0 : i32
      %dma_start3A_36 = tpu.memref_slice %arg8[%add3A_17, %dma_start3A] : memref<10240x128xf32, #tpu.memory_space<vmem_shared>> -> memref<128x128xf32, #tpu.memory_space<vmem_shared>>
      %dma_start3A_37 = arith.constant 0 : i32
      %dma_start3A_38 = tpu.memref_slice %arg8[%add3A_17, %dma_start3A_37] : memref<10240x128xf32, #tpu.memory_space<vmem_shared>> -> memref<128x128xf32, #tpu.memory_space<vmem_shared>>
      tpu.enqueue_dma source(%arg7 : memref<128x128xf32, #tpu.memory_space<vmem>>) target(%dma_start3A_38 : memref<128x128xf32, #tpu.memory_space<vmem_shared>>) target_semaphore(%run_scoped3A : memref<!tpu.dma_semaphore, #tpu.memory_space<semaphore_mem>>)
      %dma_wait3A = arith.constant 0 : i32
      %dma_wait3A_39 = tpu.memref_slice %arg8[%add3A_17, %dma_wait3A] : memref<10240x128xf32, #tpu.memory_space<vmem_shared>> -> memref<128x128xf32, #tpu.memory_space<vmem_shared>>
      %dma_wait3A_40 = arith.constant 0 : i32
      %dma_wait3A_41 = tpu.memref_slice %arg8[%add3A_17, %dma_wait3A_40] : memref<10240x128xf32, #tpu.memory_space<vmem_shared>> -> memref<128x128xf32, #tpu.memory_space<vmem_shared>>
      tpu.wait_dma2 semaphore(%run_scoped3A : memref<!tpu.dma_semaphore, #tpu.memory_space<semaphore_mem>>) src(%arg7 : memref<128x128xf32, #tpu.memory_space<vmem>>) dst(%dma_wait3A_41 : memref<128x128xf32, #tpu.memory_space<vmem_shared>>)
      tpu.yield
    }) : () -> ()
    %mul3A_18 = arith.constant 640 : i32
    %mul3A_19 = arith.muli %arg1, %mul3A_18 : i32
    %add3A_20 = arith.constant 384 : i32
    %add3A_21 = arith.addi %mul3A_19, %add3A_20 : i32
    "tpu.region"() ({
      %run_scoped3A = tpu.sem_alloc : memref<!tpu.dma_semaphore, #tpu.memory_space<semaphore_mem>>
      %dma_start3A = arith.constant 0 : i32
      %dma_start3A_36 = tpu.memref_slice %arg8[%add3A_21, %dma_start3A] : memref<10240x128xf32, #tpu.memory_space<vmem_shared>> -> memref<128x128xf32, #tpu.memory_space<vmem_shared>>
      %dma_start3A_37 = arith.constant 0 : i32
      %dma_start3A_38 = tpu.memref_slice %arg8[%add3A_21, %dma_start3A_37] : memref<10240x128xf32, #tpu.memory_space<vmem_shared>> -> memref<128x128xf32, #tpu.memory_space<vmem_shared>>
      tpu.enqueue_dma source(%arg7 : memref<128x128xf32, #tpu.memory_space<vmem>>) target(%dma_start3A_38 : memref<128x128xf32, #tpu.memory_space<vmem_shared>>) target_semaphore(%run_scoped3A : memref<!tpu.dma_semaphore, #tpu.memory_space<semaphore_mem>>)
      %dma_wait3A = arith.constant 0 : i32
      %dma_wait3A_39 = tpu.memref_slice %arg8[%add3A_21, %dma_wait3A] : memref<10240x128xf32, #tpu.memory_space<vmem_shared>> -> memref<128x128xf32, #tpu.memory_space<vmem_shared>>
      %dma_wait3A_40 = arith.constant 0 : i32
      %dma_wait3A_41 = tpu.memref_slice %arg8[%add3A_21, %dma_wait3A_40] : memref<10240x128xf32, #tpu.memory_space<vmem_shared>> -> memref<128x128xf32, #tpu.memory_space<vmem_shared>>
      tpu.wait_dma2 semaphore(%run_scoped3A : memref<!tpu.dma_semaphore, #tpu.memory_space<semaphore_mem>>) src(%arg7 : memref<128x128xf32, #tpu.memory_space<vmem>>) dst(%dma_wait3A_41 : memref<128x128xf32, #tpu.memory_space<vmem_shared>>)
      tpu.yield
    }) : () -> ()
    %mul3A_22 = arith.constant 640 : i32
    %mul3A_23 = arith.muli %arg1, %mul3A_22 : i32
    %add3A_24 = arith.constant 512 : i32
    %add3A_25 = arith.addi %mul3A_23, %add3A_24 : i32
    "tpu.region"() ({
      %run_scoped3A = tpu.sem_alloc : memref<!tpu.dma_semaphore, #tpu.memory_space<semaphore_mem>>
      %dma_start3A = arith.constant 0 : i32
      %dma_start3A_36 = tpu.memref_slice %arg8[%add3A_25, %dma_start3A] : memref<10240x128xf32, #tpu.memory_space<vmem_shared>> -> memref<128x128xf32, #tpu.memory_space<vmem_shared>>
      %dma_start3A_37 = arith.constant 0 : i32
      %dma_start3A_38 = tpu.memref_slice %arg8[%add3A_25, %dma_start3A_37] : memref<10240x128xf32, #tpu.memory_space<vmem_shared>> -> memref<128x128xf32, #tpu.memory_space<vmem_shared>>
      tpu.enqueue_dma source(%arg7 : memref<128x128xf32, #tpu.memory_space<vmem>>) target(%dma_start3A_38 : memref<128x128xf32, #tpu.memory_space<vmem_shared>>) target_semaphore(%run_scoped3A : memref<!tpu.dma_semaphore, #tpu.memory_space<semaphore_mem>>)
      %dma_wait3A = arith.constant 0 : i32
      %dma_wait3A_39 = tpu.memref_slice %arg8[%add3A_25, %dma_wait3A] : memref<10240x128xf32, #tpu.memory_space<vmem_shared>> -> memref<128x128xf32, #tpu.memory_space<vmem_shared>>
      %dma_wait3A_40 = arith.constant 0 : i32
      %dma_wait3A_41 = tpu.memref_slice %arg8[%add3A_25, %dma_wait3A_40] : memref<10240x128xf32, #tpu.memory_space<vmem_shared>> -> memref<128x128xf32, #tpu.memory_space<vmem_shared>>
      tpu.wait_dma2 semaphore(%run_scoped3A : memref<!tpu.dma_semaphore, #tpu.memory_space<semaphore_mem>>) src(%arg7 : memref<128x128xf32, #tpu.memory_space<vmem>>) dst(%dma_wait3A_41 : memref<128x128xf32, #tpu.memory_space<vmem_shared>>)
      tpu.yield
    }) : () -> ()
    %barrier3A = arith.constant 0 : index
    tpu.barrier barrier_id(%barrier3A)
    %scan3A_26 = arith.constant 0 : i32
    %scan3A_27 = arith.constant 79 : i32
    %scan3A_28 = arith.addi %scan3A_26, %scan3A_27 : i32
    %scan3A_29 = arith.constant 1 : i32
    scf.for %scan3A_36 = %scan3A_26 to %scan3A_28 step %scan3A_29  : i32 {
      %mul3A_37 = arith.constant 32 : i32
      %mul3A_38 = arith.muli %mul3A_37, %scan3A_36 : i32
      %add3A_39 = arith.addi %add3A, %mul3A_38 : i32
      %lt3A = arith.constant 2500 : i32
      %lt3A_40 = arith.cmpi slt, %add3A_39, %lt3A : i32
      %convert_element_type3A = arith.extui %lt3A_40 : i1 to i32
      %cond3A = arith.constant 0 : i32
      %cond3A_41 = arith.cmpi ne, %convert_element_type3A, %cond3A : i32
      scf.if %cond3A_41 {
        %mul3A_42 = arith.constant 128 : i32
        %mul3A_43 = arith.muli %add3A_39, %mul3A_42 : i32
        %run_scoped3A = arith.constant 1 : i32
        "tpu.region"() ({
          %run_scoped3A_51 = tpu.sem_alloc : memref<!tpu.dma_semaphore, #tpu.memory_space<semaphore_mem>>
          %dma_start3A_52 = tpu.memref_slice %arg3[%run_scoped3A, %mul3A_43] : memref<2x320000xi32, #tpu.memory_space<hbm>> -> memref<1x128xi32, #tpu.memory_space<hbm>>
          %dma_start3A_53 = tpu.memref_squeeze %dma_start3A_52 : memref<1x128xi32, #tpu.memory_space<hbm>> -> memref<128xi32, #tpu.memory_space<hbm>>
          %dma_start3A_54 = tpu.memref_slice %arg3[%run_scoped3A, %mul3A_43] : memref<2x320000xi32, #tpu.memory_space<hbm>> -> memref<1x128xi32, #tpu.memory_space<hbm>>
          %dma_start3A_55 = tpu.memref_squeeze %dma_start3A_54 : memref<1x128xi32, #tpu.memory_space<hbm>> -> memref<128xi32, #tpu.memory_space<hbm>>
          tpu.enqueue_dma source(%dma_start3A_55 : memref<128xi32, #tpu.memory_space<hbm>>) target(%arg5 : memref<128xi32, #tpu.memory_space<vmem>>) target_semaphore(%run_scoped3A_51 : memref<!tpu.dma_semaphore, #tpu.memory_space<semaphore_mem>>)
          %dma_wait3A_56 = tpu.memref_slice %arg3[%run_scoped3A, %mul3A_43] : memref<2x320000xi32, #tpu.memory_space<hbm>> -> memref<1x128xi32, #tpu.memory_space<hbm>>
          %dma_wait3A_57 = tpu.memref_squeeze %dma_wait3A_56 : memref<1x128xi32, #tpu.memory_space<hbm>> -> memref<128xi32, #tpu.memory_space<hbm>>
          %dma_wait3A_58 = tpu.memref_slice %arg3[%run_scoped3A, %mul3A_43] : memref<2x320000xi32, #tpu.memory_space<hbm>> -> memref<1x128xi32, #tpu.memory_space<hbm>>
          %dma_wait3A_59 = tpu.memref_squeeze %dma_wait3A_58 : memref<1x128xi32, #tpu.memory_space<hbm>> -> memref<128xi32, #tpu.memory_space<hbm>>
          tpu.wait_dma2 semaphore(%run_scoped3A_51 : memref<!tpu.dma_semaphore, #tpu.memory_space<semaphore_mem>>) src(%dma_wait3A_59 : memref<128xi32, #tpu.memory_space<hbm>>) dst(%arg5 : memref<128xi32, #tpu.memory_space<vmem>>)
          tpu.yield
        }) : () -> ()
        %mul3A_44 = arith.constant 128 : i32
        %mul3A_45 = arith.muli %add3A_39, %mul3A_44 : i32
        %run_scoped3A_46 = arith.constant 0 : i32
        "tpu.region"() ({
          %run_scoped3A_51 = tpu.sem_alloc : memref<!tpu.dma_semaphore, #tpu.memory_space<semaphore_mem>>
          %dma_start3A_52 = tpu.memref_slice %arg3[%run_scoped3A_46, %mul3A_45] : memref<2x320000xi32, #tpu.memory_space<hbm>> -> memref<1x128xi32, #tpu.memory_space<hbm>>
          %dma_start3A_53 = tpu.memref_squeeze %dma_start3A_52 : memref<1x128xi32, #tpu.memory_space<hbm>> -> memref<128xi32, #tpu.memory_space<hbm>>
          %dma_start3A_54 = tpu.memref_slice %arg3[%run_scoped3A_46, %mul3A_45] : memref<2x320000xi32, #tpu.memory_space<hbm>> -> memref<1x128xi32, #tpu.memory_space<hbm>>
          %dma_start3A_55 = tpu.memref_squeeze %dma_start3A_54 : memref<1x128xi32, #tpu.memory_space<hbm>> -> memref<128xi32, #tpu.memory_space<hbm>>
          tpu.enqueue_dma source(%dma_start3A_55 : memref<128xi32, #tpu.memory_space<hbm>>) target(%arg6 : memref<128xi32, #tpu.memory_space<vmem>>) target_semaphore(%run_scoped3A_51 : memref<!tpu.dma_semaphore, #tpu.memory_space<semaphore_mem>>)
          %dma_wait3A_56 = tpu.memref_slice %arg3[%run_scoped3A_46, %mul3A_45] : memref<2x320000xi32, #tpu.memory_space<hbm>> -> memref<1x128xi32, #tpu.memory_space<hbm>>
          %dma_wait3A_57 = tpu.memref_squeeze %dma_wait3A_56 : memref<1x128xi32, #tpu.memory_space<hbm>> -> memref<128xi32, #tpu.memory_space<hbm>>
          %dma_wait3A_58 = tpu.memref_slice %arg3[%run_scoped3A_46, %mul3A_45] : memref<2x320000xi32, #tpu.memory_space<hbm>> -> memref<1x128xi32, #tpu.memory_space<hbm>>
          %dma_wait3A_59 = tpu.memref_squeeze %dma_wait3A_58 : memref<1x128xi32, #tpu.memory_space<hbm>> -> memref<128xi32, #tpu.memory_space<hbm>>
          tpu.wait_dma2 semaphore(%run_scoped3A_51 : memref<!tpu.dma_semaphore, #tpu.memory_space<semaphore_mem>>) src(%dma_wait3A_59 : memref<128xi32, #tpu.memory_space<hbm>>) dst(%arg6 : memref<128xi32, #tpu.memory_space<vmem>>)
          tpu.yield
        }) : () -> ()
        %dma_start3A = arith.constant 0 : i32
        %dma_start3A_47 = arith.constant 0 : i32
        %dma_start3A_48 = tpu.memref_slice %arg2[%dma_start3A, %dma_start3A_47] : memref<10000x128xf32, #tpu.memory_space<hbm>> -> memref<10000x128xf32, #tpu.memory_space<hbm>>
        tpu.enqueue_indirect_dma source(%dma_start3A_48 : memref<10000x128xf32, #tpu.memory_space<hbm>>) target(%arg7 : memref<128x128xf32, #tpu.memory_space<vmem>>) offsets(%arg5 : memref<128xi32, #tpu.memory_space<vmem>>) semaphore(%arg9 : memref<!tpu.dma_semaphore, #tpu.memory_space<semaphore_mem>>)
        %dma_wait3A = arith.constant 0 : i32
        %dma_wait3A_49 = arith.constant 0 : i32
        %dma_wait3A_50 = tpu.memref_slice %arg2[%dma_wait3A, %dma_wait3A_49] : memref<10000x128xf32, #tpu.memory_space<hbm>> -> memref<10000x128xf32, #tpu.memory_space<hbm>>
        tpu.wait_indirect_dma semaphore(%arg9 : memref<!tpu.dma_semaphore, #tpu.memory_space<semaphore_mem>>) src(%dma_wait3A_50 : memref<10000x128xf32, #tpu.memory_space<hbm>>) dst(%arg7 : memref<128x128xf32, #tpu.memory_space<vmem>>)
        "tpu.region"() ({
          %run_scoped3A_51 = tpu.sem_alloc : memref<!tpu.dma_semaphore, #tpu.memory_space<semaphore_mem>>
          %dma_start3A_52 = arith.constant 0 : i32
          %dma_start3A_53 = arith.constant 0 : i32
          %dma_start3A_54 = tpu.memref_slice %arg8[%dma_start3A_52, %dma_start3A_53] : memref<10240x128xf32, #tpu.memory_space<vmem_shared>> -> memref<10240x128xf32, #tpu.memory_space<vmem_shared>>
          tpu.enqueue_indirect_dma source(%arg7 : memref<128x128xf32, #tpu.memory_space<vmem>>) target(%dma_start3A_54 : memref<10240x128xf32, #tpu.memory_space<vmem_shared>>) offsets(%arg6 : memref<128xi32, #tpu.memory_space<vmem>>) semaphore(%run_scoped3A_51 : memref<!tpu.dma_semaphore, #tpu.memory_space<semaphore_mem>>) {add = true}
          %dma_wait3A_55 = arith.constant 0 : i32
          %dma_wait3A_56 = arith.constant 0 : i32
          %dma_wait3A_57 = tpu.memref_slice %arg8[%dma_wait3A_55, %dma_wait3A_56] : memref<10240x128xf32, #tpu.memory_space<vmem_shared>> -> memref<10240x128xf32, #tpu.memory_space<vmem_shared>>
          tpu.wait_indirect_dma semaphore(%run_scoped3A_51 : memref<!tpu.dma_semaphore, #tpu.memory_space<semaphore_mem>>) src(%arg7 : memref<128x128xf32, #tpu.memory_space<vmem>>) dst(%dma_wait3A_57 : memref<10240x128xf32, #tpu.memory_space<vmem_shared>>)
          tpu.yield
        }) : () -> ()
      } else {
      }
    }
    %scan3A_30 = arith.constant 79 : i32
    %barrier3A_31 = arith.constant 0 : index
    tpu.barrier barrier_id(%barrier3A_31)
    %mul3A_32 = arith.constant 640 : i32
    %mul3A_33 = arith.muli %arg1, %mul3A_32 : i32
    %mul3A_34 = arith.constant 640 : i32
    %mul3A_35 = arith.muli %arg1, %mul3A_34 : i32
    "tpu.region"() ({
      %run_scoped3A = tpu.sem_alloc : memref<!tpu.dma_semaphore, #tpu.memory_space<semaphore_mem>>
      %dma_start3A = arith.constant 0 : i32
      %dma_start3A_36 = tpu.memref_slice %arg4[%arg0, %mul3A_35, %dma_start3A] : memref<2x10240x128xf32, #tpu.memory_space<hbm>> -> memref<1x640x128xf32, #tpu.memory_space<hbm>>
      %dma_start3A_37 = tpu.memref_squeeze %dma_start3A_36 : memref<1x640x128xf32, #tpu.memory_space<hbm>> -> memref<640x128xf32, #tpu.memory_space<hbm>>
      %dma_start3A_38 = arith.constant 0 : i32
      %dma_start3A_39 = tpu.memref_slice %arg8[%mul3A_33, %dma_start3A_38] : memref<10240x128xf32, #tpu.memory_space<vmem_shared>> -> memref<640x128xf32, #tpu.memory_space<vmem_shared>>
      tpu.enqueue_dma source(%dma_start3A_39 : memref<640x128xf32, #tpu.memory_space<vmem_shared>>) target(%dma_start3A_37 : memref<640x128xf32, #tpu.memory_space<hbm>>) target_semaphore(%run_scoped3A : memref<!tpu.dma_semaphore, #tpu.memory_space<semaphore_mem>>)
      %dma_wait3A = arith.constant 0 : i32
      %dma_wait3A_40 = tpu.memref_slice %arg4[%arg0, %mul3A_35, %dma_wait3A] : memref<2x10240x128xf32, #tpu.memory_space<hbm>> -> memref<1x640x128xf32, #tpu.memory_space<hbm>>
      %dma_wait3A_41 = tpu.memref_squeeze %dma_wait3A_40 : memref<1x640x128xf32, #tpu.memory_space<hbm>> -> memref<640x128xf32, #tpu.memory_space<hbm>>
      %dma_wait3A_42 = arith.constant 0 : i32
      %dma_wait3A_43 = tpu.memref_slice %arg8[%mul3A_33, %dma_wait3A_42] : memref<10240x128xf32, #tpu.memory_space<vmem_shared>> -> memref<640x128xf32, #tpu.memory_space<vmem_shared>>
      tpu.wait_dma2 semaphore(%run_scoped3A : memref<!tpu.dma_semaphore, #tpu.memory_space<semaphore_mem>>) src(%dma_wait3A_43 : memref<640x128xf32, #tpu.memory_space<vmem_shared>>) dst(%dma_wait3A_41 : memref<640x128xf32, #tpu.memory_space<hbm>>)
      tpu.yield
    }) : () -> ()
    return
  }
}

module attributes {stable_mosaic.version = 14 : i64} {
  func.func @_ecomb_body(%arg0: i32, %arg1: memref<2x1000x128xf32, #tpu.memory_space<vmem>>, %arg2: memref<1000x1xf32, #tpu.memory_space<vmem>>, %arg3: memref<1000x128xf32, #tpu.memory_space<vmem>>) attributes {dimension_semantics = [#tpu.dimension_semantics<arbitrary>], iteration_bounds = array<i64: 10>, scalar_prefetch = 0 : i64, scratch_operands = 0 : i64, tpu.core_type = #tpu.core_type<tc>, window_params = [{transform_indices = @transform_0, window_bounds = array<i64: 2, 1000, 128>}, {transform_indices = @transform_1, window_bounds = array<i64: 1000, 1>}, {transform_indices = @transform_2, window_bounds = array<i64: 1000, 128>}]} {
    %get3A = arith.constant 0 : index
    %get3A_0 = arith.constant 0 : index
    %get3A_1 = vector.load %arg2[%get3A, %get3A_0] : memref<1000x1xf32, #tpu.memory_space<vmem>>, vector<1000x1xf32>
    %eq3A = arith.constant 0.000000e+00 : f32
    %eq3A_2 = vector.broadcast %eq3A : f32 to vector<1000x1xf32>
    %eq3A_3 = arith.cmpf oeq, %get3A_1, %eq3A_2 : vector<1000x1xf32>
    %div3A = arith.constant 1.000000e+00 : f32
    %div3A_4 = vector.broadcast %div3A : f32 to vector<1000x1xf32>
    %div3A_5 = arith.divf %div3A_4, %get3A_1 : vector<1000x1xf32>
    %jit3A = arith.constant 0.000000e+00 : f32
    %broadcast_in_dim3A = vector.broadcast %jit3A : f32 to vector<1000x1xf32>
    %select_n3A = arith.select %eq3A_3, %broadcast_in_dim3A, %div3A_5 : vector<1000x1xi1>, vector<1000x1xf32>
    %get3A_6 = arith.constant 0 : index
    %get3A_7 = arith.constant 0 : index
    %get3A_8 = arith.constant 0 : index
    %get3A_9 = vector.load %arg1[%get3A_6, %get3A_7, %get3A_8] : memref<2x1000x128xf32, #tpu.memory_space<vmem>>, vector<1x1000x128xf32>
    %get3A_10 = vector.shape_cast %get3A_9 : vector<1x1000x128xf32> to vector<1000x128xf32>
    %get3A_11 = arith.constant 1 : index
    %get3A_12 = arith.constant 0 : index
    %get3A_13 = arith.constant 0 : index
    %get3A_14 = vector.load %arg1[%get3A_11, %get3A_12, %get3A_13] : memref<2x1000x128xf32, #tpu.memory_space<vmem>>, vector<1x1000x128xf32>
    %get3A_15 = vector.shape_cast %get3A_14 : vector<1x1000x128xf32> to vector<1000x128xf32>
    %add3A = arith.addf %get3A_10, %get3A_15 : vector<1000x128xf32>
    %mul3A = vector.broadcast %select_n3A : vector<1000x1xf32> to vector<1000x128xf32>
    %mul3A_16 = arith.mulf %mul3A, %add3A : vector<1000x128xf32>
    %swap3A = arith.constant 0 : index
    %swap3A_17 = arith.constant 0 : index
    %swap3A_18 = vector.load %arg3[%swap3A, %swap3A_17] : memref<1000x128xf32, #tpu.memory_space<vmem>>, vector<1000x128xf32>
    tpu.vector_store %arg3[%swap3A, %swap3A_17], %mul3A_16 {strides = array<i32>} : memref<1000x128xf32, #tpu.memory_space<vmem>>, vector<1000x128xf32>,
    return
  }
  func.func @transform_0(%arg0: i32) -> (i32, i32, i32) {
    %c0_i32 = arith.constant 0 : i32
    %c0_i32_0 = arith.constant 0 : i32
    %c0_i32_1 = arith.constant 0 : i32
    return %c0_i32, %arg0, %c0_i32_0 : i32, i32, i32
  }
  func.func @transform_1(%arg0: i32) -> (i32, i32) {
    %c0_i32 = arith.constant 0 : i32
    %c0_i32_0 = arith.constant 0 : i32
    return %arg0, %c0_i32 : i32, i32
  }
  func.func @transform_2(%arg0: i32) -> (i32, i32) {
    %c0_i32 = arith.constant 0 : i32
    %c0_i32_0 = arith.constant 0 : i32
    return %arg0, %c0_i32 : i32, i32
  }
}

module attributes {stable_mosaic.version = 14 : i64} {
  func.func @_mm_body(%arg0: i32, %arg1: memref<1000x128xf32, #tpu.memory_space<vmem>>, %arg2: memref<128x128xf32, #tpu.memory_space<vmem>>, %arg3: memref<1000x128xf32, #tpu.memory_space<vmem>>) attributes {dimension_semantics = [#tpu.dimension_semantics<arbitrary>], iteration_bounds = array<i64: 10>, scalar_prefetch = 0 : i64, scratch_operands = 0 : i64, tpu.core_type = #tpu.core_type<tc>, window_params = [{transform_indices = @transform_0, window_bounds = array<i64: 1000, 128>}, {pipeline_mode = #tpu.pipeline_mode<synchronous>, transform_indices = @transform_1, window_bounds = array<i64: 128, 128>}, {transform_indices = @transform_2, window_bounds = array<i64: 1000, 128>}]} {
    %get3A = arith.constant 0 : index
    %get3A_0 = arith.constant 0 : index
    %get3A_1 = vector.load %arg1[%get3A, %get3A_0] : memref<1000x128xf32, #tpu.memory_space<vmem>>, vector<1000x128xf32>
    %get3A_2 = arith.constant 0 : index
    %get3A_3 = arith.constant 0 : index
    %get3A_4 = vector.load %arg2[%get3A_2, %get3A_3] : memref<128x128xf32, #tpu.memory_space<vmem>>, vector<128x128xf32>
    %dot_general3A = arith.constant dense<0.000000e+00> : vector<1000x128xf32>
    %dot_general3A_5 = tpu.matmul %get3A_1, %get3A_4, %dot_general3A {dimension_numbers = #tpu.dot_dimension_numbers<[1], [0], [0], [1], [0, 0, 1, 1], [], []>, transpose_lhs_hint = false} : vector<1000x128xf32>, vector<128x128xf32>, vector<1000x128xf32> -> vector<1000x128xf32>
    %swap3A = arith.constant 0 : index
    %swap3A_6 = arith.constant 0 : index
    %swap3A_7 = vector.load %arg3[%swap3A, %swap3A_6] : memref<1000x128xf32, #tpu.memory_space<vmem>>, vector<1000x128xf32>
    tpu.vector_store %arg3[%swap3A, %swap3A_6], %dot_general3A_5 {strides = array<i32>} : memref<1000x128xf32, #tpu.memory_space<vmem>>, vector<1000x128xf32>,
    return
  }
  func.func @transform_0(%arg0: i32) -> (i32, i32) {
    %c0_i32 = arith.constant 0 : i32
    %c0_i32_0 = arith.constant 0 : i32
    return %arg0, %c0_i32 : i32, i32
  }
  func.func @transform_1(%arg0: i32) -> (i32, i32) {
    %c0_i32 = arith.constant 0 : i32
    %c0_i32_0 = arith.constant 0 : i32
    %c0_i32_1 = arith.constant 0 : i32
    return %c0_i32, %c0_i32_0 : i32, i32
  }
  func.func @transform_2(%arg0: i32) -> (i32, i32) {
    %c0_i32 = arith.constant 0 : i32
    %c0_i32_0 = arith.constant 0 : i32
    return %arg0, %c0_i32 : i32, i32
  }
}

module attributes {stable_mosaic.version = 14 : i64} {
  func.func @_vcomb_mm_body(%arg0: i32, %arg1: memref<2x1000x128xf32, #tpu.memory_space<vmem>>, %arg2: memref<1000x1xf32, #tpu.memory_space<vmem>>, %arg3: memref<1x128xf32, #tpu.memory_space<vmem>>, %arg4: memref<128x128xf32, #tpu.memory_space<vmem>>, %arg5: memref<1000x128xf32, #tpu.memory_space<vmem>>) attributes {dimension_semantics = [#tpu.dimension_semantics<arbitrary>], iteration_bounds = array<i64: 10>, scalar_prefetch = 0 : i64, scratch_operands = 0 : i64, tpu.core_type = #tpu.core_type<tc>, window_params = [{transform_indices = @transform_0, window_bounds = array<i64: 2, 1000, 128>}, {transform_indices = @transform_1, window_bounds = array<i64: 1000, 1>}, {pipeline_mode = #tpu.pipeline_mode<synchronous>, transform_indices = @transform_2, window_bounds = array<i64: 1, 128>}, {pipeline_mode = #tpu.pipeline_mode<synchronous>, transform_indices = @transform_3, window_bounds = array<i64: 128, 128>}, {transform_indices = @transform_4, window_bounds = array<i64: 1000, 128>}]} {
    %get3A = arith.constant 0 : index
    %get3A_0 = arith.constant 0 : index
    %get3A_1 = vector.load %arg2[%get3A, %get3A_0] : memref<1000x1xf32, #tpu.memory_space<vmem>>, vector<1000x1xf32>
    %eq3A = arith.constant 0.000000e+00 : f32
    %eq3A_2 = vector.broadcast %eq3A : f32 to vector<1000x1xf32>
    %eq3A_3 = arith.cmpf oeq, %get3A_1, %eq3A_2 : vector<1000x1xf32>
    %div3A = arith.constant 1.000000e+00 : f32
    %div3A_4 = vector.broadcast %div3A : f32 to vector<1000x1xf32>
    %div3A_5 = arith.divf %div3A_4, %get3A_1 : vector<1000x1xf32>
    %jit3A = arith.constant 0.000000e+00 : f32
    %broadcast_in_dim3A = vector.broadcast %jit3A : f32 to vector<1000x1xf32>
    %select_n3A = arith.select %eq3A_3, %broadcast_in_dim3A, %div3A_5 : vector<1000x1xi1>, vector<1000x1xf32>
    %get3A_6 = arith.constant 0 : index
    %get3A_7 = arith.constant 0 : index
    %get3A_8 = arith.constant 0 : index
    %get3A_9 = vector.load %arg1[%get3A_6, %get3A_7, %get3A_8] : memref<2x1000x128xf32, #tpu.memory_space<vmem>>, vector<1x1000x128xf32>
    %get3A_10 = vector.shape_cast %get3A_9 : vector<1x1000x128xf32> to vector<1000x128xf32>
    %get3A_11 = arith.constant 1 : index
    %get3A_12 = arith.constant 0 : index
    %get3A_13 = arith.constant 0 : index
    %get3A_14 = vector.load %arg1[%get3A_11, %get3A_12, %get3A_13] : memref<2x1000x128xf32, #tpu.memory_space<vmem>>, vector<1x1000x128xf32>
    %get3A_15 = vector.shape_cast %get3A_14 : vector<1x1000x128xf32> to vector<1000x128xf32>
    %add3A = arith.addf %get3A_10, %get3A_15 : vector<1000x128xf32>
    %mul3A = vector.broadcast %select_n3A : vector<1000x1xf32> to vector<1000x128xf32>
    %mul3A_16 = arith.mulf %mul3A, %add3A : vector<1000x128xf32>
    %get3A_17 = arith.constant 0 : index
    %get3A_18 = arith.constant 0 : index
    %get3A_19 = vector.load %arg3[%get3A_17, %get3A_18] : memref<1x128xf32, #tpu.memory_space<vmem>>, vector<1x128xf32>
    %add3A_20 = vector.broadcast %get3A_19 : vector<1x128xf32> to vector<1000x128xf32>
    %add3A_21 = arith.addf %mul3A_16, %add3A_20 : vector<1000x128xf32>
    %max3A = arith.constant 0.000000e+00 : f32
    %max3A_22 = vector.broadcast %max3A : f32 to vector<1000x128xf32>
    %max3A_23 = arith.maximumf %add3A_21, %max3A_22 : vector<1000x128xf32>
    %get3A_24 = arith.constant 0 : index
    %get3A_25 = arith.constant 0 : index
    %get3A_26 = vector.load %arg4[%get3A_24, %get3A_25] : memref<128x128xf32, #tpu.memory_space<vmem>>, vector<128x128xf32>
    %dot_general3A = arith.constant dense<0.000000e+00> : vector<1000x128xf32>
    %dot_general3A_27 = tpu.matmul %max3A_23, %get3A_26, %dot_general3A {dimension_numbers = #tpu.dot_dimension_numbers<[1], [0], [0], [1], [0, 0, 1, 1], [], []>, transpose_lhs_hint = false} : vector<1000x128xf32>, vector<128x128xf32>, vector<1000x128xf32> -> vector<1000x128xf32>
    %swap3A = arith.constant 0 : index
    %swap3A_28 = arith.constant 0 : index
    %swap3A_29 = vector.load %arg5[%swap3A, %swap3A_28] : memref<1000x128xf32, #tpu.memory_space<vmem>>, vector<1000x128xf32>
    tpu.vector_store %arg5[%swap3A, %swap3A_28], %dot_general3A_27 {strides = array<i32>} : memref<1000x128xf32, #tpu.memory_space<vmem>>, vector<1000x128xf32>,
    return
  }
  func.func @transform_0(%arg0: i32) -> (i32, i32, i32) {
    %c0_i32 = arith.constant 0 : i32
    %c0_i32_0 = arith.constant 0 : i32
    %c0_i32_1 = arith.constant 0 : i32
    return %c0_i32, %arg0, %c0_i32_0 : i32, i32, i32
  }
  func.func @transform_1(%arg0: i32) -> (i32, i32) {
    %c0_i32 = arith.constant 0 : i32
    %c0_i32_0 = arith.constant 0 : i32
    return %arg0, %c0_i32 : i32, i32
  }
  func.func @transform_2(%arg0: i32) -> (i32, i32) {
    %c0_i32 = arith.constant 0 : i32
    %c0_i32_0 = arith.constant 0 : i32
    %c0_i32_1 = arith.constant 0 : i32
    return %c0_i32, %c0_i32_0 : i32, i32
  }
  func.func @transform_3(%arg0: i32) -> (i32, i32) {
    %c0_i32 = arith.constant 0 : i32
    %c0_i32_0 = arith.constant 0 : i32
    %c0_i32_1 = arith.constant 0 : i32
    return %c0_i32, %c0_i32_0 : i32, i32
  }
  func.func @transform_4(%arg0: i32) -> (i32, i32) {
    %c0_i32 = arith.constant 0 : i32
    %c0_i32_0 = arith.constant 0 : i32
    return %arg0, %c0_i32 : i32, i32
  }
}

module attributes {stable_mosaic.version = 14 : i64} {
  func.func @_final_body(%arg0: i32, %arg1: memref<2x1000x128xf32, #tpu.memory_space<vmem>>, %arg2: memref<1000x1xf32, #tpu.memory_space<vmem>>, %arg3: memref<1x128xf32, #tpu.memory_space<vmem>>, %arg4: memref<1x1x1000xf32, #tpu.memory_space<vmem>>, %arg5: memref<128x10xf32, #tpu.memory_space<vmem>>, %arg6: memref<1x10xf32, #tpu.memory_space<vmem>>, %arg7: memref<64x10xf32, #tpu.memory_space<vmem>>, %arg8: memref<64x128xf32, #tpu.memory_space<vmem>>, %arg9: memref<64x128xf32, #tpu.memory_space<vmem>>) attributes {dimension_semantics = [#tpu.dimension_semantics<arbitrary>], iteration_bounds = array<i64: 10>, scalar_prefetch = 0 : i64, scratch_operands = 2 : i64, tpu.core_type = #tpu.core_type<tc>, window_params = [{transform_indices = @transform_0, window_bounds = array<i64: 2, 1000, 128>}, {transform_indices = @transform_1, window_bounds = array<i64: 1000, 1>}, {pipeline_mode = #tpu.pipeline_mode<synchronous>, transform_indices = @transform_2, window_bounds = array<i64: 1, 128>}, {transform_indices = @transform_3, window_bounds = array<i64: 1, 1, 1000>}, {pipeline_mode = #tpu.pipeline_mode<synchronous>, transform_indices = @transform_4, window_bounds = array<i64: 128, 10>}, {pipeline_mode = #tpu.pipeline_mode<synchronous>, transform_indices = @transform_5, window_bounds = array<i64: 1, 10>}, {pipeline_mode = #tpu.pipeline_mode<synchronous>, transform_indices = @transform_6, window_bounds = array<i64: 64, 10>}]} {
    %eq3A = arith.constant 0 : i32
    %eq3A_0 = arith.cmpi eq, %arg0, %eq3A : i32
    %convert_element_type3A = arith.extui %eq3A_0 : i1 to i32
    %cond3A = arith.constant 0 : i32
    %cond3A_1 = arith.cmpi ne, %convert_element_type3A, %cond3A : i32
    scf.if %cond3A_1 {
      %broadcast_in_dim3A_59 = arith.constant 0.000000e+00 : f32
      %broadcast_in_dim3A_60 = vector.broadcast %broadcast_in_dim3A_59 : f32 to vector<64x128xf32>
      %swap3A_61 = arith.constant 0 : index
      %swap3A_62 = arith.constant 0 : index
      %swap3A_63 = vector.load %arg8[%swap3A_61, %swap3A_62] : memref<64x128xf32, #tpu.memory_space<vmem>>, vector<64x128xf32>
      tpu.vector_store %arg8[%swap3A_61, %swap3A_62], %broadcast_in_dim3A_60 {strides = array<i32>} : memref<64x128xf32, #tpu.memory_space<vmem>>, vector<64x128xf32>,
      %broadcast_in_dim3A_64 = arith.constant 0.000000e+00 : f32
      %broadcast_in_dim3A_65 = vector.broadcast %broadcast_in_dim3A_64 : f32 to vector<64x128xf32>
      %swap3A_66 = arith.constant 0 : index
      %swap3A_67 = arith.constant 0 : index
      %swap3A_68 = vector.load %arg9[%swap3A_66, %swap3A_67] : memref<64x128xf32, #tpu.memory_space<vmem>>, vector<64x128xf32>
      tpu.vector_store %arg9[%swap3A_66, %swap3A_67], %broadcast_in_dim3A_65 {strides = array<i32>} : memref<64x128xf32, #tpu.memory_space<vmem>>, vector<64x128xf32>,
    } else {
    }
    %get3A = arith.constant 0 : index
    %get3A_2 = arith.constant 0 : index
    %get3A_3 = vector.load %arg2[%get3A, %get3A_2] : memref<1000x1xf32, #tpu.memory_space<vmem>>, vector<1000x1xf32>
    %eq3A_4 = arith.constant 0.000000e+00 : f32
    %eq3A_5 = vector.broadcast %eq3A_4 : f32 to vector<1000x1xf32>
    %eq3A_6 = arith.cmpf oeq, %get3A_3, %eq3A_5 : vector<1000x1xf32>
    %div3A = arith.constant 1.000000e+00 : f32
    %div3A_7 = vector.broadcast %div3A : f32 to vector<1000x1xf32>
    %div3A_8 = arith.divf %div3A_7, %get3A_3 : vector<1000x1xf32>
    %jit3A = arith.constant 0.000000e+00 : f32
    %broadcast_in_dim3A = vector.broadcast %jit3A : f32 to vector<1000x1xf32>
    %select_n3A = arith.select %eq3A_6, %broadcast_in_dim3A, %div3A_8 : vector<1000x1xi1>, vector<1000x1xf32>
    %get3A_9 = arith.constant 0 : index
    %get3A_10 = arith.constant 0 : index
    %get3A_11 = arith.constant 0 : index
    %get3A_12 = vector.load %arg1[%get3A_9, %get3A_10, %get3A_11] : memref<2x1000x128xf32, #tpu.memory_space<vmem>>, vector<1x1000x128xf32>
    %get3A_13 = vector.shape_cast %get3A_12 : vector<1x1000x128xf32> to vector<1000x128xf32>
    %get3A_14 = arith.constant 1 : index
    %get3A_15 = arith.constant 0 : index
    %get3A_16 = arith.constant 0 : index
    %get3A_17 = vector.load %arg1[%get3A_14, %get3A_15, %get3A_16] : memref<2x1000x128xf32, #tpu.memory_space<vmem>>, vector<1x1000x128xf32>
    %get3A_18 = vector.shape_cast %get3A_17 : vector<1x1000x128xf32> to vector<1000x128xf32>
    %add3A = arith.addf %get3A_13, %get3A_18 : vector<1000x128xf32>
    %mul3A = vector.broadcast %select_n3A : vector<1000x1xf32> to vector<1000x128xf32>
    %mul3A_19 = arith.mulf %mul3A, %add3A : vector<1000x128xf32>
    %get3A_20 = arith.constant 0 : index
    %get3A_21 = arith.constant 0 : index
    %get3A_22 = vector.load %arg3[%get3A_20, %get3A_21] : memref<1x128xf32, #tpu.memory_space<vmem>>, vector<1x128xf32>
    %add3A_23 = vector.broadcast %get3A_22 : vector<1x128xf32> to vector<1000x128xf32>
    %add3A_24 = arith.addf %mul3A_19, %add3A_23 : vector<1000x128xf32>
    %max3A = arith.constant 0.000000e+00 : f32
    %max3A_25 = vector.broadcast %max3A : f32 to vector<1000x128xf32>
    %max3A_26 = arith.maximumf %add3A_24, %max3A_25 : vector<1000x128xf32>
    %iota3A = tpu.iota {dimensions = array<i32: 0>} : vector<64x1000xi32>
    %convert_element_type3A_27 = arith.sitofp %iota3A : vector<64x1000xi32> to vector<64x1000xf32>
    %get3A_28 = arith.constant 0 : index
    %get3A_29 = arith.constant 0 : index
    %get3A_30 = arith.constant 0 : index
    %get3A_31 = vector.load %arg4[%get3A_28, %get3A_29, %get3A_30] : memref<1x1x1000xf32, #tpu.memory_space<vmem>>, vector<1x1x1000xf32>
    %get3A_32 = vector.shape_cast %get3A_31 : vector<1x1x1000xf32> to vector<1x1000xf32>
    %eq3A_33 = vector.broadcast %get3A_32 : vector<1x1000xf32> to vector<64x1000xf32>
    %eq3A_34 = arith.cmpf oeq, %eq3A_33, %convert_element_type3A_27 : vector<64x1000xf32>
    %convert_element_type3A_35 = arith.extui %eq3A_34 : vector<64x1000xi1> to vector<64x1000xi32>
    %convert_element_type3A_36 = arith.sitofp %convert_element_type3A_35 : vector<64x1000xi32> to vector<64x1000xf32>
    %get3A_37 = arith.constant 0 : index
    %get3A_38 = arith.constant 0 : index
    %get3A_39 = vector.load %arg8[%get3A_37, %get3A_38] : memref<64x128xf32, #tpu.memory_space<vmem>>, vector<64x128xf32>
    %dot_general3A = arith.constant dense<0.000000e+00> : vector<64x128xf32>
    %dot_general3A_40 = tpu.matmul %convert_element_type3A_36, %max3A_26, %dot_general3A {dimension_numbers = #tpu.dot_dimension_numbers<[1], [0], [0], [1], [0, 0, 1, 1], [], []>, transpose_lhs_hint = false} : vector<64x1000xf32>, vector<1000x128xf32>, vector<64x128xf32> -> vector<64x128xf32>
    %add3A_41 = arith.addf %get3A_39, %dot_general3A_40 : vector<64x128xf32>
    %swap3A = arith.constant 0 : index
    %swap3A_42 = arith.constant 0 : index
    %swap3A_43 = vector.load %arg8[%swap3A, %swap3A_42] : memref<64x128xf32, #tpu.memory_space<vmem>>, vector<64x128xf32>
    tpu.vector_store %arg8[%swap3A, %swap3A_42], %add3A_41 {strides = array<i32>} : memref<64x128xf32, #tpu.memory_space<vmem>>, vector<64x128xf32>,
    %get3A_44 = arith.constant 0 : index
    %get3A_45 = arith.constant 0 : index
    %get3A_46 = vector.load %arg9[%get3A_44, %get3A_45] : memref<64x128xf32, #tpu.memory_space<vmem>>, vector<64x128xf32>
    %reduce_sum3A = arith.constant dense<0.000000e+00> : vector<64xf32>
    %reduce_sum3A_47 = vector.multi_reduction <add>, %convert_element_type3A_36, %reduce_sum3A [1] : vector<64x1000xf32> to vector<64xf32>
    %broadcast_in_dim3A_48 = vector.shape_cast %reduce_sum3A_47 : vector<64xf32> to vector<64x1xf32>
    %add3A_49 = vector.broadcast %broadcast_in_dim3A_48 : vector<64x1xf32> to vector<64x128xf32>
    %add3A_50 = arith.addf %get3A_46, %add3A_49 : vector<64x128xf32>
    %swap3A_51 = arith.constant 0 : index
    %swap3A_52 = arith.constant 0 : index
    %swap3A_53 = vector.load %arg9[%swap3A_51, %swap3A_52] : memref<64x128xf32, #tpu.memory_space<vmem>>, vector<64x128xf32>
    tpu.vector_store %arg9[%swap3A_51, %swap3A_52], %add3A_50 {strides = array<i32>} : memref<64x128xf32, #tpu.memory_space<vmem>>, vector<64x128xf32>,
    %eq3A_54 = arith.constant 9 : i32
    %eq3A_55 = arith.cmpi eq, %arg0, %eq3A_54 : i32
    %convert_element_type3A_56 = arith.extui %eq3A_55 : i1 to i32
    %cond3A_57 = arith.constant 0 : i32
    %cond3A_58 = arith.cmpi ne, %convert_element_type3A_56, %cond3A_57 : i32
    scf.if %cond3A_58 {
      %get3A_59 = arith.constant 0 : index
      %get3A_60 = arith.constant 0 : index
      %get3A_61 = vector.load %arg8[%get3A_59, %get3A_60] : memref<64x128xf32, #tpu.memory_space<vmem>>, vector<64x128xf32>
      %get3A_62 = arith.constant 0 : index
      %get3A_63 = arith.constant 0 : index
      %get3A_64 = vector.load %arg9[%get3A_62, %get3A_63] : memref<64x128xf32, #tpu.memory_space<vmem>>, vector<64x128xf32>
      %max3A_65 = arith.constant 1.000000e+00 : f32
      %max3A_66 = vector.broadcast %max3A_65 : f32 to vector<64x128xf32>
      %max3A_67 = arith.maximumf %get3A_64, %max3A_66 : vector<64x128xf32>
      %div3A_68 = arith.divf %get3A_61, %max3A_67 : vector<64x128xf32>
      %get3A_69 = arith.constant 0 : index
      %get3A_70 = arith.constant 0 : index
      %get3A_71 = vector.load %arg5[%get3A_69, %get3A_70] : memref<128x10xf32, #tpu.memory_space<vmem>>, vector<128x10xf32>
      %dot_general3A_72 = arith.constant dense<0.000000e+00> : vector<64x10xf32>
      %dot_general3A_73 = tpu.matmul %div3A_68, %get3A_71, %dot_general3A_72 {dimension_numbers = #tpu.dot_dimension_numbers<[1], [0], [0], [1], [0, 0, 1, 1], [], []>, transpose_lhs_hint = false} : vector<64x128xf32>, vector<128x10xf32>, vector<64x10xf32> -> vector<64x10xf32>
      %get3A_74 = arith.constant 0 : index
      %get3A_75 = arith.constant 0 : index
      %get3A_76 = vector.load %arg6[%get3A_74, %get3A_75] : memref<1x10xf32, #tpu.memory_space<vmem>>, vector<1x10xf32>
      %add3A_77 = vector.broadcast %get3A_76 : vector<1x10xf32> to vector<64x10xf32>
      %add3A_78 = arith.addf %dot_general3A_73, %add3A_77 : vector<64x10xf32>
      %swap3A_79 = arith.constant 0 : index
      %swap3A_80 = arith.constant 0 : index
      %swap3A_81 = vector.load %arg7[%swap3A_79, %swap3A_80] : memref<64x10xf32, #tpu.memory_space<vmem>>, vector<64x10xf32>
      tpu.vector_store %arg7[%swap3A_79, %swap3A_80], %add3A_78 {strides = array<i32>} : memref<64x10xf32, #tpu.memory_space<vmem>>, vector<64x10xf32>,
    } else {
    }
    return
  }
  func.func @transform_0(%arg0: i32) -> (i32, i32, i32) {
    %c0_i32 = arith.constant 0 : i32
    %c0_i32_0 = arith.constant 0 : i32
    %c0_i32_1 = arith.constant 0 : i32
    return %c0_i32, %arg0, %c0_i32_0 : i32, i32, i32
  }
  func.func @transform_1(%arg0: i32) -> (i32, i32) {
    %c0_i32 = arith.constant 0 : i32
    %c0_i32_0 = arith.constant 0 : i32
    return %arg0, %c0_i32 : i32, i32
  }
  func.func @transform_2(%arg0: i32) -> (i32, i32) {
    %c0_i32 = arith.constant 0 : i32
    %c0_i32_0 = arith.constant 0 : i32
    %c0_i32_1 = arith.constant 0 : i32
    return %c0_i32, %c0_i32_0 : i32, i32
  }
  func.func @transform_3(%arg0: i32) -> (i32, i32, i32) {
    %c0_i32 = arith.constant 0 : i32
    %c0_i32_0 = arith.constant 0 : i32
    %c0_i32_1 = arith.constant 0 : i32
    return %arg0, %c0_i32, %c0_i32_0 : i32, i32, i32
  }
  func.func @transform_4(%arg0: i32) -> (i32, i32) {
    %c0_i32 = arith.constant 0 : i32
    %c0_i32_0 = arith.constant 0 : i32
    %c0_i32_1 = arith.constant 0 : i32
    return %c0_i32, %c0_i32_0 : i32, i32
  }
  func.func @transform_5(%arg0: i32) -> (i32, i32) {
    %c0_i32 = arith.constant 0 : i32
    %c0_i32_0 = arith.constant 0 : i32
    %c0_i32_1 = arith.constant 0 : i32
    return %c0_i32, %c0_i32_0 : i32, i32
  }
  func.func @transform_6(%arg0: i32) -> (i32, i32) {
    %c0_i32 = arith.constant 0 : i32
    %c0_i32_0 = arith.constant 0 : i32
    %c0_i32_1 = arith.constant 0 : i32
    return %c0_i32, %c0_i32_0 : i32, i32
  }
}

</mosaic_0001>

<sc_bundles>
// kernel: kernel.12.cloned.1.call-start
scs
__scs_entry_jumppad:
0x0: {  	(pc) =	sbr.rel $0x88, $3  }
0x1: {  	(tag) =	ssettag $0x0;
	lr =	simm.s32 $0x1  }
0x2: {  	[smem:$0x3F98] =	sst lr;
	_ =	strace $0xD0000000  }
0x3: {  	_ = 	snop  }
0x4: {  	_ = 	snop  }
0x5: {  	_ = 	snop  }
0x6: {  	_ = 	snop  }
0x7: {  	_ = 	snop  }
__scs_overlays_trampoline_lowered:
0x8: {  	[smem:$0x3FA7] =	sst s0  }
0x9: {  	[smem:$0x3FA8] =	sst s1  }
0xa: {  	[smem:$0x3FA9] =	sst s2  }
0xb: {  	[smem:$0x3FAA] =	sst s3  }
0xc: {  	[smem:$0x3FAB] =	sst s4  }
0xd: {  	[smem:$0x3FAC] =	sst s5  }
0xe: {  	[smem:$0x3FAD] =	sst s6  }
0xf: {  	[smem:$0x3FAE] =	sst s7  }
0x10: {  	[smem:$0x3FAF] =	sst s8  }
0x11: {  	[smem:$0x3FB0] =	sst s9;
	s0 =	simm.s32 @!p0 $0x0  }
0x12: {  	s1 =	sld [smem:$0x3F96];
	s0 =	simm.s32 @p0 $0x1  }
0x13: {  	[smem:$0x3FB1] =	sst s0;
	s0 =	simm.s32 @!p1 $0x0  }
0x14: {  	s2 =	sld [smem:$0x3F95];
	s0 =	simm.s32 @p1 $0x1  }
0x15: {  	[smem:$0x3FB2] =	sst s0;
	s0 =	simm.s32 @!p2 $0x0  }
0x16: {  	s3 =	sld [smem:$0x3FDB];
	s0 =	simm.s32 @p2 $0x1  }
0x17: {  	s4 =	simm.s32 $0x1BF5;
	[smem:$0x3FB4] =	sst s0  }
0x18: {  	s0 =	sld [smem:$0x3F97];
	_ =	swait.ge [sflag:s4], $0x0  }
0x19: {  	s7 =	sld [smem:$0x3F98]  }
0x1a: {  	s8 =	sadd.s32 $0xFFFFE003, lr  }
0x1b: {  	s9 =	sadd.s32 $0xFFFFFEF7, lr;
	s5 =	simm.s32 $0xFFFFFFFF;
	p2 =	slt.u32 s8, $0xFFFFF086  }
0x1c: {  	p1 =	slt.u32 s9, $0xF7A;
	s5 =	simm.s32 @!p2 $0x0  }
0x1d: {  	s5 =	simm.s32 @p1 $0x1;
	p0 =	seq.s32 s7, s2  }
0x1e: {  	s7 =	smul.u32 @!p0 $0xF7A, s2;
	p2 =	seq.s32 @!p0 s5, $0x0  }
0x1f: {  	s9 =	smul.u32 $0xF7A, s1;
	s8 =	simm.s32 @!p0 $0x1BF5;
	p2 =	por !p2, p0  }
0x20: {  	[sflag:s8] =	ssyncset.s32 @!p0 $0xFFFFF086;
	s6 =	sadd.s32 @!p0 s3, s7;
	s7 =	simm.s32 @!p0 $0x108  }
0x21: {  	s3 =	sadd.s32 s3, s9;
	s6 =	sadd.s32 @!p0 $0x88, s6;
	s7 =	simm.s32 @p2 $0x1082  }
0x22: {  	[simem:s7], [sflag:s8] =	dma.local @!p0 [hbm:s6], $0xF7A  }
0x23: {  	s9 =	sor.u32 $0xD0000000, s2;
	s6 =	simm.s32 $0x108;
	_ =	swait.ge @!p0 [sflag:s8], $0x0  }
0x24: {  	s3 =	sadd.s32 $0x88, s3;
	s6 =	simm.s32 @!p1 $0x1082;
	[sflag:s4] =	ssyncset.s32 $0xFFFFF086  }
0x25: {  	[simem:s6], [sflag:s4] =	dma.local [hbm:s3], $0xF7A  }
0x26: {  	[smem:$0x3F98] =	sst s1;
	(tag) =	ssettag s2;
	_ =	strace s9  }
0x27: {  	s1 =	sld [smem:$0x3FA8]  }
0x28: {  	s2 =	sld [smem:$0x3FA9]  }
0x29: {  	s4 =	sld [smem:$0x3FAB]  }
0x2a: {  	p0 =	seq.s32 s5, $0x0;
	s5 =	sld [smem:$0x3FAC]  }
0x2b: {  	s6 =	sld [smem:$0x3FAD]  }
0x2c: {  	s7 =	sld [smem:$0x3FAE]  }
0x2d: {  	s3 =	simm.s32 $0x108;
	s8 =	sld [smem:$0x3FAF]  }
0x2e: {  	s3 =	simm.s32 @!p0 $0x1082;
	s9 =	sld [smem:$0x3FB0]  }
0x2f: {  	lr =	sadd.s32 s0, s3;
	s0 =	sld [smem:$0x3FA7]  }
0x30: {  	s3 =	sld [smem:$0x3FAA]  }
0x31: {  	[smem:$0x3FB3] =	sst s10  }
0x32: {  	s10 =	sld [smem:$0x3FB1];
	_ =	sdelay $0x3  }
0x33: {  	p0 =	seq.s32 s10, $0x1;
	s10 =	sld [smem:$0x3FB3];
	_ =	sdelay $0x3  }
0x34: {  	[smem:$0x3FB3] =	sst s10  }
0x35: {  	s10 =	sld [smem:$0x3FB2];
	_ =	sdelay $0x3  }
0x36: {  	p1 =	seq.s32 s10, $0x1;
	s10 =	sld [smem:$0x3FB3];
	_ =	sdelay $0x3  }
0x37: {  	[smem:$0x3FB3] =	sst s10  }
0x38: {  	s10 =	sld [smem:$0x3FB4]  }
0x39: {  	_ = 	snop;
	(pc) =	sbr.ind lr, $3  }
0x3a: {  	_ = 	snop  }
0x3b: {  	_ = 	snop  }
0x3c: {  	p2 =	seq.s32 s10, $0x1;
	s10 =	sld [smem:$0x3FB3]  }
0x3d: {  	_ =	shalt  }
0x3e: {  	_ =	shalt  }
0x3f: {  	_ =	shalt  }
0x40: {  	_ =	shalt  }
0x41: {  	_ =	shalt  }
0x42: {  	_ =	shalt  }
0x43: {  	_ =	shalt  }
0x44: {  	_ =	shalt  }
0x45: {  	_ =	shalt  }
0x46: {  	_ =	shalt  }
0x47: {  	_ =	shalt  }
0x48: {  	_ =	shalt  }
0x49: {  	_ =	shalt  }
0x4a: {  	_ =	shalt  }
0x4b: {  	_ =	shalt  }
0x4c: {  	_ =	shalt  }
0x4d: {  	_ =	shalt  }
0x4e: {  	_ =	shalt  }
0x4f: {  	_ =	shalt  }
0x50: {  	_ =	shalt  }
0x51: {  	_ =	shalt  }
0x52: {  	_ =	shalt  }
0x53: {  	_ =	shalt  }
0x54: {  	_ =	shalt  }
0x55: {  	_ =	shalt  }
0x56: {  	_ =	shalt  }
0x57: {  	_ =	shalt  }
0x58: {  	_ =	shalt  }
0x59: {  	_ =	shalt  }
0x5a: {  	_ =	shalt  }
0x5b: {  	_ =	shalt  }
0x5c: {  	_ =	shalt  }
0x5d: {  	_ =	shalt  }
0x5e: {  	_ =	shalt  }
0x5f: {  	_ =	shalt  }
0x60: {  	_ =	shalt  }
0x61: {  	_ =	shalt  }
0x62: {  	_ =	shalt  }
0x63: {  	_ =	shalt  }
0x64: {  	_ =	shalt  }
0x65: {  	_ =	shalt  }
0x66: {  	_ =	shalt  }
0x67: {  	_ =	shalt  }
0x68: {  	_ =	shalt  }
0x69: {  	_ =	shalt  }
0x6a: {  	_ =	shalt  }
0x6b: {  	_ =	shalt  }
0x6c: {  	_ =	shalt  }
0x6d: {  	_ =	shalt  }
0x6e: {  	_ =	shalt  }
0x6f: {  	_ =	shalt  }
0x70: {  	_ =	shalt  }
0x71: {  	_ =	shalt  }
0x72: {  	_ =	shalt  }
0x73: {  	_ =	shalt  }
0x74: {  	_ =	shalt  }
0x75: {  	_ =	shalt  }
0x76: {  	_ =	shalt  }
0x77: {  	_ =	shalt  }
0x78: {  	_ =	shalt  }
0x79: {  	_ =	shalt  }
0x7a: {  	_ =	shalt  }
0x7b: {  	_ =	shalt  }
0x7c: {  	_ =	shalt  }
0x7d: {  	_ =	shalt  }
0x7e: {  	_ =	shalt  }
0x7f: {  	_ =	shalt  }
0x80: {  	_ =	shalt  }
0x81: {  	_ =	shalt  }
0x82: {  	_ =	shalt  }
0x83: {  	_ =	shalt  }
0x84: {  	_ =	shalt  }
0x85: {  	_ =	shalt  }
0x86: {  	_ =	shalt  }
0x87: {  	_ =	shalt  }
.Lfunc_end0:
.L_simem_size_0:
called_computation_lowered:
.L_overlay_start_0:
0x88: {  	s2 =	sld [smem:$0x3FD9]  }
0x89: {  	s3 =	sld [smem:$0x3FFE];
	_ =	sdelay $0x1  }
0x8a: {  	s1 =	srdreg.scid  }
0x8b: {  	s0 =	sand.u32 $0x1, s1  }
0x8c: {  	s17 =	sshll.u32 s0, $0xA;
	s2 =	sadd.s32 s3, s2  }
0x8d: {  	s2 =	sadd.s32 s2, s17  }
0x8e: {  	[smem:$0x3FBF] =	sst s2  }
0x8f: {  	_ = 	snop  }
0x90: {  	s2 =	sld [smem:$0x3FC8];
	(tm) =	ssettm $0x1  }
0x91: {  	s18 =	sld [smem:$0x3FFB];
	_ =	sdelay $0x3  }
0x92: {  	_ =	strace s18  }
0x93: {  	s3 =	sld [smem:$0x3FFC];
	_ =	sdelay $0x3  }
0x94: {  	_ =	strace s3  }
0x95: {  	s3 =	sld [smem:$0x3FFD];
	_ =	sdelay $0x3  }
0x96: {  	_ =	strace s3  }
0x97: {  	_ =	strace $0x8FFFFFFF  }
0x98: {  	s19 =	sld [smem:$0x3FDB];
	_ =	sdelay $0x1  }
0x99: {  	s4 =	simm.s32 $_scs_section_size  }
0x9a: {  	s5 =	simm.s32 $_size__tile_overlayer_lowered;
	s6 =	simm.s32 $_tile_overlayer_lowered  }
0x9b: {  	s22 =	simm.s32 $0x1BFF;
	s21 =	sshll.u32 s6, $0x1;
	s3 =	sadd.s32 s4, s19  }
0x9c: {  	s7 =	simm.s32 $0x0;
	s20 =	sshll.u32 s5, $0x1;
	s5 =	sadd.s32 s21, s3  }
0x9d: {  	[timem:s7], [sflag:s22] =	dma.local [hbm:s5], s20  }
0x9e: {  	_ =	swait.ge [sflag:s22], s20  }
0x9f: {  	s4 =	ssub.s32 $0x0, s20;
	[sflag:s22] =	ssyncset.done $0x0  }
0xa0: {  	[sflag:s22] =	ssyncadd.s32 s4;
	_ =	sdelay $0x1  }
0xa1: {  	s23 =	simm.s32 $0x1B8B  }
0xa2: {  	_ =	swait.ge [sflag:s23], $0x1  }
0xa3: {  	[sflag:s23] =	ssyncset.done $0x0  }
0xa4: {  	s25 =	simm.s32 $0x1B8E;
	s24 =	sld [smem:$0x3FFE];
	[sflag:s23] =	ssyncadd.s32 $0xFFFFFFFF  }
0xa5: {  	s26 =	simm.s32 $execute0_lowered;
	[smem:$0x3FD2] =	sst s25  }
0xa6: {  	s5 =	sshll.u32 s26, $0x1;
	_ =	strace $0x80000046;
	[dreg:$0x1] =	wrdreg $0xFFFFFFFF  }
0xa7: {  	s28 =	simm.s32 $_size_execute0_lowered;
	s3 =	sadd.s32 s3, s5;
	[dreg:$0x0] =	wrdreg $0x0  }
0xa8: {  	s5 =	sshll.u32 s28, $0x1;
	[dreg:$0x2] =	wrdreg s3  }
0xa9: {  	[dreg:$0x3] =	wrdreg s5  }
0xaa: {  	[dreg:$0x4] =	wrdreg $0xC0  }
0xab: {  	_ =	task [dreg:s7], $0x5FFFF  }
0xac: {  	[dreg:$0x1] =	wrdreg $0xFFFFFFFF  }
0xad: {  	[dreg:$0x0] =	wrdreg $0x60  }
0xae: {  	[dreg:$0x2] =	wrdreg s2  }
0xaf: {  	[dreg:$0x3] =	wrdreg s24  }
0xb0: {  	[dreg:$0x4] =	wrdreg $0x41000  }
0xb1: {  	[dreg:$0x5] =	wrdreg $0x9  }
0xb2: {  	_ =	task.clear_ibuf [dreg:s7], $0x6FFFF;
	_ =	strace $0x90000046  }
0xb3: {  	s29 =	simm.s32 $0x9;
	_ =	strace $0x80000048  }
0xb4: {  	_ =	swait.ge [sflag:s29], $0x1  }
0xb5: {  	[sflag:s29] =	ssyncadd.s32 $0xFFFFFFFF  }
0xb6: {  	_ =	strace $0x90000048  }
0xb7: {  	_ =	sfence  }
0xb8: {  	s30 =	sld [smem:$0x0];
	_ =	sdelay $0x2  }
0xb9: {  	s31 =	sshll.u32 s1, $0xD;
	s1 =	sshrl.u32 s1, $0x2  }
0xba: {  	s3 =	sand.u32 $0x4000, s31;
	s1 =	sadd.s32 s1, s30  }
0xbb: {  	s0 =	sor.u32 s3, s0;
	s1 =	sshll.u32 s1, $0x11  }
0xbc: {  	s0 =	sor.u32 s1, s0  }
0xbd: {  	s0 =	sadd.s32 $0x8F2B, s0  }
0xbe: {  	[sflag:s0] =	ssyncadd.remote.s32 $0x1  }
0xbf: {  	_ =	sfence.sel $0xFFFF  }
0xc0: {  	[dreg:$0x0] =	wrdreg $0xFFFFFFFF;
	(pc) =	sbr.abs _section_cstart, $3  }
0xc1: {  	[dreg:$0x1] =	wrdreg $0xFFFFFFFF  }
0xc2: {  	_ =	task.clear_ibuf [dreg:s7], $0x2FFFF;
	_ =	strace $0x9FFFFFFF  }
0xc3: {  	(tm) =	ssettm $0x7FFFFFFF  }
tec
execute0_lowered:
.L_overlay_start_1:
0x0: {  	(tag) =	ssettag $0x1  }
0x1: {  	s8 =	rddreg [dreg:$0x0]  }
0x2: {  	s3 =	rddreg [dreg:$0x1]  }
0x3: {  	s1 =	rddreg [dreg:$0x2]  }
0x4: {  	s0 =	rddreg [dreg:$0x3];
	s2 =	simm.s32 $0x0;
	s4 =	srdreg.scid  }
0x5: {  	s12 =	simm.s32 $0x1;
	s13 =	simm.s32 $0x4080;
	[smem:$0x7FF] =	sst s2  }
0x6: {  	s11 =	sand.u32 $0x1, s4;
	s4 =	sadd.s32 $0x4200, s3;
	s5 =	sadd.s32 $0x3A00, s3  }
0x7: {  	s3 =	stileid.u32;
	_ =	strace $0x80000047;
	s6 =	ssub.s32 $0x2, s11  }
.Ltmp0:
0x8: {  	s31 =	sshll.u32 s3, $0xA;
	s10 =	sshll.u32 s3, $0x5;
	(pc) =	sbr.rel .LBB2_1-.Ltmp0, $4  }
0x9: {  	v0 =	vlaneseq.u32;
	p0 =	sne.s32 s11, $0x0;
	s11 =	simm.s32 $0x80;
	s14 =	sshll.u32 s3, $0x6  }
0xa: {  	v1 =	vimm.f32 $0.0e+00;
	v2 =	vor.u32 $0x10, v0;
	s7 =	sshrl.u32 s6, $0x1;
	s8 =	sadd.s32 s10, s8;
	s14 =	sor.u32 $0x1C01, s14  }
0xb: {  	v3 =	vor.u32 $0x20, v0;
	v4 =	vor.u32 $0x30, v0;
	v5 =	vor.u32 $0x40, v0;
	s9 =	ssub.s32 s6, s7;
	s6 =	sadd.s32 s31, s1;
	s7 =	sshll.u32 s3, $0x7  }
0xc: {  	v6 =	vor.u32 $0x50, v0;
	v7 =	vor.u32 $0x60, v0;
	v8 =	vor.u32 $0x70, v0;
	s10 =	sadd.s32 $0x10, s8;
	s9 =	smax.u32 s9, $0x1;
	s15 =	sshrl.u32 s6, $0x3  }
.LBB2_8:
0xd: {  	[spmem:s1] =	stream.indirect.scatter.add.f32 [tilespmem:s11], [sflag:$0x1], $0x80, s13, s11, $0xb8;
	[tilespmem:$0x4500] =	vst v63  }
0xe: {  	_ =	swait.ge [sflag:s12], $0x4000  }
0xf: {  	s2 =	sadd.s32 $0x1, s2;
	[sflag:s12] =	ssyncset.done $0x0  }
0x10: {  	p1 =	sne.s32 s2, s9;
	[sflag:s12] =	ssyncadd.s32 $0xFFFFC000  }
.Ltmp1:
0x11: {  	s16 =	sadd.s32 s16, s7;
	[bflag:$0x0] =	sbarrier.arrive $0xFFFF;
	(pc) =	sbr.rel @!p1 .LBB2_9-.Ltmp1, $4  }
0x12: {  	[hbm:s16], [sflag:s14] =	dma.local [spmem:s15], $0x80  }
0x13: {  	_ =	swait.ge [sflag:s12], $0x80  }
0x14: {  	[sflag:s12] =	ssyncset.done $0x0  }
0x15: {  	[sflag:s12] =	ssyncadd.s32 $0xFFFFFF80  }
.LBB2_1:
0x16: {  	s16 =	simm.s32 $0x0;
	s17 =	simm.s32 $0x200  }
.LBB2_2:
0x17: {  	p1 =	sne.s32 s17, $0xFE00;
	[tilespmem:s16+$0xF0] =	vst v1  }
0x18: {  	[tilespmem:s16+$0x80] =	vst v1  }
0x19: {  	[tilespmem:s16+$0x90] =	vst v1  }
.Ltmp2:
0x1a: {  	[tilespmem:s16+$0xA0] =	vst v1;
	(pc) =	sbr.rel @p1 .LBB2_2-.Ltmp2, $4  }
0x1b: {  	[tilespmem:s16+$0xB0] =	vst v1  }
0x1c: {  	[tilespmem:s16+$0xC0] =	vst v1  }
0x1d: {  	[tilespmem:s16+$0xD0] =	vst v1  }
0x1e: {  	[tilespmem:s16+$0xE0] =	vst v1;
	s16 =	sshra.s32 s17, $0x2;
	s17 =	sadd.s32 $0x200, s17  }
0x1f: {  	[tilespmem:s16+$0xF0] =	vst v1  }
0x20: {  	[tilespmem:s16+$0x80] =	vst v1  }
0x21: {  	[tilespmem:s16+$0x90] =	vst v1  }
0x22: {  	[tilespmem:s16+$0xA0] =	vst v1  }
0x23: {  	[tilespmem:s16+$0xB0] =	vst v1  }
0x24: {  	[tilespmem:s16+$0xC0] =	vst v1  }
0x25: {  	[tilespmem:s16+$0xD0] =	vst v1  }
0x26: {  	[tilespmem:s16+$0xE0] =	vst v1  }
0x27: {  	[tilespmem:$0x4080] =	vst v0  }
0x28: {  	[tilespmem:$0x4090] =	vst v2  }
0x29: {  	[tilespmem:$0x40A0] =	vst v3  }
0x2a: {  	[tilespmem:$0x40B0] =	vst v4  }
0x2b: {  	[tilespmem:$0x40C0] =	vst v5  }
0x2c: {  	[tilespmem:$0x40D0] =	vst v6  }
0x2d: {  	[tilespmem:$0x40E0] =	vst v7  }
0x2e: {  	[tilespmem:$0x40F0] =	vst v8  }
0x2f: {  	[spmem:s6] =	stream.linear.scatter [tilespmem:s11], [sflag:$0x1], $0x400, $0x38;
	[tilespmem:$0x4500] =	vst v63  }
.Ltmp3:
0x30: {  	_ =	swait.ge [sflag:s12], $0x400;
	(pc) =	sbr.rel @p0 .LBB2_6-.Ltmp3, $4  }
0x31: {  	[sflag:s12] =	ssyncset.done $0x0  }
0x32: {  	[sflag:s12] =	ssyncadd.s32 $0xFFFFFC00  }
0x33: {  	[bflag:$0x0] =	sbarrier.arrive $0xFFFF  }
0x34: {  	s16 =	simm.s32 $0x0;
	s17 =	smov.u32 s8;
	s18 =	smov.u32 s10  }
.LBB2_4:
0x35: {  	s18 =	sadd.s32 s16, s3  }
0x36: {  	p1 =	sgt.u32 s18, $0x9C3  }
0x37: {  	s18 =	simm.s32 @!p1 $0x0  }
0x38: {  	[tilespmem:s18], [sflag:$0x1] =	stream.linear.gather @!p1 [hbm4b:s17+s18], $0x80, $0x38;
	[tilespmem:$0x4500] =	vst v63  }
0x39: {  	s18 =	simm.s32 @!p1 $0x1  }
0x3a: {  	_ =	swait.ge @!p1 [sflag:s18], $0x80  }
0x3b: {  	[sflag:s18] =	ssyncset.done @!p1 $0x0  }
0x3c: {  	[sflag:s18] =	ssyncadd.s32 @!p1 $0xFFFFFF80  }
0x3d: {  	v9 =	vld @!p1 [tilespmem:$0x0];
	_ =	sdelay $0x6  }
0x3e: {  	v10 =	vimm.f32 @!p1 $1.000000000e+00;
	s18 =	simm.s32 @!p1 $0x80  }
0x3f: {  	[tilespmem:v9+s18+$0x0] =	vst.idx.add.f32.msk @!p1 $0xffff, v10  }
0x40: {  	v9 =	vld @!p1 [tilespmem:$0x10];
	_ =	sdelay $0x7  }
0x41: {  	[tilespmem:v9+s18+$0x0] =	vst.idx.add.f32.msk @!p1 $0xffff, v10  }
0x42: {  	v9 =	vld @!p1 [tilespmem:$0x20];
	_ =	sdelay $0x7  }
0x43: {  	[tilespmem:v9+s18+$0x0] =	vst.idx.add.f32.msk @!p1 $0xffff, v10  }
0x44: {  	v9 =	vld @!p1 [tilespmem:$0x30];
	_ =	sdelay $0x7  }
0x45: {  	[tilespmem:v9+s18+$0x0] =	vst.idx.add.f32.msk @!p1 $0xffff, v10  }
0x46: {  	v9 =	vld @!p1 [tilespmem:$0x40];
	_ =	sdelay $0x7  }
0x47: {  	[tilespmem:v9+s18+$0x0] =	vst.idx.add.f32.msk @!p1 $0xffff, v10  }
0x48: {  	v9 =	vld @!p1 [tilespmem:$0x50];
	_ =	sdelay $0x7  }
0x49: {  	[tilespmem:v9+s18+$0x0] =	vst.idx.add.f32.msk @!p1 $0xffff, v10  }
0x4a: {  	v9 =	vld @!p1 [tilespmem:$0x60];
	_ =	sdelay $0x7  }
0x4b: {  	[tilespmem:v9+s18+$0x0] =	vst.idx.add.f32.msk @!p1 $0xffff, v10  }
0x4c: {  	v9 =	vld @!p1 [tilespmem:$0x70];
	_ =	sdelay $0x1  }
0x4d: {  	s16 =	sadd.s32 $0x10, s16  }
0x4e: {  	p2 =	seq.s32 s16, $0x9D0  }
.Ltmp4:
0x4f: {  	_ = 	snop;
	(pc) =	sbr.rel @!p2 .LBB2_4-.Ltmp4, $2  }
0x50: {  	_ =	sdelay $0x2  }
0x51: {  	s17 =	sadd.s32 $0x200, s17;
	[tilespmem:v9+s18+$0x0] =	vst.idx.add.f32.msk @!p1 $0xffff, v10  }
.Ltmp5:
0x52: {  	(pc) =	sbr.rel .LBB2_8-.Ltmp5, $2  }
0x53: {  	_ =	sdelay $0x2  }
0x54: {  	s16 =	smov.u32 s4  }
.LBB2_6:
0x55: {  	s17 =	sadd.s32 s16, s3  }
0x56: {  	p1 =	sgt.u32 s17, $0x9C3  }
0x57: {  	s17 =	simm.s32 @!p1 $0x0  }
0x58: {  	[tilespmem:s17], [sflag:$0x1] =	stream.linear.gather @!p1 [hbm4b:s18+s17], $0x80, $0x38;
	[tilespmem:$0x4500] =	vst v63  }
0x59: {  	s17 =	simm.s32 @!p1 $0x1  }
0x5a: {  	_ =	swait.ge @!p1 [sflag:s17], $0x80  }
0x5b: {  	[sflag:s17] =	ssyncset.done @!p1 $0x0  }
0x5c: {  	[sflag:s17] =	ssyncadd.s32 @!p1 $0xFFFFFF80  }
0x5d: {  	v9 =	vld @!p1 [tilespmem:$0x0];
	_ =	sdelay $0x6  }
0x5e: {  	v10 =	vimm.f32 @!p1 $1.000000000e+00;
	s17 =	simm.s32 @!p1 $0x80  }
0x5f: {  	[tilespmem:v9+s17+$0x0] =	vst.idx.add.f32.msk @!p1 $0xffff, v10  }
0x60: {  	v9 =	vld @!p1 [tilespmem:$0x10];
	_ =	sdelay $0x7  }
0x61: {  	[tilespmem:v9+s17+$0x0] =	vst.idx.add.f32.msk @!p1 $0xffff, v10  }
0x62: {  	v9 =	vld @!p1 [tilespmem:$0x20];
	_ =	sdelay $0x7  }
0x63: {  	[tilespmem:v9+s17+$0x0] =	vst.idx.add.f32.msk @!p1 $0xffff, v10  }
0x64: {  	v9 =	vld @!p1 [tilespmem:$0x30];
	_ =	sdelay $0x7  }
0x65: {  	[tilespmem:v9+s17+$0x0] =	vst.idx.add.f32.msk @!p1 $0xffff, v10  }
0x66: {  	v9 =	vld @!p1 [tilespmem:$0x40];
	_ =	sdelay $0x7  }
0x67: {  	[tilespmem:v9+s17+$0x0] =	vst.idx.add.f32.msk @!p1 $0xffff, v10  }
0x68: {  	v9 =	vld @!p1 [tilespmem:$0x50];
	_ =	sdelay $0x7  }
0x69: {  	[tilespmem:v9+s17+$0x0] =	vst.idx.add.f32.msk @!p1 $0xffff, v10  }
0x6a: {  	v9 =	vld @!p1 [tilespmem:$0x60];
	_ =	sdelay $0x7  }
0x6b: {  	[tilespmem:v9+s17+$0x0] =	vst.idx.add.f32.msk @!p1 $0xffff, v10  }
0x6c: {  	v9 =	vld @!p1 [tilespmem:$0x70];
	_ =	sdelay $0x1  }
0x6d: {  	s16 =	sadd.s32 $0x10, s16  }
0x6e: {  	p2 =	sne.s32 s16, $0x9D0  }
.Ltmp6:
0x6f: {  	_ = 	snop;
	(pc) =	sbr.rel @p2 .LBB2_6-.Ltmp6, $2  }
0x70: {  	_ =	sdelay $0x2  }
0x71: {  	s18 =	sadd.s32 $0x200, s18;
	[tilespmem:v9+s17+$0x0] =	vst.idx.add.f32.msk @!p1 $0xffff, v10  }
.Ltmp7:
0x72: {  	(pc) =	sbr.rel .LBB2_8-.Ltmp7, $2  }
0x73: {  	_ =	sdelay $0x2  }
0x74: {  	s16 =	smov.u32 s5  }
.LBB2_9:
0x75: {  	_ =	sfence.sel $0x180000  }
0x76: {  	[bflag:$0x0] =	sbarrier.arrive $0xFFFF  }
0x77: {  	p0 =	sne.s32 s3, $0x0;
	_ =	strace $0x90000047  }
0x78: {  	s0 =	sadd.s32 @!p0 $0x100000, s0;
	[bflag:$0x2] =	sbarrier.arrive $0xFFFF  }
0x79: {  	[sflag:s0] =	ssyncadd.tile.s32 @!p0 $0x1;
	_ =	shalt  }
.Lfunc_end2:
_tile_overlayer_lowered:
.L_overlay_start_2:
0x7a: {  	(tag) =	ssettag $0x2  }
0x7b: {  	s0 =	rddreg [dreg:$0x0];
	s2 =	stileid.u32  }
0x7c: {  	s1 =	rddreg [dreg:$0x1];
	p0 =	sne.s32 s2, $0x0  }
0x7d: {  	s3 =	rddreg [dreg:$0x2];
	[bflag:$0x3] =	sbarrier.arrive $0xFFFF;
	s2 =	simm.s32 @!p0 $0x1C01  }
0x7e: {  	[timem:s3], [sflag:s2] =	dma.local @!p0 [hbm:s0], s1  }
0x7f: {  	s0 =	simm.s32 @!p0 $0x1  }
0x80: {  	_ =	swait.ge @!p0 [sflag:s0], s1  }
0x81: {  	s1 =	ssub.s32 @!p0 $0x0, s1;
	[sflag:s0] =	ssyncset.done @!p0 $0x0  }
0x82: {  	[sflag:s0] =	ssyncadd.s32 @!p0 s1  }
0x83: {  	[bflag:$0x3] =	sbarrier.arrive $0xFFFF  }
0x84: {  	_ =	shalt  }

// kernel: kernel.15.cloned.1.call-start
scs
__scs_entry_jumppad:
0x0: {  	(pc) =	sbr.rel $0x88, $3  }
0x1: {  	(tag) =	ssettag $0x0;
	lr =	simm.s32 $0x1  }
0x2: {  	[smem:$0x3F98] =	sst lr;
	_ =	strace $0xD0000000  }
0x3: {  	_ = 	snop  }
0x4: {  	_ = 	snop  }
0x5: {  	_ = 	snop  }
0x6: {  	_ = 	snop  }
0x7: {  	_ = 	snop  }
__scs_overlays_trampoline_lowered:
0x8: {  	[smem:$0x3FA7] =	sst s0  }
0x9: {  	[smem:$0x3FA8] =	sst s1  }
0xa: {  	[smem:$0x3FA9] =	sst s2  }
0xb: {  	[smem:$0x3FAA] =	sst s3  }
0xc: {  	[smem:$0x3FAB] =	sst s4  }
0xd: {  	[smem:$0x3FAC] =	sst s5  }
0xe: {  	[smem:$0x3FAD] =	sst s6  }
0xf: {  	[smem:$0x3FAE] =	sst s7  }
0x10: {  	[smem:$0x3FAF] =	sst s8  }
0x11: {  	[smem:$0x3FB0] =	sst s9;
	s0 =	simm.s32 @!p0 $0x0  }
0x12: {  	s1 =	sld [smem:$0x3F96];
	s0 =	simm.s32 @p0 $0x1  }
0x13: {  	[smem:$0x3FB1] =	sst s0;
	s0 =	simm.s32 @!p1 $0x0  }
0x14: {  	s2 =	sld [smem:$0x3F95];
	s0 =	simm.s32 @p1 $0x1  }
0x15: {  	[smem:$0x3FB2] =	sst s0;
	s0 =	simm.s32 @!p2 $0x0  }
0x16: {  	s3 =	sld [smem:$0x3FDB];
	s0 =	simm.s32 @p2 $0x1  }
0x17: {  	s4 =	simm.s32 $0x1BF5;
	[smem:$0x3FB4] =	sst s0  }
0x18: {  	s0 =	sld [smem:$0x3F97];
	_ =	swait.ge [sflag:s4], $0x0  }
0x19: {  	s7 =	sld [smem:$0x3F98]  }
0x1a: {  	s8 =	sadd.s32 $0xFFFFE003, lr  }
0x1b: {  	s9 =	sadd.s32 $0xFFFFFEF7, lr;
	s5 =	simm.s32 $0xFFFFFFFF;
	p2 =	slt.u32 s8, $0xFFFFF086  }
0x1c: {  	p1 =	slt.u32 s9, $0xF7A;
	s5 =	simm.s32 @!p2 $0x0  }
0x1d: {  	s5 =	simm.s32 @p1 $0x1;
	p0 =	seq.s32 s7, s2  }
0x1e: {  	s7 =	smul.u32 @!p0 $0xF7A, s2;
	p2 =	seq.s32 @!p0 s5, $0x0  }
0x1f: {  	s9 =	smul.u32 $0xF7A, s1;
	s8 =	simm.s32 @!p0 $0x1BF5;
	p2 =	por !p2, p0  }
0x20: {  	[sflag:s8] =	ssyncset.s32 @!p0 $0xFFFFF086;
	s6 =	sadd.s32 @!p0 s3, s7;
	s7 =	simm.s32 @!p0 $0x108  }
0x21: {  	s3 =	sadd.s32 s3, s9;
	s6 =	sadd.s32 @!p0 $0x88, s6;
	s7 =	simm.s32 @p2 $0x1082  }
0x22: {  	[simem:s7], [sflag:s8] =	dma.local @!p0 [hbm:s6], $0xF7A  }
0x23: {  	s9 =	sor.u32 $0xD0000000, s2;
	s6 =	simm.s32 $0x108;
	_ =	swait.ge @!p0 [sflag:s8], $0x0  }
0x24: {  	s3 =	sadd.s32 $0x88, s3;
	s6 =	simm.s32 @!p1 $0x1082;
	[sflag:s4] =	ssyncset.s32 $0xFFFFF086  }
0x25: {  	[simem:s6], [sflag:s4] =	dma.local [hbm:s3], $0xF7A  }
0x26: {  	[smem:$0x3F98] =	sst s1;
	(tag) =	ssettag s2;
	_ =	strace s9  }
0x27: {  	s1 =	sld [smem:$0x3FA8]  }
0x28: {  	s2 =	sld [smem:$0x3FA9]  }
0x29: {  	s4 =	sld [smem:$0x3FAB]  }
0x2a: {  	p0 =	seq.s32 s5, $0x0;
	s5 =	sld [smem:$0x3FAC]  }
0x2b: {  	s6 =	sld [smem:$0x3FAD]  }
0x2c: {  	s7 =	sld [smem:$0x3FAE]  }
0x2d: {  	s3 =	simm.s32 $0x108;
	s8 =	sld [smem:$0x3FAF]  }
0x2e: {  	s3 =	simm.s32 @!p0 $0x1082;
	s9 =	sld [smem:$0x3FB0]  }
0x2f: {  	lr =	sadd.s32 s0, s3;
	s0 =	sld [smem:$0x3FA7]  }
0x30: {  	s3 =	sld [smem:$0x3FAA]  }
0x31: {  	[smem:$0x3FB3] =	sst s10  }
0x32: {  	s10 =	sld [smem:$0x3FB1];
	_ =	sdelay $0x3  }
0x33: {  	p0 =	seq.s32 s10, $0x1;
	s10 =	sld [smem:$0x3FB3];
	_ =	sdelay $0x3  }
0x34: {  	[smem:$0x3FB3] =	sst s10  }
0x35: {  	s10 =	sld [smem:$0x3FB2];
	_ =	sdelay $0x3  }
0x36: {  	p1 =	seq.s32 s10, $0x1;
	s10 =	sld [smem:$0x3FB3];
	_ =	sdelay $0x3  }
0x37: {  	[smem:$0x3FB3] =	sst s10  }
0x38: {  	s10 =	sld [smem:$0x3FB4]  }
0x39: {  	_ = 	snop;
	(pc) =	sbr.ind lr, $3  }
0x3a: {  	_ = 	snop  }
0x3b: {  	_ = 	snop  }
0x3c: {  	p2 =	seq.s32 s10, $0x1;
	s10 =	sld [smem:$0x3FB3]  }
0x3d: {  	_ =	shalt  }
0x3e: {  	_ =	shalt  }
0x3f: {  	_ =	shalt  }
0x40: {  	_ =	shalt  }
0x41: {  	_ =	shalt  }
0x42: {  	_ =	shalt  }
0x43: {  	_ =	shalt  }
0x44: {  	_ =	shalt  }
0x45: {  	_ =	shalt  }
0x46: {  	_ =	shalt  }
0x47: {  	_ =	shalt  }
0x48: {  	_ =	shalt  }
0x49: {  	_ =	shalt  }
0x4a: {  	_ =	shalt  }
0x4b: {  	_ =	shalt  }
0x4c: {  	_ =	shalt  }
0x4d: {  	_ =	shalt  }
0x4e: {  	_ =	shalt  }
0x4f: {  	_ =	shalt  }
0x50: {  	_ =	shalt  }
0x51: {  	_ =	shalt  }
0x52: {  	_ =	shalt  }
0x53: {  	_ =	shalt  }
0x54: {  	_ =	shalt  }
0x55: {  	_ =	shalt  }
0x56: {  	_ =	shalt  }
0x57: {  	_ =	shalt  }
0x58: {  	_ =	shalt  }
0x59: {  	_ =	shalt  }
0x5a: {  	_ =	shalt  }
0x5b: {  	_ =	shalt  }
0x5c: {  	_ =	shalt  }
0x5d: {  	_ =	shalt  }
0x5e: {  	_ =	shalt  }
0x5f: {  	_ =	shalt  }
0x60: {  	_ =	shalt  }
0x61: {  	_ =	shalt  }
0x62: {  	_ =	shalt  }
0x63: {  	_ =	shalt  }
0x64: {  	_ =	shalt  }
0x65: {  	_ =	shalt  }
0x66: {  	_ =	shalt  }
0x67: {  	_ =	shalt  }
0x68: {  	_ =	shalt  }
0x69: {  	_ =	shalt  }
0x6a: {  	_ =	shalt  }
0x6b: {  	_ =	shalt  }
0x6c: {  	_ =	shalt  }
0x6d: {  	_ =	shalt  }
0x6e: {  	_ =	shalt  }
0x6f: {  	_ =	shalt  }
0x70: {  	_ =	shalt  }
0x71: {  	_ =	shalt  }
0x72: {  	_ =	shalt  }
0x73: {  	_ =	shalt  }
0x74: {  	_ =	shalt  }
0x75: {  	_ =	shalt  }
0x76: {  	_ =	shalt  }
0x77: {  	_ =	shalt  }
0x78: {  	_ =	shalt  }
0x79: {  	_ =	shalt  }
0x7a: {  	_ =	shalt  }
0x7b: {  	_ =	shalt  }
0x7c: {  	_ =	shalt  }
0x7d: {  	_ =	shalt  }
0x7e: {  	_ =	shalt  }
0x7f: {  	_ =	shalt  }
0x80: {  	_ =	shalt  }
0x81: {  	_ =	shalt  }
0x82: {  	_ =	shalt  }
0x83: {  	_ =	shalt  }
0x84: {  	_ =	shalt  }
0x85: {  	_ =	shalt  }
0x86: {  	_ =	shalt  }
0x87: {  	_ =	shalt  }
.Lfunc_end0:
.L_simem_size_0:
called_computation.1_lowered:
.L_overlay_start_0:
0x88: {  	s2 =	sld [smem:$0x3FD9]  }
0x89: {  	s3 =	sld [smem:$0x3FFE];
	_ =	sdelay $0x1  }
0x8a: {  	s1 =	srdreg.scid  }
0x8b: {  	s0 =	sand.u32 $0x1, s1  }
0x8c: {  	s17 =	sshll.u32 s0, $0xA;
	s2 =	sadd.s32 s3, s2  }
0x8d: {  	s2 =	sadd.s32 s2, s17  }
0x8e: {  	[smem:$0x3FBF] =	sst s2  }
0x8f: {  	_ = 	snop  }
0x90: {  	s18 =	sld [smem:$0x3FC8];
	(tm) =	ssettm $0x1  }
0x91: {  	s19 =	sld [smem:$0x3FFB];
	_ =	sdelay $0x3  }
0x92: {  	_ =	strace s19  }
0x93: {  	s2 =	sld [smem:$0x3FFC];
	_ =	sdelay $0x3  }
0x94: {  	_ =	strace s2  }
0x95: {  	s2 =	sld [smem:$0x3FFD];
	_ =	sdelay $0x3  }
0x96: {  	_ =	strace s2  }
0x97: {  	_ =	strace $0x8FFFFFFF  }
0x98: {  	s20 =	sld [smem:$0x3FDB];
	_ =	sdelay $0x1  }
0x99: {  	s4 =	simm.s32 $_scs_section_size  }
0x9a: {  	s5 =	simm.s32 $_size__tile_overlayer_lowered;
	s6 =	simm.s32 $_tile_overlayer_lowered  }
0x9b: {  	s7 =	simm.s32 $0x1BFF;
	s21 =	sshll.u32 s6, $0x1;
	s4 =	sadd.s32 s4, s20  }
0x9c: {  	s22 =	simm.s32 $0x0;
	s5 =	sshll.u32 s5, $0x1;
	s6 =	sadd.s32 s21, s4  }
0x9d: {  	[timem:s22], [sflag:s7] =	dma.local [hbm:s6], s5  }
0x9e: {  	_ =	swait.ge [sflag:s7], s5  }
0x9f: {  	s5 =	ssub.s32 $0x0, s5;
	[sflag:s7] =	ssyncset.done $0x0  }
0xa0: {  	[sflag:s7] =	ssyncadd.s32 s5;
	_ =	sdelay $0x1  }
0xa1: {  	s23 =	simm.s32 $0x1B8B  }
0xa2: {  	_ =	swait.ge [sflag:s23], $0x1  }
0xa3: {  	[sflag:s23] =	ssyncset.done $0x0  }
0xa4: {  	[sflag:s23] =	ssyncadd.s32 $0xFFFFFFFF  }
0xa5: {  	s5 =	sld [smem:$0x0]  }
0xa6: {  	s6 =	sand.u32 $0xFFFFFFFE, s1  }
0xa7: {  	p0 =	sne.s32 s1, s6  }
0xa8: {  	s6 =	sshll.u32 @p0 s6, $0xE  }
0xa9: {  	s6 =	sadd.s32 @p0 $0x11B8D, s6;
	s7 =	sshll.u32 @p0 s5, $0x11  }
0xaa: {  	s6 =	sor.u32 @p0 s7, s6  }
0xab: {  	[sflag:s6] =	ssyncadd.remote.s32 @p0 $0x1;
	_ =	sdelay $0x1  }
0xac: {  	s6 =	simm.s32 @p0 $0x1B8D  }
0xad: {  	_ =	swait.eq @p0 [sflag:s6], $0x1  }
0xae: {  	[sflag:s6] =	ssyncadd.s32 @p0 $0xFFFFFFFF  }
0xaf: {  	s7 =	sshll.u32 @!p0 s1, $0xE  }
0xb0: {  	s7 =	sor.u32 @!p0 $0x4000, s7;
	s6 =	simm.s32 @!p0 $0x1B8D  }
0xb1: {  	s5 =	sshll.u32 @!p0 s5, $0x11;
	s7 =	sadd.s32 @!p0 $0x11B8D, s7;
	_ =	swait.eq @!p0 [sflag:s6], $0x1  }
0xb2: {  	s5 =	sor.u32 @!p0 s5, s7;
	[sflag:s6] =	ssyncadd.s32 @!p0 $0xFFFFFFFF  }
0xb3: {  	s25 =	simm.s32 $0x1B8E;
	s24 =	sld [smem:$0x3FFE];
	[sflag:s5] =	ssyncadd.remote.s32 @!p0 $0x1  }
0xb4: {  	s26 =	simm.s32 $execute0_lowered;
	[smem:$0x3FD2] =	sst s25  }
0xb5: {  	s6 =	sshll.u32 s26, $0x1;
	_ =	strace $0x80000049;
	[dreg:$0x1] =	wrdreg $0xFFFFFFFF  }
0xb6: {  	s28 =	simm.s32 $_size_execute0_lowered;
	s4 =	sadd.s32 s4, s6;
	[dreg:$0x0] =	wrdreg $0x0  }
0xb7: {  	s6 =	sshll.u32 s28, $0x1;
	[dreg:$0x2] =	wrdreg s4  }
0xb8: {  	[dreg:$0x3] =	wrdreg s6  }
0xb9: {  	[dreg:$0x4] =	wrdreg $0xC0  }
0xba: {  	_ =	task [dreg:s22], $0x5FFFF  }
0xbb: {  	[dreg:$0x1] =	wrdreg $0xFFFFFFFF  }
0xbc: {  	[dreg:$0x0] =	wrdreg $0x60  }
0xbd: {  	[dreg:$0x2] =	wrdreg s24  }
0xbe: {  	[dreg:$0x3] =	wrdreg s18  }
0xbf: {  	[dreg:$0x4] =	wrdreg $0x41000  }
0xc0: {  	[dreg:$0x5] =	wrdreg $0xA  }
0xc1: {  	_ =	task.clear_ibuf [dreg:s22], $0x6FFFF;
	_ =	strace $0x90000049  }
0xc2: {  	s29 =	simm.s32 $0xA;
	_ =	strace $0x8000004B  }
0xc3: {  	_ =	swait.ge [sflag:s29], $0x1  }
0xc4: {  	[sflag:s29] =	ssyncadd.s32 $0xFFFFFFFF  }
0xc5: {  	_ =	strace $0x9000004B  }
0xc6: {  	_ =	sfence  }
0xc7: {  	s30 =	sld [smem:$0x0];
	_ =	sdelay $0x2  }
0xc8: {  	s31 =	sshll.u32 s1, $0xD;
	s1 =	sshrl.u32 s1, $0x2  }
0xc9: {  	s4 =	sand.u32 $0x4000, s31;
	s1 =	sadd.s32 s1, s30  }
0xca: {  	s0 =	sor.u32 s4, s0;
	s1 =	sshll.u32 s1, $0x11  }
0xcb: {  	s0 =	sor.u32 s1, s0  }
0xcc: {  	s0 =	sadd.s32 $0x8F2B, s0  }
0xcd: {  	[sflag:s0] =	ssyncadd.remote.s32 $0x1  }
0xce: {  	_ =	sfence.sel $0xFFFF  }
0xcf: {  	[dreg:$0x0] =	wrdreg $0xFFFFFFFF;
	(pc) =	sbr.abs _section_cstart, $3  }
0xd0: {  	[dreg:$0x1] =	wrdreg $0xFFFFFFFF  }
0xd1: {  	_ =	task.clear_ibuf [dreg:s22], $0x2FFFF;
	_ =	strace $0x9FFFFFFF  }
0xd2: {  	(tm) =	ssettm $0x7FFFFFFF  }
0xd3: {  	_ =	shalt  }
tec
execute0_lowered:
.L_overlay_start_1:
0x0: {  	(tag) =	ssettag $0x1  }
0x1: {  	s5 =	rddreg [dreg:$0x0]  }
0x2: {  	s10 =	rddreg [dreg:$0x1];
	s0 =	srdreg.scid  }
0x3: {  	s2 =	rddreg [dreg:$0x2];
	s1 =	stileid.u32;
	s3 =	simm.s32 $0x0  }
0x4: {  	s11 =	sand.u32 $0x1, s0;
	s0 =	rddreg [dreg:$0x3];
	s6 =	smul.u32 $0x14000, s1  }
0x5: {  	[smem:$0x7FF] =	sst s3;
	s7 =	smul.u32 $0x50000, s1  }
0x6: {  	s16 =	sshll.u32 s1, $0x6;
	s4 =	smul.u32 $0x140000, s11;
	_ =	strace $0x8000004A  }
0x7: {  	s8 =	ssub.s32 $0x2, s11;
	s14 =	sadd.s32 s16, s10;
	s15 =	sshll.u32 s11, $0x5  }
0x8: {  	s16 =	sor.u32 $0x1C02, s16;
	s30 =	sshrl.u32 s8, $0x1;
	s31 =	sshrl.u32 s7, $0x2  }
0x9: {  	s14 =	sadd.s32 s15, s14;
	s15 =	simm.s32 $0x2;
	s6 =	sadd.s32 s6, s4  }
0xa: {  	s4 =	sadd.s32 $0x4A00, s5;
	s13 =	ssub.s32 s8, s30;
	s6 =	sshrl.u32 s6, $0x3  }
0xb: {  	s12 =	sadd.s32 s6, s5;
	s5 =	sshll.u32 s1, $0x1;
	s6 =	sadd.s32 s31, s2  }
0xc: {  	s7 =	sadd.s32 $0x4000, s6;
	s8 =	sadd.s32 $0x8000, s6;
	s9 =	sadd.s32 $0xC000, s6  }
0xd: {  	s10 =	sadd.s32 $0x10000, s6;
	s11 =	sadd.s32 $0x2BC00, s12;
	s12 =	smax.u32 s13, $0x1  }
0xe: {  	v0 =	vimm.f32 $0.0e+00;
	s13 =	sadd.s32 $0x10, s14;
	s14 =	simm.s32 $0x100;
	s17 =	sshrl.u32 s6, $0x3  }
.LBB2_1:
0xf: {  	s18 =	simm.s32 $0x0;
	s19 =	simm.s32 $0x200  }
.LBB2_2:
0x10: {  	p0 =	sne.s32 s19, $0xFE00;
	[tilespmem:s18+$0x170] =	vst v0  }
0x11: {  	[tilespmem:s18+$0x100] =	vst v0  }
0x12: {  	[tilespmem:s18+$0x110] =	vst v0  }
.Ltmp0:
0x13: {  	[tilespmem:s18+$0x120] =	vst v0;
	(pc) =	sbr.rel @p0 .LBB2_2-.Ltmp0, $4  }
0x14: {  	[tilespmem:s18+$0x130] =	vst v0  }
0x15: {  	[tilespmem:s18+$0x140] =	vst v0  }
0x16: {  	[tilespmem:s18+$0x150] =	vst v0  }
0x17: {  	[tilespmem:s18+$0x160] =	vst v0;
	s18 =	sshra.s32 s19, $0x2;
	s19 =	sadd.s32 $0x200, s19  }
0x18: {  	[tilespmem:s18+$0x170] =	vst v0  }
0x19: {  	[tilespmem:s18+$0x100] =	vst v0  }
0x1a: {  	[tilespmem:s18+$0x110] =	vst v0  }
0x1b: {  	[tilespmem:s18+$0x120] =	vst v0  }
0x1c: {  	[tilespmem:s18+$0x130] =	vst v0  }
0x1d: {  	[tilespmem:s18+$0x140] =	vst v0  }
0x1e: {  	[tilespmem:s18+$0x150] =	vst v0  }
0x1f: {  	[tilespmem:s18+$0x160] =	vst v0  }
0x20: {  	[spmem:s6] =	stream.linear.scatter [tilespmem:s14], [sflag:$0x2], $0x4000, $0x38;
	[tilespmem:$0x18100] =	vst v63  }
0x21: {  	_ =	swait.ge [sflag:s15], $0x4000  }
0x22: {  	[sflag:s15] =	ssyncset.done $0x0  }
0x23: {  	[sflag:s15] =	ssyncadd.s32 $0xFFFFC000  }
0x24: {  	[spmem:s7] =	stream.linear.scatter [tilespmem:s14], [sflag:$0x2], $0x4000, $0x38;
	[tilespmem:$0x18100] =	vst v63  }
0x25: {  	_ =	swait.ge [sflag:s15], $0x4000  }
0x26: {  	[sflag:s15] =	ssyncset.done $0x0  }
0x27: {  	[sflag:s15] =	ssyncadd.s32 $0xFFFFC000  }
0x28: {  	[spmem:s8] =	stream.linear.scatter [tilespmem:s14], [sflag:$0x2], $0x4000, $0x38;
	[tilespmem:$0x18100] =	vst v63  }
0x29: {  	_ =	swait.ge [sflag:s15], $0x4000  }
0x2a: {  	[sflag:s15] =	ssyncset.done $0x0  }
0x2b: {  	[sflag:s15] =	ssyncadd.s32 $0xFFFFC000  }
0x2c: {  	[spmem:s9] =	stream.linear.scatter [tilespmem:s14], [sflag:$0x2], $0x4000, $0x38;
	[tilespmem:$0x18100] =	vst v63  }
0x2d: {  	_ =	swait.ge [sflag:s15], $0x4000  }
0x2e: {  	[sflag:s15] =	ssyncset.done $0x0  }
0x2f: {  	[sflag:s15] =	ssyncadd.s32 $0xFFFFC000  }
0x30: {  	[spmem:s10] =	stream.linear.scatter [tilespmem:s14], [sflag:$0x2], $0x4000, $0x38;
	[tilespmem:$0x18100] =	vst v63  }
0x31: {  	s30 =	sadd.s32 $0x0, s5;
	_ =	swait.ge [sflag:s15], $0x4000  }
0x32: {  	p0 =	sgt.u32 s30, $0x9C3;
	[sflag:s15] =	ssyncset.done $0x0  }
0x33: {  	s18 =	sadd.s32 @!p0 $0xFFFFFFF0, s13;
	[sflag:s15] =	ssyncadd.s32 $0xFFFFC000  }
0x34: {  	s19 =	simm.s32 @!p0 $0x0;
	s20 =	simm.s32 @!p0 $0x3;
	[bflag:$0x0] =	sbarrier.arrive $0xFFFF  }
0x35: {  	[tilespmem:s19], [sflag:$0x3] =	stream.linear.gather @!p0 [hbm4b:s18+s19], $0x80, $0x38;
	[tilespmem:$0x18100] =	vst v63  }
0x36: {  	_ =	swait.ge @!p0 [sflag:s20], $0x80;
	p0 =	por p0, p0  }
0x37: {  	[sflag:s20] =	ssyncset.done @!p0 $0x0  }
0x38: {  	s18 =	simm.s32 @!p0 $0x80;
	[sflag:s20] =	ssyncadd.s32 @!p0 $0xFFFFFF80  }
0x39: {  	[tilespmem:s18], [sflag:$0x3] =	stream.linear.gather @!p0 [hbm4b:s13+s19], $0x80, $0x38;
	[tilespmem:$0x18100] =	vst v63  }
0x3a: {  	_ =	swait.ge @!p0 [sflag:s20], $0x80  }
0x3b: {  	[sflag:s20] =	ssyncset.done @!p0 $0x0  }
0x3c: {  	s21 =	simm.s32 @!p0 $0x1;
	[sflag:s20] =	ssyncadd.s32 @!p0 $0xFFFFFF80;
	s20 =	simm.s32 @!p0 $0x100  }
0x3d: {  	[tilespmem:s20], [sflag:$0x1] =	stream.indirect.gather @!p0 [hbm4b:s4+s18], $0x80, s19, s18, $0xb8;
	[tilespmem:$0x18100] =	vst v63  }
0x3e: {  	_ =	swait.ge @!p0 [sflag:s21], $0x4000  }
0x3f: {  	[sflag:s21] =	ssyncset.done @!p0 $0x0  }
0x40: {  	s31 =	sadd.s32 $0x20, s5;
	[sflag:s21] =	ssyncadd.s32 @!p0 $0xFFFFC000  }
0x41: {  	[spmem:s2] =	stream.indirect.scatter.add.f32 @!p0 [tilespmem:s20], [sflag:$0x2], $0x80, s18, s18, $0xb8;
	[tilespmem:$0x18100] =	vst v63  }
0x42: {  	p2 =	sgt.u32 s31, $0x9C3;
	s20 =	simm.s32 @!p0 $0x2  }
0x43: {  	s19 =	simm.s32 $0x40;
	s18 =	sadd.s32 $0x400, s13;
	_ =	swait.ge @!p0 [sflag:s20], $0x4000  }
.LBB2_4:
0x44: {  	s21 =	sadd.s32 @!p2 $0xFFFFFFF0, s18  }
0x45: {  	s22 =	simm.s32 @!p2 $0x0;
	[sflag:s20] =	ssyncset.done @!p0 $0x0;
	s23 =	smov.u32 s19  }
0x46: {  	s19 =	sadd.s32 $0x20, s19;
	s24 =	simm.s32 @!p2 $0x3;
	[sflag:s20] =	ssyncadd.s32 @!p0 $0xFFFFC000  }
0x47: {  	[tilespmem:s22], [sflag:$0x3] =	stream.linear.gather @!p2 [hbm4b:s21+s22], $0x80, $0x38;
	[tilespmem:$0x18100] =	vst v63  }
0x48: {  	p1 =	sne.s32 s19, $0x9E0;
	p0 =	por p2, p2;
	_ =	swait.ge @!p2 [sflag:s24], $0x80  }
0x49: {  	[sflag:s24] =	ssyncset.done @!p0 $0x0  }
0x4a: {  	s21 =	simm.s32 @!p0 $0x80;
	[sflag:s24] =	ssyncadd.s32 @!p0 $0xFFFFFF80  }
0x4b: {  	[tilespmem:s21], [sflag:$0x3] =	stream.linear.gather @!p0 [hbm4b:s18+s22], $0x80, $0x38;
	[tilespmem:$0x18100] =	vst v63  }
0x4c: {  	_ =	swait.ge @!p0 [sflag:s24], $0x80  }
0x4d: {  	[sflag:s24] =	ssyncset.done @!p0 $0x0  }
0x4e: {  	s20 =	simm.s32 @!p0 $0x1;
	[sflag:s24] =	ssyncadd.s32 @!p0 $0xFFFFFF80;
	s24 =	simm.s32 @!p0 $0x100  }
0x4f: {  	[tilespmem:s24], [sflag:$0x1] =	stream.indirect.gather @!p0 [hbm4b:s4+s21], $0x80, s22, s21, $0xb8;
	[tilespmem:$0x18100] =	vst v63  }
.Ltmp1:
0x50: {  	_ =	swait.ge @!p0 [sflag:s20], $0x4000;
	(pc) =	sbr.rel @p1 .LBB2_4-.Ltmp1, $4  }
0x51: {  	[sflag:s20] =	ssyncset.done @!p0 $0x0  }
0x52: {  	s22 =	sadd.s32 s23, s5;
	[sflag:s20] =	ssyncadd.s32 @!p0 $0xFFFFC000;
	s20 =	simm.s32 @!p0 $0x2  }
0x53: {  	[spmem:s2] =	stream.indirect.scatter.add.f32 @!p0 [tilespmem:s24], [sflag:$0x2], $0x80, s21, s21, $0xb8;
	[tilespmem:$0x18100] =	vst v63  }
0x54: {  	s18 =	sadd.s32 $0x400, s18;
	p2 =	sgt.u32 s22, $0x9C3;
	_ =	swait.ge @!p0 [sflag:s20], $0x4000  }
0x55: {  	s19 =	sadd.s32 @!p2 $0xFFFFFFF0, s18;
	[sflag:s20] =	ssyncset.done @!p0 $0x0  }
0x56: {  	s21 =	simm.s32 @!p2 $0x0;
	s22 =	simm.s32 @!p2 $0x3;
	[sflag:s20] =	ssyncadd.s32 @!p0 $0xFFFFC000  }
0x57: {  	[tilespmem:s21], [sflag:$0x3] =	stream.linear.gather @!p2 [hbm4b:s19+s21], $0x80, $0x38;
	[tilespmem:$0x18100] =	vst v63  }
0x58: {  	p0 =	por p2, p2;
	_ =	swait.ge @!p2 [sflag:s22], $0x80  }
0x59: {  	[sflag:s22] =	ssyncset.done @!p0 $0x0  }
0x5a: {  	s19 =	simm.s32 @!p0 $0x80;
	[sflag:s22] =	ssyncadd.s32 @!p0 $0xFFFFFF80  }
0x5b: {  	[tilespmem:s19], [sflag:$0x3] =	stream.linear.gather @!p0 [hbm4b:s18+s21], $0x80, $0x38;
	[tilespmem:$0x18100] =	vst v63  }
0x5c: {  	_ =	swait.ge @!p0 [sflag:s22], $0x80  }
0x5d: {  	[sflag:s22] =	ssyncset.done @!p0 $0x0  }
0x5e: {  	s20 =	simm.s32 @!p0 $0x1;
	s18 =	simm.s32 @!p0 $0x100;
	[sflag:s22] =	ssyncadd.s32 @!p0 $0xFFFFFF80  }
0x5f: {  	[tilespmem:s18], [sflag:$0x1] =	stream.indirect.gather @!p0 [hbm4b:s4+s19], $0x80, s21, s19, $0xb8;
	[tilespmem:$0x18100] =	vst v63  }
0x60: {  	_ =	swait.ge @!p0 [sflag:s20], $0x4000  }
0x61: {  	[sflag:s20] =	ssyncset.done @!p0 $0x0  }
0x62: {  	[sflag:s20] =	ssyncadd.s32 @!p0 $0xFFFFC000;
	s20 =	simm.s32 @!p0 $0x2  }
0x63: {  	[spmem:s2] =	stream.indirect.scatter.add.f32 @!p0 [tilespmem:s18], [sflag:$0x2], $0x80, s19, s19, $0xb8;
	[tilespmem:$0x18100] =	vst v63  }
0x64: {  	_ =	swait.ge @!p0 [sflag:s20], $0x4000  }
0x65: {  	s3 =	sadd.s32 $0x1, s3;
	[sflag:s20] =	ssyncset.done @!p0 $0x0  }
0x66: {  	[sflag:s20] =	ssyncadd.s32 @!p0 $0xFFFFC000;
	p0 =	sne.s32 s3, s12  }
.Ltmp2:
0x67: {  	[bflag:$0x0] =	sbarrier.arrive $0xFFFF;
	(pc) =	sbr.rel @p0 .LBB2_1-.Ltmp2, $4  }
0x68: {  	[hbm:s11], [sflag:s16] =	dma.local [spmem:s17], $0x2800  }
0x69: {  	_ =	swait.ge [sflag:s15], $0x2800  }
0x6a: {  	[sflag:s15] =	ssyncset.done $0x0  }
0x6b: {  	[sflag:s15] =	ssyncadd.s32 $0xFFFFD800  }
0x6c: {  	_ =	sfence.sel $0x180000  }
0x6d: {  	[bflag:$0x0] =	sbarrier.arrive $0xFFFF  }
0x6e: {  	p0 =	sne.s32 s1, $0x0;
	_ =	strace $0x9000004A  }
0x6f: {  	s0 =	sadd.s32 @!p0 $0x100000, s0;
	[bflag:$0x2] =	sbarrier.arrive $0xFFFF  }
0x70: {  	[sflag:s0] =	ssyncadd.tile.s32 @!p0 $0x1;
	_ =	shalt  }
.Lfunc_end2:
_tile_overlayer_lowered:
.L_overlay_start_2:
0x71: {  	(tag) =	ssettag $0x2  }
0x72: {  	s0 =	rddreg [dreg:$0x0];
	s2 =	stileid.u32  }
0x73: {  	s1 =	rddreg [dreg:$0x1];
	p0 =	sne.s32 s2, $0x0  }
0x74: {  	s3 =	rddreg [dreg:$0x2];
	[bflag:$0x3] =	sbarrier.arrive $0xFFFF;
	s2 =	simm.s32 @!p0 $0x1C02  }
0x75: {  	[timem:s3], [sflag:s2] =	dma.local @!p0 [hbm:s0], s1  }
0x76: {  	s0 =	simm.s32 @!p0 $0x2  }
0x77: {  	_ =	swait.ge @!p0 [sflag:s0], s1  }
0x78: {  	s1 =	ssub.s32 @!p0 $0x0, s1;
	[sflag:s0] =	ssyncset.done @!p0 $0x0  }
0x79: {  	[sflag:s0] =	ssyncadd.s32 @!p0 s1  }
0x7a: {  	[bflag:$0x3] =	sbarrier.arrive $0xFFFF  }
0x7b: {  	_ =	shalt  }

// kernel: kernel.18.cloned.1.call-start
scs
__scs_entry_jumppad:
0x0: {  	(pc) =	sbr.rel $0x88, $3  }
0x1: {  	(tag) =	ssettag $0x0;
	lr =	simm.s32 $0x1  }
0x2: {  	[smem:$0x3F98] =	sst lr;
	_ =	strace $0xD0000000  }
0x3: {  	_ = 	snop  }
0x4: {  	_ = 	snop  }
0x5: {  	_ = 	snop  }
0x6: {  	_ = 	snop  }
0x7: {  	_ = 	snop  }
__scs_overlays_trampoline_lowered:
0x8: {  	[smem:$0x3FA7] =	sst s0  }
0x9: {  	[smem:$0x3FA8] =	sst s1  }
0xa: {  	[smem:$0x3FA9] =	sst s2  }
0xb: {  	[smem:$0x3FAA] =	sst s3  }
0xc: {  	[smem:$0x3FAB] =	sst s4  }
0xd: {  	[smem:$0x3FAC] =	sst s5  }
0xe: {  	[smem:$0x3FAD] =	sst s6  }
0xf: {  	[smem:$0x3FAE] =	sst s7  }
0x10: {  	[smem:$0x3FAF] =	sst s8  }
0x11: {  	[smem:$0x3FB0] =	sst s9;
	s0 =	simm.s32 @!p0 $0x0  }
0x12: {  	s1 =	sld [smem:$0x3F96];
	s0 =	simm.s32 @p0 $0x1  }
0x13: {  	[smem:$0x3FB1] =	sst s0;
	s0 =	simm.s32 @!p1 $0x0  }
0x14: {  	s2 =	sld [smem:$0x3F95];
	s0 =	simm.s32 @p1 $0x1  }
0x15: {  	[smem:$0x3FB2] =	sst s0;
	s0 =	simm.s32 @!p2 $0x0  }
0x16: {  	s3 =	sld [smem:$0x3FDB];
	s0 =	simm.s32 @p2 $0x1  }
0x17: {  	s4 =	simm.s32 $0x1BF5;
	[smem:$0x3FB4] =	sst s0  }
0x18: {  	s0 =	sld [smem:$0x3F97];
	_ =	swait.ge [sflag:s4], $0x0  }
0x19: {  	s7 =	sld [smem:$0x3F98]  }
0x1a: {  	s8 =	sadd.s32 $0xFFFFE003, lr  }
0x1b: {  	s9 =	sadd.s32 $0xFFFFFEF7, lr;
	s5 =	simm.s32 $0xFFFFFFFF;
	p2 =	slt.u32 s8, $0xFFFFF086  }
0x1c: {  	p1 =	slt.u32 s9, $0xF7A;
	s5 =	simm.s32 @!p2 $0x0  }
0x1d: {  	s5 =	simm.s32 @p1 $0x1;
	p0 =	seq.s32 s7, s2  }
0x1e: {  	s7 =	smul.u32 @!p0 $0xF7A, s2;
	p2 =	seq.s32 @!p0 s5, $0x0  }
0x1f: {  	s9 =	smul.u32 $0xF7A, s1;
	s8 =	simm.s32 @!p0 $0x1BF5;
	p2 =	por !p2, p0  }
0x20: {  	[sflag:s8] =	ssyncset.s32 @!p0 $0xFFFFF086;
	s6 =	sadd.s32 @!p0 s3, s7;
	s7 =	simm.s32 @!p0 $0x108  }
0x21: {  	s3 =	sadd.s32 s3, s9;
	s6 =	sadd.s32 @!p0 $0x88, s6;
	s7 =	simm.s32 @p2 $0x1082  }
0x22: {  	[simem:s7], [sflag:s8] =	dma.local @!p0 [hbm:s6], $0xF7A  }
0x23: {  	s9 =	sor.u32 $0xD0000000, s2;
	s6 =	simm.s32 $0x108;
	_ =	swait.ge @!p0 [sflag:s8], $0x0  }
0x24: {  	s3 =	sadd.s32 $0x88, s3;
	s6 =	simm.s32 @!p1 $0x1082;
	[sflag:s4] =	ssyncset.s32 $0xFFFFF086  }
0x25: {  	[simem:s6], [sflag:s4] =	dma.local [hbm:s3], $0xF7A  }
0x26: {  	[smem:$0x3F98] =	sst s1;
	(tag) =	ssettag s2;
	_ =	strace s9  }
0x27: {  	s1 =	sld [smem:$0x3FA8]  }
0x28: {  	s2 =	sld [smem:$0x3FA9]  }
0x29: {  	s4 =	sld [smem:$0x3FAB]  }
0x2a: {  	p0 =	seq.s32 s5, $0x0;
	s5 =	sld [smem:$0x3FAC]  }
0x2b: {  	s6 =	sld [smem:$0x3FAD]  }
0x2c: {  	s7 =	sld [smem:$0x3FAE]  }
0x2d: {  	s3 =	simm.s32 $0x108;
	s8 =	sld [smem:$0x3FAF]  }
0x2e: {  	s3 =	simm.s32 @!p0 $0x1082;
	s9 =	sld [smem:$0x3FB0]  }
0x2f: {  	lr =	sadd.s32 s0, s3;
	s0 =	sld [smem:$0x3FA7]  }
0x30: {  	s3 =	sld [smem:$0x3FAA]  }
0x31: {  	[smem:$0x3FB3] =	sst s10  }
0x32: {  	s10 =	sld [smem:$0x3FB1];
	_ =	sdelay $0x3  }
0x33: {  	p0 =	seq.s32 s10, $0x1;
	s10 =	sld [smem:$0x3FB3];
	_ =	sdelay $0x3  }
0x34: {  	[smem:$0x3FB3] =	sst s10  }
0x35: {  	s10 =	sld [smem:$0x3FB2];
	_ =	sdelay $0x3  }
0x36: {  	p1 =	seq.s32 s10, $0x1;
	s10 =	sld [smem:$0x3FB3];
	_ =	sdelay $0x3  }
0x37: {  	[smem:$0x3FB3] =	sst s10  }
0x38: {  	s10 =	sld [smem:$0x3FB4]  }
0x39: {  	_ = 	snop;
	(pc) =	sbr.ind lr, $3  }
0x3a: {  	_ = 	snop  }
0x3b: {  	_ = 	snop  }
0x3c: {  	p2 =	seq.s32 s10, $0x1;
	s10 =	sld [smem:$0x3FB3]  }
0x3d: {  	_ =	shalt  }
0x3e: {  	_ =	shalt  }
0x3f: {  	_ =	shalt  }
0x40: {  	_ =	shalt  }
0x41: {  	_ =	shalt  }
0x42: {  	_ =	shalt  }
0x43: {  	_ =	shalt  }
0x44: {  	_ =	shalt  }
0x45: {  	_ =	shalt  }
0x46: {  	_ =	shalt  }
0x47: {  	_ =	shalt  }
0x48: {  	_ =	shalt  }
0x49: {  	_ =	shalt  }
0x4a: {  	_ =	shalt  }
0x4b: {  	_ =	shalt  }
0x4c: {  	_ =	shalt  }
0x4d: {  	_ =	shalt  }
0x4e: {  	_ =	shalt  }
0x4f: {  	_ =	shalt  }
0x50: {  	_ =	shalt  }
0x51: {  	_ =	shalt  }
0x52: {  	_ =	shalt  }
0x53: {  	_ =	shalt  }
0x54: {  	_ =	shalt  }
0x55: {  	_ =	shalt  }
0x56: {  	_ =	shalt  }
0x57: {  	_ =	shalt  }
0x58: {  	_ =	shalt  }
0x59: {  	_ =	shalt  }
0x5a: {  	_ =	shalt  }
0x5b: {  	_ =	shalt  }
0x5c: {  	_ =	shalt  }
0x5d: {  	_ =	shalt  }
0x5e: {  	_ =	shalt  }
0x5f: {  	_ =	shalt  }
0x60: {  	_ =	shalt  }
0x61: {  	_ =	shalt  }
0x62: {  	_ =	shalt  }
0x63: {  	_ =	shalt  }
0x64: {  	_ =	shalt  }
0x65: {  	_ =	shalt  }
0x66: {  	_ =	shalt  }
0x67: {  	_ =	shalt  }
0x68: {  	_ =	shalt  }
0x69: {  	_ =	shalt  }
0x6a: {  	_ =	shalt  }
0x6b: {  	_ =	shalt  }
0x6c: {  	_ =	shalt  }
0x6d: {  	_ =	shalt  }
0x6e: {  	_ =	shalt  }
0x6f: {  	_ =	shalt  }
0x70: {  	_ =	shalt  }
0x71: {  	_ =	shalt  }
0x72: {  	_ =	shalt  }
0x73: {  	_ =	shalt  }
0x74: {  	_ =	shalt  }
0x75: {  	_ =	shalt  }
0x76: {  	_ =	shalt  }
0x77: {  	_ =	shalt  }
0x78: {  	_ =	shalt  }
0x79: {  	_ =	shalt  }
0x7a: {  	_ =	shalt  }
0x7b: {  	_ =	shalt  }
0x7c: {  	_ =	shalt  }
0x7d: {  	_ =	shalt  }
0x7e: {  	_ =	shalt  }
0x7f: {  	_ =	shalt  }
0x80: {  	_ =	shalt  }
0x81: {  	_ =	shalt  }
0x82: {  	_ =	shalt  }
0x83: {  	_ =	shalt  }
0x84: {  	_ =	shalt  }
0x85: {  	_ =	shalt  }
0x86: {  	_ =	shalt  }
0x87: {  	_ =	shalt  }
.Lfunc_end0:
.L_simem_size_0:
called_computation.2_lowered:
.L_overlay_start_0:
0x88: {  	s2 =	sld [smem:$0x3FD9]  }
0x89: {  	s3 =	sld [smem:$0x3FFE];
	_ =	sdelay $0x1  }
0x8a: {  	s1 =	srdreg.scid  }
0x8b: {  	s0 =	sand.u32 $0x1, s1  }
0x8c: {  	s17 =	sshll.u32 s0, $0xA;
	s2 =	sadd.s32 s3, s2  }
0x8d: {  	s2 =	sadd.s32 s2, s17  }
0x8e: {  	[smem:$0x3FBF] =	sst s2  }
0x8f: {  	_ = 	snop  }
0x90: {  	s2 =	sld [smem:$0x3FC8];
	(tm) =	ssettm $0x1  }
0x91: {  	s18 =	sld [smem:$0x3FFB];
	_ =	sdelay $0x3  }
0x92: {  	_ =	strace s18  }
0x93: {  	s3 =	sld [smem:$0x3FFC];
	_ =	sdelay $0x3  }
0x94: {  	_ =	strace s3  }
0x95: {  	s3 =	sld [smem:$0x3FFD];
	_ =	sdelay $0x3  }
0x96: {  	_ =	strace s3  }
0x97: {  	_ =	strace $0x8FFFFFFF  }
0x98: {  	s19 =	sld [smem:$0x3FDB];
	_ =	sdelay $0x1  }
0x99: {  	s4 =	simm.s32 $_scs_section_size  }
0x9a: {  	s5 =	simm.s32 $_size__tile_overlayer_lowered;
	s6 =	simm.s32 $_tile_overlayer_lowered  }
0x9b: {  	s22 =	simm.s32 $0x1BFF;
	s21 =	sshll.u32 s6, $0x1;
	s3 =	sadd.s32 s4, s19  }
0x9c: {  	s7 =	simm.s32 $0x0;
	s20 =	sshll.u32 s5, $0x1;
	s5 =	sadd.s32 s21, s3  }
0x9d: {  	[timem:s7], [sflag:s22] =	dma.local [hbm:s5], s20  }
0x9e: {  	_ =	swait.ge [sflag:s22], s20  }
0x9f: {  	s4 =	ssub.s32 $0x0, s20;
	[sflag:s22] =	ssyncset.done $0x0  }
0xa0: {  	[sflag:s22] =	ssyncadd.s32 s4;
	_ =	sdelay $0x1  }
0xa1: {  	s23 =	simm.s32 $0x1B8B  }
0xa2: {  	_ =	swait.ge [sflag:s23], $0x1  }
0xa3: {  	[sflag:s23] =	ssyncset.done $0x0  }
0xa4: {  	s25 =	simm.s32 $0x1B8E;
	s24 =	sld [smem:$0x3FFE];
	[sflag:s23] =	ssyncadd.s32 $0xFFFFFFFF  }
0xa5: {  	s26 =	simm.s32 $execute0_lowered;
	[smem:$0x3FD2] =	sst s25  }
0xa6: {  	s5 =	sshll.u32 s26, $0x1;
	_ =	strace $0x8000004C;
	[dreg:$0x1] =	wrdreg $0xFFFFFFFF  }
0xa7: {  	s28 =	simm.s32 $_size_execute0_lowered;
	s3 =	sadd.s32 s3, s5;
	[dreg:$0x0] =	wrdreg $0x0  }
0xa8: {  	s5 =	sshll.u32 s28, $0x1;
	[dreg:$0x2] =	wrdreg s3  }
0xa9: {  	[dreg:$0x3] =	wrdreg s5  }
0xaa: {  	[dreg:$0x4] =	wrdreg $0xC0  }
0xab: {  	_ =	task [dreg:s7], $0x5FFFF  }
0xac: {  	[dreg:$0x1] =	wrdreg $0xFFFFFFFF  }
0xad: {  	[dreg:$0x0] =	wrdreg $0x60  }
0xae: {  	[dreg:$0x2] =	wrdreg s24  }
0xaf: {  	[dreg:$0x3] =	wrdreg s2  }
0xb0: {  	[dreg:$0x4] =	wrdreg $0x41000  }
0xb1: {  	[dreg:$0x5] =	wrdreg $0x9  }
0xb2: {  	_ =	task.clear_ibuf [dreg:s7], $0x6FFFF;
	_ =	strace $0x9000004C  }
0xb3: {  	s29 =	simm.s32 $0x9;
	_ =	strace $0x8000004E  }
0xb4: {  	_ =	swait.ge [sflag:s29], $0x1  }
0xb5: {  	[sflag:s29] =	ssyncadd.s32 $0xFFFFFFFF  }
0xb6: {  	_ =	strace $0x9000004E  }
0xb7: {  	_ =	sfence  }
0xb8: {  	s30 =	sld [smem:$0x0];
	_ =	sdelay $0x2  }
0xb9: {  	s31 =	sshll.u32 s1, $0xD;
	s1 =	sshrl.u32 s1, $0x2  }
0xba: {  	s3 =	sand.u32 $0x4000, s31;
	s1 =	sadd.s32 s1, s30  }
0xbb: {  	s0 =	sor.u32 s3, s0;
	s1 =	sshll.u32 s1, $0x11  }
0xbc: {  	s0 =	sor.u32 s1, s0  }
0xbd: {  	s0 =	sadd.s32 $0x8F2B, s0  }
0xbe: {  	[sflag:s0] =	ssyncadd.remote.s32 $0x1  }
0xbf: {  	_ =	sfence.sel $0xFFFF  }
0xc0: {  	[dreg:$0x0] =	wrdreg $0xFFFFFFFF;
	(pc) =	sbr.abs _section_cstart, $3  }
0xc1: {  	[dreg:$0x1] =	wrdreg $0xFFFFFFFF  }
0xc2: {  	_ =	task.clear_ibuf [dreg:s7], $0x2FFFF;
	_ =	strace $0x9FFFFFFF  }
0xc3: {  	(tm) =	ssettm $0x7FFFFFFF  }
tec
execute0_lowered:
.L_overlay_start_1:
0x0: {  	(tag) =	ssettag $0x1  }
0x1: {  	s5 =	rddreg [dreg:$0x0]  }
0x2: {  	s10 =	rddreg [dreg:$0x1];
	s0 =	srdreg.scid  }
0x3: {  	s2 =	rddreg [dreg:$0x2];
	s1 =	stileid.u32;
	s3 =	simm.s32 $0x0  }
0x4: {  	s11 =	sand.u32 $0x1, s0;
	s0 =	rddreg [dreg:$0x3];
	s6 =	smul.u32 $0x14000, s1  }
0x5: {  	[smem:$0x7FF] =	sst s3;
	s7 =	smul.u32 $0x50000, s1  }
0x6: {  	s16 =	sshll.u32 s1, $0x6;
	s4 =	smul.u32 $0x140000, s11;
	_ =	strace $0x8000004D  }
0x7: {  	s8 =	ssub.s32 $0x2, s11;
	s14 =	sadd.s32 s16, s10;
	s15 =	sshll.u32 s11, $0x5  }
0x8: {  	s16 =	sor.u32 $0x1C02, s16;
	s30 =	sshrl.u32 s8, $0x1;
	s31 =	sshrl.u32 s7, $0x2  }
0x9: {  	s14 =	sadd.s32 s15, s14;
	s15 =	simm.s32 $0x2;
	s6 =	sadd.s32 s6, s4  }
0xa: {  	s4 =	sadd.s32 $0x4A00, s5;
	s13 =	ssub.s32 s8, s30;
	s6 =	sshrl.u32 s6, $0x3  }
0xb: {  	s12 =	sadd.s32 s6, s5;
	s5 =	sshll.u32 s1, $0x1;
	s6 =	sadd.s32 s31, s2  }
0xc: {  	s7 =	sadd.s32 $0x4000, s6;
	s8 =	sadd.s32 $0x8000, s6;
	s9 =	sadd.s32 $0xC000, s6  }
0xd: {  	s10 =	sadd.s32 $0x10000, s6;
	s11 =	sadd.s32 $0x2BC00, s12;
	s12 =	smax.u32 s13, $0x1  }
0xe: {  	v0 =	vimm.f32 $0.0e+00;
	s13 =	sadd.s32 $0x10, s14;
	s14 =	simm.s32 $0x100;
	s17 =	sshrl.u32 s6, $0x3  }
.LBB2_1:
0xf: {  	s18 =	simm.s32 $0x0;
	s19 =	simm.s32 $0x200  }
.LBB2_2:
0x10: {  	p0 =	sne.s32 s19, $0xFE00;
	[tilespmem:s18+$0x170] =	vst v0  }
0x11: {  	[tilespmem:s18+$0x100] =	vst v0  }
0x12: {  	[tilespmem:s18+$0x110] =	vst v0  }
.Ltmp0:
0x13: {  	[tilespmem:s18+$0x120] =	vst v0;
	(pc) =	sbr.rel @p0 .LBB2_2-.Ltmp0, $4  }
0x14: {  	[tilespmem:s18+$0x130] =	vst v0  }
0x15: {  	[tilespmem:s18+$0x140] =	vst v0  }
0x16: {  	[tilespmem:s18+$0x150] =	vst v0  }
0x17: {  	[tilespmem:s18+$0x160] =	vst v0;
	s18 =	sshra.s32 s19, $0x2;
	s19 =	sadd.s32 $0x200, s19  }
0x18: {  	[tilespmem:s18+$0x170] =	vst v0  }
0x19: {  	[tilespmem:s18+$0x100] =	vst v0  }
0x1a: {  	[tilespmem:s18+$0x110] =	vst v0  }
0x1b: {  	[tilespmem:s18+$0x120] =	vst v0  }
0x1c: {  	[tilespmem:s18+$0x130] =	vst v0  }
0x1d: {  	[tilespmem:s18+$0x140] =	vst v0  }
0x1e: {  	[tilespmem:s18+$0x150] =	vst v0  }
0x1f: {  	[tilespmem:s18+$0x160] =	vst v0  }
0x20: {  	[spmem:s6] =	stream.linear.scatter [tilespmem:s14], [sflag:$0x2], $0x4000, $0x38;
	[tilespmem:$0x18100] =	vst v63  }
0x21: {  	_ =	swait.ge [sflag:s15], $0x4000  }
0x22: {  	[sflag:s15] =	ssyncset.done $0x0  }
0x23: {  	[sflag:s15] =	ssyncadd.s32 $0xFFFFC000  }
0x24: {  	[spmem:s7] =	stream.linear.scatter [tilespmem:s14], [sflag:$0x2], $0x4000, $0x38;
	[tilespmem:$0x18100] =	vst v63  }
0x25: {  	_ =	swait.ge [sflag:s15], $0x4000  }
0x26: {  	[sflag:s15] =	ssyncset.done $0x0  }
0x27: {  	[sflag:s15] =	ssyncadd.s32 $0xFFFFC000  }
0x28: {  	[spmem:s8] =	stream.linear.scatter [tilespmem:s14], [sflag:$0x2], $0x4000, $0x38;
	[tilespmem:$0x18100] =	vst v63  }
0x29: {  	_ =	swait.ge [sflag:s15], $0x4000  }
0x2a: {  	[sflag:s15] =	ssyncset.done $0x0  }
0x2b: {  	[sflag:s15] =	ssyncadd.s32 $0xFFFFC000  }
0x2c: {  	[spmem:s9] =	stream.linear.scatter [tilespmem:s14], [sflag:$0x2], $0x4000, $0x38;
	[tilespmem:$0x18100] =	vst v63  }
0x2d: {  	_ =	swait.ge [sflag:s15], $0x4000  }
0x2e: {  	[sflag:s15] =	ssyncset.done $0x0  }
0x2f: {  	[sflag:s15] =	ssyncadd.s32 $0xFFFFC000  }
0x30: {  	[spmem:s10] =	stream.linear.scatter [tilespmem:s14], [sflag:$0x2], $0x4000, $0x38;
	[tilespmem:$0x18100] =	vst v63  }
0x31: {  	_ =	swait.ge [sflag:s15], $0x4000  }
0x32: {  	s30 =	sadd.s32 $0x0, s5;
	[sflag:s15] =	ssyncset.done $0x0  }
0x33: {  	p0 =	sgt.u32 s30, $0x9C3;
	[sflag:s15] =	ssyncadd.s32 $0xFFFFC000  }
0x34: {  	s18 =	simm.s32 @!p0 $0x0;
	s19 =	simm.s32 @!p0 $0x3;
	[bflag:$0x0] =	sbarrier.arrive $0xFFFF  }
0x35: {  	[tilespmem:s18], [sflag:$0x3] =	stream.linear.gather @!p0 [hbm4b:s13+s18], $0x80, $0x38;
	[tilespmem:$0x18100] =	vst v63  }
0x36: {  	_ =	swait.ge @!p0 [sflag:s19], $0x80  }
0x37: {  	[sflag:s19] =	ssyncset.done @!p0 $0x0;
	p0 =	por p0, p0  }
0x38: {  	[sflag:s19] =	ssyncadd.s32 @!p0 $0xFFFFFF80;
	s20 =	sadd.s32 @!p0 $0xFFFFFFF0, s13;
	s21 =	simm.s32 @!p0 $0x80  }
0x39: {  	[tilespmem:s21], [sflag:$0x3] =	stream.linear.gather @!p0 [hbm4b:s20+s18], $0x80, $0x38;
	[tilespmem:$0x18100] =	vst v63  }
0x3a: {  	_ =	swait.ge @!p0 [sflag:s19], $0x80  }
0x3b: {  	[sflag:s19] =	ssyncset.done @!p0 $0x0  }
0x3c: {  	s20 =	simm.s32 @!p0 $0x1;
	[sflag:s19] =	ssyncadd.s32 @!p0 $0xFFFFFF80;
	s19 =	simm.s32 @!p0 $0x100  }
0x3d: {  	[tilespmem:s19], [sflag:$0x1] =	stream.indirect.gather @!p0 [hbm4b:s4+s21], $0x80, s18, s21, $0xb8;
	[tilespmem:$0x18100] =	vst v63  }
0x3e: {  	_ =	swait.ge @!p0 [sflag:s20], $0x4000  }
0x3f: {  	[sflag:s20] =	ssyncset.done @!p0 $0x0  }
0x40: {  	s31 =	sadd.s32 $0x20, s5;
	[sflag:s20] =	ssyncadd.s32 @!p0 $0xFFFFC000;
	s20 =	simm.s32 @!p0 $0x2  }
0x41: {  	[spmem:s2] =	stream.indirect.scatter.add.f32 @!p0 [tilespmem:s19], [sflag:$0x2], $0x80, s21, s21, $0xb8;
	[tilespmem:$0x18100] =	vst v63  }
0x42: {  	p2 =	sgt.u32 s31, $0x9C3;
	_ =	swait.ge @!p0 [sflag:s20], $0x4000  }
0x43: {  	s18 =	sadd.s32 $0x400, s13;
	s19 =	simm.s32 $0x40;
	[sflag:s20] =	ssyncset.done @!p0 $0x0  }
.LBB2_4:
0x44: {  	s21 =	simm.s32 @!p2 $0x0;
	s22 =	simm.s32 @!p2 $0x3;
	[sflag:s20] =	ssyncadd.s32 @!p0 $0xFFFFC000  }
0x45: {  	[tilespmem:s21], [sflag:$0x3] =	stream.linear.gather @!p2 [hbm4b:s18+s21], $0x80, $0x38;
	[tilespmem:$0x18100] =	vst v63  }
0x46: {  	s23 =	smov.u32 s19;
	s19 =	sadd.s32 $0x20, s19;
	_ =	swait.ge @!p2 [sflag:s22], $0x80  }
0x47: {  	p0 =	por p2, p2;
	p1 =	sne.s32 s19, $0x9E0;
	[sflag:s22] =	ssyncset.done @!p2 $0x0  }
0x48: {  	s20 =	sadd.s32 @!p0 $0xFFFFFFF0, s18;
	s24 =	simm.s32 @!p0 $0x80;
	[sflag:s22] =	ssyncadd.s32 @!p0 $0xFFFFFF80  }
0x49: {  	[tilespmem:s24], [sflag:$0x3] =	stream.linear.gather @!p0 [hbm4b:s20+s21], $0x80, $0x38;
	[tilespmem:$0x18100] =	vst v63  }
0x4a: {  	_ =	swait.ge @!p0 [sflag:s22], $0x80  }
0x4b: {  	[sflag:s22] =	ssyncset.done @!p0 $0x0  }
0x4c: {  	s20 =	simm.s32 @!p0 $0x1;
	[sflag:s22] =	ssyncadd.s32 @!p0 $0xFFFFFF80;
	s22 =	simm.s32 @!p0 $0x100  }
0x4d: {  	[tilespmem:s22], [sflag:$0x1] =	stream.indirect.gather @!p0 [hbm4b:s4+s24], $0x80, s21, s24, $0xb8;
	[tilespmem:$0x18100] =	vst v63  }
0x4e: {  	_ =	swait.ge @!p0 [sflag:s20], $0x4000  }
.Ltmp1:
0x4f: {  	[sflag:s20] =	ssyncset.done @!p0 $0x0;
	(pc) =	sbr.rel @p1 .LBB2_4-.Ltmp1, $4  }
0x50: {  	[sflag:s20] =	ssyncadd.s32 @!p0 $0xFFFFC000;
	s20 =	simm.s32 @!p0 $0x2  }
0x51: {  	[spmem:s2] =	stream.indirect.scatter.add.f32 @!p0 [tilespmem:s22], [sflag:$0x2], $0x80, s24, s24, $0xb8;
	[tilespmem:$0x18100] =	vst v63  }
0x52: {  	s21 =	sadd.s32 s23, s5;
	_ =	swait.ge @!p0 [sflag:s20], $0x4000  }
0x53: {  	s18 =	sadd.s32 $0x400, s18;
	p2 =	sgt.u32 s21, $0x9C3;
	[sflag:s20] =	ssyncset.done @!p0 $0x0  }
0x54: {  	s19 =	simm.s32 @!p2 $0x0;
	s21 =	simm.s32 @!p2 $0x3;
	[sflag:s20] =	ssyncadd.s32 @!p0 $0xFFFFC000  }
0x55: {  	[tilespmem:s19], [sflag:$0x3] =	stream.linear.gather @!p2 [hbm4b:s18+s19], $0x80, $0x38;
	[tilespmem:$0x18100] =	vst v63  }
0x56: {  	_ =	swait.ge @!p2 [sflag:s21], $0x80  }
0x57: {  	p0 =	por p2, p2;
	[sflag:s21] =	ssyncset.done @!p2 $0x0  }
0x58: {  	s18 =	sadd.s32 @!p0 $0xFFFFFFF0, s18;
	s20 =	simm.s32 @!p0 $0x80;
	[sflag:s21] =	ssyncadd.s32 @!p0 $0xFFFFFF80  }
0x59: {  	[tilespmem:s20], [sflag:$0x3] =	stream.linear.gather @!p0 [hbm4b:s18+s19], $0x80, $0x38;
	[tilespmem:$0x18100] =	vst v63  }
0x5a: {  	_ =	swait.ge @!p0 [sflag:s21], $0x80  }
0x5b: {  	[sflag:s21] =	ssyncset.done @!p0 $0x0  }
0x5c: {  	s18 =	simm.s32 @!p0 $0x100;
	[sflag:s21] =	ssyncadd.s32 @!p0 $0xFFFFFF80;
	s21 =	simm.s32 @!p0 $0x1  }
0x5d: {  	[tilespmem:s18], [sflag:$0x1] =	stream.indirect.gather @!p0 [hbm4b:s4+s20], $0x80, s19, s20, $0xb8;
	[tilespmem:$0x18100] =	vst v63  }
0x5e: {  	_ =	swait.ge @!p0 [sflag:s21], $0x4000  }
0x5f: {  	[sflag:s21] =	ssyncset.done @!p0 $0x0  }
0x60: {  	s19 =	simm.s32 @!p0 $0x2;
	[sflag:s21] =	ssyncadd.s32 @!p0 $0xFFFFC000  }
0x61: {  	[spmem:s2] =	stream.indirect.scatter.add.f32 @!p0 [tilespmem:s18], [sflag:$0x2], $0x80, s20, s20, $0xb8;
	[tilespmem:$0x18100] =	vst v63  }
0x62: {  	_ =	swait.ge @!p0 [sflag:s19], $0x4000  }
0x63: {  	s3 =	sadd.s32 $0x1, s3;
	[sflag:s19] =	ssyncset.done @!p0 $0x0  }
0x64: {  	[sflag:s19] =	ssyncadd.s32 @!p0 $0xFFFFC000;
	p0 =	sne.s32 s3, s12  }
.Ltmp2:
0x65: {  	[bflag:$0x0] =	sbarrier.arrive $0xFFFF;
	(pc) =	sbr.rel @p0 .LBB2_1-.Ltmp2, $4  }
0x66: {  	[hbm:s11], [sflag:s16] =	dma.local [spmem:s17], $0x2800  }
0x67: {  	_ =	swait.ge [sflag:s15], $0x2800  }
0x68: {  	[sflag:s15] =	ssyncset.done $0x0  }
0x69: {  	[sflag:s15] =	ssyncadd.s32 $0xFFFFD800  }
0x6a: {  	_ =	sfence.sel $0x180000  }
0x6b: {  	[bflag:$0x0] =	sbarrier.arrive $0xFFFF  }
0x6c: {  	p0 =	sne.s32 s1, $0x0;
	_ =	strace $0x9000004D  }
0x6d: {  	s0 =	sadd.s32 @!p0 $0x100000, s0;
	[bflag:$0x2] =	sbarrier.arrive $0xFFFF  }
0x6e: {  	[sflag:s0] =	ssyncadd.tile.s32 @!p0 $0x1;
	_ =	shalt  }
.Lfunc_end2:
_tile_overlayer_lowered:
.L_overlay_start_2:
0x6f: {  	(tag) =	ssettag $0x2  }
0x70: {  	s0 =	rddreg [dreg:$0x0];
	s2 =	stileid.u32  }
0x71: {  	s1 =	rddreg [dreg:$0x1];
	p0 =	sne.s32 s2, $0x0  }
0x72: {  	s3 =	rddreg [dreg:$0x2];
	[bflag:$0x3] =	sbarrier.arrive $0xFFFF;
	s2 =	simm.s32 @!p0 $0x1C02  }
0x73: {  	[timem:s3], [sflag:s2] =	dma.local @!p0 [hbm:s0], s1  }
0x74: {  	s0 =	simm.s32 @!p0 $0x2  }
0x75: {  	_ =	swait.ge @!p0 [sflag:s0], s1  }
0x76: {  	s1 =	ssub.s32 @!p0 $0x0, s1;
	[sflag:s0] =	ssyncset.done @!p0 $0x0  }
0x77: {  	[sflag:s0] =	ssyncadd.s32 @!p0 s1  }
0x78: {  	[bflag:$0x3] =	sbarrier.arrive $0xFFFF  }
0x79: {  	_ =	shalt  }

// kernel: kernel.21.cloned.1.call-start
scs
__scs_entry_jumppad:
0x0: {  	(pc) =	sbr.rel $0x88, $3  }
0x1: {  	(tag) =	ssettag $0x0;
	lr =	simm.s32 $0x1  }
0x2: {  	[smem:$0x3F98] =	sst lr;
	_ =	strace $0xD0000000  }
0x3: {  	_ = 	snop  }
0x4: {  	_ = 	snop  }
0x5: {  	_ = 	snop  }
0x6: {  	_ = 	snop  }
0x7: {  	_ = 	snop  }
__scs_overlays_trampoline_lowered:
0x8: {  	[smem:$0x3FA7] =	sst s0  }
0x9: {  	[smem:$0x3FA8] =	sst s1  }
0xa: {  	[smem:$0x3FA9] =	sst s2  }
0xb: {  	[smem:$0x3FAA] =	sst s3  }
0xc: {  	[smem:$0x3FAB] =	sst s4  }
0xd: {  	[smem:$0x3FAC] =	sst s5  }
0xe: {  	[smem:$0x3FAD] =	sst s6  }
0xf: {  	[smem:$0x3FAE] =	sst s7  }
0x10: {  	[smem:$0x3FAF] =	sst s8  }
0x11: {  	[smem:$0x3FB0] =	sst s9;
	s0 =	simm.s32 @!p0 $0x0  }
0x12: {  	s1 =	sld [smem:$0x3F96];
	s0 =	simm.s32 @p0 $0x1  }
0x13: {  	[smem:$0x3FB1] =	sst s0;
	s0 =	simm.s32 @!p1 $0x0  }
0x14: {  	s2 =	sld [smem:$0x3F95];
	s0 =	simm.s32 @p1 $0x1  }
0x15: {  	[smem:$0x3FB2] =	sst s0;
	s0 =	simm.s32 @!p2 $0x0  }
0x16: {  	s3 =	sld [smem:$0x3FDB];
	s0 =	simm.s32 @p2 $0x1  }
0x17: {  	s4 =	simm.s32 $0x1BF5;
	[smem:$0x3FB4] =	sst s0  }
0x18: {  	s0 =	sld [smem:$0x3F97];
	_ =	swait.ge [sflag:s4], $0x0  }
0x19: {  	s7 =	sld [smem:$0x3F98]  }
0x1a: {  	s8 =	sadd.s32 $0xFFFFE003, lr  }
0x1b: {  	s9 =	sadd.s32 $0xFFFFFEF7, lr;
	s5 =	simm.s32 $0xFFFFFFFF;
	p2 =	slt.u32 s8, $0xFFFFF086  }
0x1c: {  	p1 =	slt.u32 s9, $0xF7A;
	s5 =	simm.s32 @!p2 $0x0  }
0x1d: {  	s5 =	simm.s32 @p1 $0x1;
	p0 =	seq.s32 s7, s2  }
0x1e: {  	s7 =	smul.u32 @!p0 $0xF7A, s2;
	p2 =	seq.s32 @!p0 s5, $0x0  }
0x1f: {  	s9 =	smul.u32 $0xF7A, s1;
	s8 =	simm.s32 @!p0 $0x1BF5;
	p2 =	por !p2, p0  }
0x20: {  	[sflag:s8] =	ssyncset.s32 @!p0 $0xFFFFF086;
	s6 =	sadd.s32 @!p0 s3, s7;
	s7 =	simm.s32 @!p0 $0x108  }
0x21: {  	s3 =	sadd.s32 s3, s9;
	s6 =	sadd.s32 @!p0 $0x88, s6;
	s7 =	simm.s32 @p2 $0x1082  }
0x22: {  	[simem:s7], [sflag:s8] =	dma.local @!p0 [hbm:s6], $0xF7A  }
0x23: {  	s9 =	sor.u32 $0xD0000000, s2;
	s6 =	simm.s32 $0x108;
	_ =	swait.ge @!p0 [sflag:s8], $0x0  }
0x24: {  	s3 =	sadd.s32 $0x88, s3;
	s6 =	simm.s32 @!p1 $0x1082;
	[sflag:s4] =	ssyncset.s32 $0xFFFFF086  }
0x25: {  	[simem:s6], [sflag:s4] =	dma.local [hbm:s3], $0xF7A  }
0x26: {  	[smem:$0x3F98] =	sst s1;
	(tag) =	ssettag s2;
	_ =	strace s9  }
0x27: {  	s1 =	sld [smem:$0x3FA8]  }
0x28: {  	s2 =	sld [smem:$0x3FA9]  }
0x29: {  	s4 =	sld [smem:$0x3FAB]  }
0x2a: {  	p0 =	seq.s32 s5, $0x0;
	s5 =	sld [smem:$0x3FAC]  }
0x2b: {  	s6 =	sld [smem:$0x3FAD]  }
0x2c: {  	s7 =	sld [smem:$0x3FAE]  }
0x2d: {  	s3 =	simm.s32 $0x108;
	s8 =	sld [smem:$0x3FAF]  }
0x2e: {  	s3 =	simm.s32 @!p0 $0x1082;
	s9 =	sld [smem:$0x3FB0]  }
0x2f: {  	lr =	sadd.s32 s0, s3;
	s0 =	sld [smem:$0x3FA7]  }
0x30: {  	s3 =	sld [smem:$0x3FAA]  }
0x31: {  	[smem:$0x3FB3] =	sst s10  }
0x32: {  	s10 =	sld [smem:$0x3FB1];
	_ =	sdelay $0x3  }
0x33: {  	p0 =	seq.s32 s10, $0x1;
	s10 =	sld [smem:$0x3FB3];
	_ =	sdelay $0x3  }
0x34: {  	[smem:$0x3FB3] =	sst s10  }
0x35: {  	s10 =	sld [smem:$0x3FB2];
	_ =	sdelay $0x3  }
0x36: {  	p1 =	seq.s32 s10, $0x1;
	s10 =	sld [smem:$0x3FB3];
	_ =	sdelay $0x3  }
0x37: {  	[smem:$0x3FB3] =	sst s10  }
0x38: {  	s10 =	sld [smem:$0x3FB4]  }
0x39: {  	_ = 	snop;
	(pc) =	sbr.ind lr, $3  }
0x3a: {  	_ = 	snop  }
0x3b: {  	_ = 	snop  }
0x3c: {  	p2 =	seq.s32 s10, $0x1;
	s10 =	sld [smem:$0x3FB3]  }
0x3d: {  	_ =	shalt  }
0x3e: {  	_ =	shalt  }
0x3f: {  	_ =	shalt  }
0x40: {  	_ =	shalt  }
0x41: {  	_ =	shalt  }
0x42: {  	_ =	shalt  }
0x43: {  	_ =	shalt  }
0x44: {  	_ =	shalt  }
0x45: {  	_ =	shalt  }
0x46: {  	_ =	shalt  }
0x47: {  	_ =	shalt  }
0x48: {  	_ =	shalt  }
0x49: {  	_ =	shalt  }
0x4a: {  	_ =	shalt  }
0x4b: {  	_ =	shalt  }
0x4c: {  	_ =	shalt  }
0x4d: {  	_ =	shalt  }
0x4e: {  	_ =	shalt  }
0x4f: {  	_ =	shalt  }
0x50: {  	_ =	shalt  }
0x51: {  	_ =	shalt  }
0x52: {  	_ =	shalt  }
0x53: {  	_ =	shalt  }
0x54: {  	_ =	shalt  }
0x55: {  	_ =	shalt  }
0x56: {  	_ =	shalt  }
0x57: {  	_ =	shalt  }
0x58: {  	_ =	shalt  }
0x59: {  	_ =	shalt  }
0x5a: {  	_ =	shalt  }
0x5b: {  	_ =	shalt  }
0x5c: {  	_ =	shalt  }
0x5d: {  	_ =	shalt  }
0x5e: {  	_ =	shalt  }
0x5f: {  	_ =	shalt  }
0x60: {  	_ =	shalt  }
0x61: {  	_ =	shalt  }
0x62: {  	_ =	shalt  }
0x63: {  	_ =	shalt  }
0x64: {  	_ =	shalt  }
0x65: {  	_ =	shalt  }
0x66: {  	_ =	shalt  }
0x67: {  	_ =	shalt  }
0x68: {  	_ =	shalt  }
0x69: {  	_ =	shalt  }
0x6a: {  	_ =	shalt  }
0x6b: {  	_ =	shalt  }
0x6c: {  	_ =	shalt  }
0x6d: {  	_ =	shalt  }
0x6e: {  	_ =	shalt  }
0x6f: {  	_ =	shalt  }
0x70: {  	_ =	shalt  }
0x71: {  	_ =	shalt  }
0x72: {  	_ =	shalt  }
0x73: {  	_ =	shalt  }
0x74: {  	_ =	shalt  }
0x75: {  	_ =	shalt  }
0x76: {  	_ =	shalt  }
0x77: {  	_ =	shalt  }
0x78: {  	_ =	shalt  }
0x79: {  	_ =	shalt  }
0x7a: {  	_ =	shalt  }
0x7b: {  	_ =	shalt  }
0x7c: {  	_ =	shalt  }
0x7d: {  	_ =	shalt  }
0x7e: {  	_ =	shalt  }
0x7f: {  	_ =	shalt  }
0x80: {  	_ =	shalt  }
0x81: {  	_ =	shalt  }
0x82: {  	_ =	shalt  }
0x83: {  	_ =	shalt  }
0x84: {  	_ =	shalt  }
0x85: {  	_ =	shalt  }
0x86: {  	_ =	shalt  }
0x87: {  	_ =	shalt  }
.Lfunc_end0:
.L_simem_size_0:
called_computation.3_lowered:
.L_overlay_start_0:
0x88: {  	s2 =	sld [smem:$0x3FD9]  }
0x89: {  	s3 =	sld [smem:$0x3FFE];
	_ =	sdelay $0x1  }
0x8a: {  	s1 =	srdreg.scid  }
0x8b: {  	s0 =	sand.u32 $0x1, s1  }
0x8c: {  	s17 =	sshll.u32 s0, $0xA;
	s2 =	sadd.s32 s3, s2  }
0x8d: {  	s2 =	sadd.s32 s2, s17  }
0x8e: {  	[smem:$0x3FBF] =	sst s2  }
0x8f: {  	_ = 	snop  }
0x90: {  	s2 =	sld [smem:$0x3FC8];
	(tm) =	ssettm $0x1  }
0x91: {  	s18 =	sld [smem:$0x3FFB];
	_ =	sdelay $0x3  }
0x92: {  	_ =	strace s18  }
0x93: {  	s3 =	sld [smem:$0x3FFC];
	_ =	sdelay $0x3  }
0x94: {  	_ =	strace s3  }
0x95: {  	s3 =	sld [smem:$0x3FFD];
	_ =	sdelay $0x3  }
0x96: {  	_ =	strace s3  }
0x97: {  	_ =	strace $0x8FFFFFFF  }
0x98: {  	s19 =	sld [smem:$0x3FDB];
	_ =	sdelay $0x1  }
0x99: {  	s4 =	simm.s32 $_scs_section_size  }
0x9a: {  	s5 =	simm.s32 $_size__tile_overlayer_lowered;
	s6 =	simm.s32 $_tile_overlayer_lowered  }
0x9b: {  	s22 =	simm.s32 $0x1BFF;
	s21 =	sshll.u32 s6, $0x1;
	s3 =	sadd.s32 s4, s19  }
0x9c: {  	s7 =	simm.s32 $0x0;
	s20 =	sshll.u32 s5, $0x1;
	s5 =	sadd.s32 s21, s3  }
0x9d: {  	[timem:s7], [sflag:s22] =	dma.local [hbm:s5], s20  }
0x9e: {  	_ =	swait.ge [sflag:s22], s20  }
0x9f: {  	s4 =	ssub.s32 $0x0, s20;
	[sflag:s22] =	ssyncset.done $0x0  }
0xa0: {  	[sflag:s22] =	ssyncadd.s32 s4;
	_ =	sdelay $0x1  }
0xa1: {  	s23 =	simm.s32 $0x1B8B  }
0xa2: {  	_ =	swait.ge [sflag:s23], $0x1  }
0xa3: {  	[sflag:s23] =	ssyncset.done $0x0  }
0xa4: {  	s25 =	simm.s32 $0x1B8E;
	s24 =	sld [smem:$0x3FFE];
	[sflag:s23] =	ssyncadd.s32 $0xFFFFFFFF  }
0xa5: {  	s26 =	simm.s32 $execute0_lowered;
	[smem:$0x3FD2] =	sst s25  }
0xa6: {  	s5 =	sshll.u32 s26, $0x1;
	_ =	strace $0x8000004F;
	[dreg:$0x1] =	wrdreg $0xFFFFFFFF  }
0xa7: {  	s28 =	simm.s32 $_size_execute0_lowered;
	s3 =	sadd.s32 s3, s5;
	[dreg:$0x0] =	wrdreg $0x0  }
0xa8: {  	s5 =	sshll.u32 s28, $0x1;
	[dreg:$0x2] =	wrdreg s3  }
0xa9: {  	[dreg:$0x3] =	wrdreg s5  }
0xaa: {  	[dreg:$0x4] =	wrdreg $0xC0  }
0xab: {  	_ =	task [dreg:s7], $0x5FFFF  }
0xac: {  	[dreg:$0x1] =	wrdreg $0xFFFFFFFF  }
0xad: {  	[dreg:$0x0] =	wrdreg $0x60  }
0xae: {  	[dreg:$0x2] =	wrdreg s24  }
0xaf: {  	[dreg:$0x3] =	wrdreg s2  }
0xb0: {  	[dreg:$0x4] =	wrdreg $0x41000  }
0xb1: {  	[dreg:$0x5] =	wrdreg $0x9  }
0xb2: {  	_ =	task.clear_ibuf [dreg:s7], $0x6FFFF;
	_ =	strace $0x9000004F  }
0xb3: {  	s29 =	simm.s32 $0x9;
	_ =	strace $0x80000051  }
0xb4: {  	_ =	swait.ge [sflag:s29], $0x1  }
0xb5: {  	[sflag:s29] =	ssyncadd.s32 $0xFFFFFFFF  }
0xb6: {  	_ =	strace $0x90000051  }
0xb7: {  	_ =	sfence  }
0xb8: {  	s30 =	sld [smem:$0x0];
	_ =	sdelay $0x2  }
0xb9: {  	s31 =	sshll.u32 s1, $0xD;
	s1 =	sshrl.u32 s1, $0x2  }
0xba: {  	s3 =	sand.u32 $0x4000, s31;
	s1 =	sadd.s32 s1, s30  }
0xbb: {  	s0 =	sor.u32 s3, s0;
	s1 =	sshll.u32 s1, $0x11  }
0xbc: {  	s0 =	sor.u32 s1, s0  }
0xbd: {  	s0 =	sadd.s32 $0x8F2B, s0  }
0xbe: {  	[sflag:s0] =	ssyncadd.remote.s32 $0x1  }
0xbf: {  	_ =	sfence.sel $0xFFFF  }
0xc0: {  	[dreg:$0x0] =	wrdreg $0xFFFFFFFF;
	(pc) =	sbr.abs _section_cstart, $3  }
0xc1: {  	[dreg:$0x1] =	wrdreg $0xFFFFFFFF  }
0xc2: {  	_ =	task.clear_ibuf [dreg:s7], $0x2FFFF;
	_ =	strace $0x9FFFFFFF  }
0xc3: {  	(tm) =	ssettm $0x7FFFFFFF  }
tec
execute0_lowered:
.L_overlay_start_1:
0x0: {  	(tag) =	ssettag $0x1  }
0x1: {  	s5 =	rddreg [dreg:$0x0]  }
0x2: {  	s10 =	rddreg [dreg:$0x1];
	s0 =	srdreg.scid  }
0x3: {  	s2 =	rddreg [dreg:$0x2];
	s1 =	stileid.u32;
	s3 =	simm.s32 $0x0  }
0x4: {  	s11 =	sand.u32 $0x1, s0;
	s0 =	rddreg [dreg:$0x3];
	s6 =	smul.u32 $0x14000, s1  }
0x5: {  	[smem:$0x7FF] =	sst s3;
	s7 =	smul.u32 $0x50000, s1  }
0x6: {  	s16 =	sshll.u32 s1, $0x6;
	s4 =	smul.u32 $0x140000, s11;
	_ =	strace $0x80000050  }
0x7: {  	s8 =	ssub.s32 $0x2, s11;
	s14 =	sadd.s32 s16, s10;
	s15 =	sshll.u32 s11, $0x5  }
0x8: {  	s16 =	sor.u32 $0x1C02, s16;
	s30 =	sshrl.u32 s8, $0x1;
	s31 =	sshrl.u32 s7, $0x2  }
0x9: {  	s14 =	sadd.s32 s15, s14;
	s15 =	simm.s32 $0x2;
	s6 =	sadd.s32 s6, s4  }
0xa: {  	s4 =	sadd.s32 $0x3A00, s5;
	s13 =	ssub.s32 s8, s30;
	s6 =	sshrl.u32 s6, $0x3  }
0xb: {  	s12 =	sadd.s32 s6, s5;
	s5 =	sshll.u32 s1, $0x1;
	s6 =	sadd.s32 s31, s2  }
0xc: {  	s7 =	sadd.s32 $0x4000, s6;
	s8 =	sadd.s32 $0x8000, s6;
	s9 =	sadd.s32 $0xC000, s6  }
0xd: {  	s10 =	sadd.s32 $0x10000, s6;
	s11 =	sadd.s32 $0x2AC00, s12;
	s12 =	smax.u32 s13, $0x1  }
0xe: {  	v0 =	vimm.f32 $0.0e+00;
	s13 =	sadd.s32 $0x10, s14;
	s14 =	simm.s32 $0x100;
	s17 =	sshrl.u32 s6, $0x3  }
.LBB2_1:
0xf: {  	s18 =	simm.s32 $0x0;
	s19 =	simm.s32 $0x200  }
.LBB2_2:
0x10: {  	p0 =	sne.s32 s19, $0xFE00;
	[tilespmem:s18+$0x170] =	vst v0  }
0x11: {  	[tilespmem:s18+$0x100] =	vst v0  }
0x12: {  	[tilespmem:s18+$0x110] =	vst v0  }
.Ltmp0:
0x13: {  	[tilespmem:s18+$0x120] =	vst v0;
	(pc) =	sbr.rel @p0 .LBB2_2-.Ltmp0, $4  }
0x14: {  	[tilespmem:s18+$0x130] =	vst v0  }
0x15: {  	[tilespmem:s18+$0x140] =	vst v0  }
0x16: {  	[tilespmem:s18+$0x150] =	vst v0  }
0x17: {  	[tilespmem:s18+$0x160] =	vst v0;
	s18 =	sshra.s32 s19, $0x2;
	s19 =	sadd.s32 $0x200, s19  }
0x18: {  	[tilespmem:s18+$0x170] =	vst v0  }
0x19: {  	[tilespmem:s18+$0x100] =	vst v0  }
0x1a: {  	[tilespmem:s18+$0x110] =	vst v0  }
0x1b: {  	[tilespmem:s18+$0x120] =	vst v0  }
0x1c: {  	[tilespmem:s18+$0x130] =	vst v0  }
0x1d: {  	[tilespmem:s18+$0x140] =	vst v0  }
0x1e: {  	[tilespmem:s18+$0x150] =	vst v0  }
0x1f: {  	[tilespmem:s18+$0x160] =	vst v0  }
0x20: {  	[spmem:s6] =	stream.linear.scatter [tilespmem:s14], [sflag:$0x2], $0x4000, $0x38;
	[tilespmem:$0x18100] =	vst v63  }
0x21: {  	_ =	swait.ge [sflag:s15], $0x4000  }
0x22: {  	[sflag:s15] =	ssyncset.done $0x0  }
0x23: {  	[sflag:s15] =	ssyncadd.s32 $0xFFFFC000  }
0x24: {  	[spmem:s7] =	stream.linear.scatter [tilespmem:s14], [sflag:$0x2], $0x4000, $0x38;
	[tilespmem:$0x18100] =	vst v63  }
0x25: {  	_ =	swait.ge [sflag:s15], $0x4000  }
0x26: {  	[sflag:s15] =	ssyncset.done $0x0  }
0x27: {  	[sflag:s15] =	ssyncadd.s32 $0xFFFFC000  }
0x28: {  	[spmem:s8] =	stream.linear.scatter [tilespmem:s14], [sflag:$0x2], $0x4000, $0x38;
	[tilespmem:$0x18100] =	vst v63  }
0x29: {  	_ =	swait.ge [sflag:s15], $0x4000  }
0x2a: {  	[sflag:s15] =	ssyncset.done $0x0  }
0x2b: {  	[sflag:s15] =	ssyncadd.s32 $0xFFFFC000  }
0x2c: {  	[spmem:s9] =	stream.linear.scatter [tilespmem:s14], [sflag:$0x2], $0x4000, $0x38;
	[tilespmem:$0x18100] =	vst v63  }
0x2d: {  	_ =	swait.ge [sflag:s15], $0x4000  }
0x2e: {  	[sflag:s15] =	ssyncset.done $0x0  }
0x2f: {  	[sflag:s15] =	ssyncadd.s32 $0xFFFFC000  }
0x30: {  	[spmem:s10] =	stream.linear.scatter [tilespmem:s14], [sflag:$0x2], $0x4000, $0x38;
	[tilespmem:$0x18100] =	vst v63  }
0x31: {  	s30 =	sadd.s32 $0x0, s5;
	_ =	swait.ge [sflag:s15], $0x4000  }
0x32: {  	p0 =	sgt.u32 s30, $0x9C3;
	[sflag:s15] =	ssyncset.done $0x0  }
0x33: {  	s18 =	sadd.s32 @!p0 $0xFFFFFFF0, s13;
	[sflag:s15] =	ssyncadd.s32 $0xFFFFC000  }
0x34: {  	s19 =	simm.s32 @!p0 $0x0;
	s20 =	simm.s32 @!p0 $0x3;
	[bflag:$0x0] =	sbarrier.arrive $0xFFFF  }
0x35: {  	[tilespmem:s19], [sflag:$0x3] =	stream.linear.gather @!p0 [hbm4b:s18+s19], $0x80, $0x38;
	[tilespmem:$0x18100] =	vst v63  }
0x36: {  	_ =	swait.ge @!p0 [sflag:s20], $0x80;
	p0 =	por p0, p0  }
0x37: {  	[sflag:s20] =	ssyncset.done @!p0 $0x0  }
0x38: {  	s18 =	simm.s32 @!p0 $0x80;
	[sflag:s20] =	ssyncadd.s32 @!p0 $0xFFFFFF80  }
0x39: {  	[tilespmem:s18], [sflag:$0x3] =	stream.linear.gather @!p0 [hbm4b:s13+s19], $0x80, $0x38;
	[tilespmem:$0x18100] =	vst v63  }
0x3a: {  	_ =	swait.ge @!p0 [sflag:s20], $0x80  }
0x3b: {  	[sflag:s20] =	ssyncset.done @!p0 $0x0  }
0x3c: {  	s21 =	simm.s32 @!p0 $0x1;
	[sflag:s20] =	ssyncadd.s32 @!p0 $0xFFFFFF80;
	s20 =	simm.s32 @!p0 $0x100  }
0x3d: {  	[tilespmem:s20], [sflag:$0x1] =	stream.indirect.gather @!p0 [hbm4b:s4+s18], $0x80, s19, s18, $0xb8;
	[tilespmem:$0x18100] =	vst v63  }
0x3e: {  	_ =	swait.ge @!p0 [sflag:s21], $0x4000  }
0x3f: {  	[sflag:s21] =	ssyncset.done @!p0 $0x0  }
0x40: {  	s31 =	sadd.s32 $0x20, s5;
	[sflag:s21] =	ssyncadd.s32 @!p0 $0xFFFFC000  }
0x41: {  	[spmem:s2] =	stream.indirect.scatter.add.f32 @!p0 [tilespmem:s20], [sflag:$0x2], $0x80, s18, s18, $0xb8;
	[tilespmem:$0x18100] =	vst v63  }
0x42: {  	p2 =	sgt.u32 s31, $0x9C3;
	s20 =	simm.s32 @!p0 $0x2  }
0x43: {  	s19 =	simm.s32 $0x40;
	s18 =	sadd.s32 $0x400, s13;
	_ =	swait.ge @!p0 [sflag:s20], $0x4000  }
.LBB2_4:
0x44: {  	s21 =	sadd.s32 @!p2 $0xFFFFFFF0, s18  }
0x45: {  	s22 =	simm.s32 @!p2 $0x0;
	[sflag:s20] =	ssyncset.done @!p0 $0x0;
	s23 =	smov.u32 s19  }
0x46: {  	s19 =	sadd.s32 $0x20, s19;
	s24 =	simm.s32 @!p2 $0x3;
	[sflag:s20] =	ssyncadd.s32 @!p0 $0xFFFFC000  }
0x47: {  	[tilespmem:s22], [sflag:$0x3] =	stream.linear.gather @!p2 [hbm4b:s21+s22], $0x80, $0x38;
	[tilespmem:$0x18100] =	vst v63  }
0x48: {  	p1 =	sne.s32 s19, $0x9E0;
	p0 =	por p2, p2;
	_ =	swait.ge @!p2 [sflag:s24], $0x80  }
0x49: {  	[sflag:s24] =	ssyncset.done @!p0 $0x0  }
0x4a: {  	s21 =	simm.s32 @!p0 $0x80;
	[sflag:s24] =	ssyncadd.s32 @!p0 $0xFFFFFF80  }
0x4b: {  	[tilespmem:s21], [sflag:$0x3] =	stream.linear.gather @!p0 [hbm4b:s18+s22], $0x80, $0x38;
	[tilespmem:$0x18100] =	vst v63  }
0x4c: {  	_ =	swait.ge @!p0 [sflag:s24], $0x80  }
0x4d: {  	[sflag:s24] =	ssyncset.done @!p0 $0x0  }
0x4e: {  	s20 =	simm.s32 @!p0 $0x1;
	[sflag:s24] =	ssyncadd.s32 @!p0 $0xFFFFFF80;
	s24 =	simm.s32 @!p0 $0x100  }
0x4f: {  	[tilespmem:s24], [sflag:$0x1] =	stream.indirect.gather @!p0 [hbm4b:s4+s21], $0x80, s22, s21, $0xb8;
	[tilespmem:$0x18100] =	vst v63  }
.Ltmp1:
0x50: {  	_ =	swait.ge @!p0 [sflag:s20], $0x4000;
	(pc) =	sbr.rel @p1 .LBB2_4-.Ltmp1, $4  }
0x51: {  	[sflag:s20] =	ssyncset.done @!p0 $0x0  }
0x52: {  	s22 =	sadd.s32 s23, s5;
	[sflag:s20] =	ssyncadd.s32 @!p0 $0xFFFFC000;
	s20 =	simm.s32 @!p0 $0x2  }
0x53: {  	[spmem:s2] =	stream.indirect.scatter.add.f32 @!p0 [tilespmem:s24], [sflag:$0x2], $0x80, s21, s21, $0xb8;
	[tilespmem:$0x18100] =	vst v63  }
0x54: {  	s18 =	sadd.s32 $0x400, s18;
	p2 =	sgt.u32 s22, $0x9C3;
	_ =	swait.ge @!p0 [sflag:s20], $0x4000  }
0x55: {  	s19 =	sadd.s32 @!p2 $0xFFFFFFF0, s18;
	[sflag:s20] =	ssyncset.done @!p0 $0x0  }
0x56: {  	s21 =	simm.s32 @!p2 $0x0;
	s22 =	simm.s32 @!p2 $0x3;
	[sflag:s20] =	ssyncadd.s32 @!p0 $0xFFFFC000  }
0x57: {  	[tilespmem:s21], [sflag:$0x3] =	stream.linear.gather @!p2 [hbm4b:s19+s21], $0x80, $0x38;
	[tilespmem:$0x18100] =	vst v63  }
0x58: {  	p0 =	por p2, p2;
	_ =	swait.ge @!p2 [sflag:s22], $0x80  }
0x59: {  	[sflag:s22] =	ssyncset.done @!p0 $0x0  }
0x5a: {  	s19 =	simm.s32 @!p0 $0x80;
	[sflag:s22] =	ssyncadd.s32 @!p0 $0xFFFFFF80  }
0x5b: {  	[tilespmem:s19], [sflag:$0x3] =	stream.linear.gather @!p0 [hbm4b:s18+s21], $0x80, $0x38;
	[tilespmem:$0x18100] =	vst v63  }
0x5c: {  	_ =	swait.ge @!p0 [sflag:s22], $0x80  }
0x5d: {  	[sflag:s22] =	ssyncset.done @!p0 $0x0  }
0x5e: {  	s20 =	simm.s32 @!p0 $0x1;
	s18 =	simm.s32 @!p0 $0x100;
	[sflag:s22] =	ssyncadd.s32 @!p0 $0xFFFFFF80  }
0x5f: {  	[tilespmem:s18], [sflag:$0x1] =	stream.indirect.gather @!p0 [hbm4b:s4+s19], $0x80, s21, s19, $0xb8;
	[tilespmem:$0x18100] =	vst v63  }
0x60: {  	_ =	swait.ge @!p0 [sflag:s20], $0x4000  }
0x61: {  	[sflag:s20] =	ssyncset.done @!p0 $0x0  }
0x62: {  	[sflag:s20] =	ssyncadd.s32 @!p0 $0xFFFFC000;
	s20 =	simm.s32 @!p0 $0x2  }
0x63: {  	[spmem:s2] =	stream.indirect.scatter.add.f32 @!p0 [tilespmem:s18], [sflag:$0x2], $0x80, s19, s19, $0xb8;
	[tilespmem:$0x18100] =	vst v63  }
0x64: {  	_ =	swait.ge @!p0 [sflag:s20], $0x4000  }
0x65: {  	s3 =	sadd.s32 $0x1, s3;
	[sflag:s20] =	ssyncset.done @!p0 $0x0  }
0x66: {  	[sflag:s20] =	ssyncadd.s32 @!p0 $0xFFFFC000;
	p0 =	sne.s32 s3, s12  }
.Ltmp2:
0x67: {  	[bflag:$0x0] =	sbarrier.arrive $0xFFFF;
	(pc) =	sbr.rel @p0 .LBB2_1-.Ltmp2, $4  }
0x68: {  	[hbm:s11], [sflag:s16] =	dma.local [spmem:s17], $0x2800  }
0x69: {  	_ =	swait.ge [sflag:s15], $0x2800  }
0x6a: {  	[sflag:s15] =	ssyncset.done $0x0  }
0x6b: {  	[sflag:s15] =	ssyncadd.s32 $0xFFFFD800  }
0x6c: {  	_ =	sfence.sel $0x180000  }
0x6d: {  	[bflag:$0x0] =	sbarrier.arrive $0xFFFF  }
0x6e: {  	p0 =	sne.s32 s1, $0x0;
	_ =	strace $0x90000050  }
0x6f: {  	s0 =	sadd.s32 @!p0 $0x100000, s0;
	[bflag:$0x2] =	sbarrier.arrive $0xFFFF  }
0x70: {  	[sflag:s0] =	ssyncadd.tile.s32 @!p0 $0x1;
	_ =	shalt  }
.Lfunc_end2:
_tile_overlayer_lowered:
.L_overlay_start_2:
0x71: {  	(tag) =	ssettag $0x2  }
0x72: {  	s0 =	rddreg [dreg:$0x0];
	s2 =	stileid.u32  }
0x73: {  	s1 =	rddreg [dreg:$0x1];
	p0 =	sne.s32 s2, $0x0  }
0x74: {  	s3 =	rddreg [dreg:$0x2];
	[bflag:$0x3] =	sbarrier.arrive $0xFFFF;
	s2 =	simm.s32 @!p0 $0x1C02  }
0x75: {  	[timem:s3], [sflag:s2] =	dma.local @!p0 [hbm:s0], s1  }
0x76: {  	s0 =	simm.s32 @!p0 $0x2  }
0x77: {  	_ =	swait.ge @!p0 [sflag:s0], s1  }
0x78: {  	s1 =	ssub.s32 @!p0 $0x0, s1;
	[sflag:s0] =	ssyncset.done @!p0 $0x0  }
0x79: {  	[sflag:s0] =	ssyncadd.s32 @!p0 s1  }
0x7a: {  	[bflag:$0x3] =	sbarrier.arrive $0xFFFF  }
0x7b: {  	_ =	shalt  }

// kernel: kernel.24.cloned.1.call-start
scs
__scs_entry_jumppad:
0x0: {  	(pc) =	sbr.rel $0x88, $3  }
0x1: {  	(tag) =	ssettag $0x0;
	lr =	simm.s32 $0x1  }
0x2: {  	[smem:$0x3F98] =	sst lr;
	_ =	strace $0xD0000000  }
0x3: {  	_ = 	snop  }
0x4: {  	_ = 	snop  }
0x5: {  	_ = 	snop  }
0x6: {  	_ = 	snop  }
0x7: {  	_ = 	snop  }
__scs_overlays_trampoline_lowered:
0x8: {  	[smem:$0x3FA7] =	sst s0  }
0x9: {  	[smem:$0x3FA8] =	sst s1  }
0xa: {  	[smem:$0x3FA9] =	sst s2  }
0xb: {  	[smem:$0x3FAA] =	sst s3  }
0xc: {  	[smem:$0x3FAB] =	sst s4  }
0xd: {  	[smem:$0x3FAC] =	sst s5  }
0xe: {  	[smem:$0x3FAD] =	sst s6  }
0xf: {  	[smem:$0x3FAE] =	sst s7  }
0x10: {  	[smem:$0x3FAF] =	sst s8  }
0x11: {  	[smem:$0x3FB0] =	sst s9;
	s0 =	simm.s32 @!p0 $0x0  }
0x12: {  	s1 =	sld [smem:$0x3F96];
	s0 =	simm.s32 @p0 $0x1  }
0x13: {  	[smem:$0x3FB1] =	sst s0;
	s0 =	simm.s32 @!p1 $0x0  }
0x14: {  	s2 =	sld [smem:$0x3F95];
	s0 =	simm.s32 @p1 $0x1  }
0x15: {  	[smem:$0x3FB2] =	sst s0;
	s0 =	simm.s32 @!p2 $0x0  }
0x16: {  	s3 =	sld [smem:$0x3FDB];
	s0 =	simm.s32 @p2 $0x1  }
0x17: {  	s4 =	simm.s32 $0x1BF5;
	[smem:$0x3FB4] =	sst s0  }
0x18: {  	s0 =	sld [smem:$0x3F97];
	_ =	swait.ge [sflag:s4], $0x0  }
0x19: {  	s7 =	sld [smem:$0x3F98]  }
0x1a: {  	s8 =	sadd.s32 $0xFFFFE003, lr  }
0x1b: {  	s9 =	sadd.s32 $0xFFFFFEF7, lr;
	s5 =	simm.s32 $0xFFFFFFFF;
	p2 =	slt.u32 s8, $0xFFFFF086  }
0x1c: {  	p1 =	slt.u32 s9, $0xF7A;
	s5 =	simm.s32 @!p2 $0x0  }
0x1d: {  	s5 =	simm.s32 @p1 $0x1;
	p0 =	seq.s32 s7, s2  }
0x1e: {  	s7 =	smul.u32 @!p0 $0xF7A, s2;
	p2 =	seq.s32 @!p0 s5, $0x0  }
0x1f: {  	s9 =	smul.u32 $0xF7A, s1;
	s8 =	simm.s32 @!p0 $0x1BF5;
	p2 =	por !p2, p0  }
0x20: {  	[sflag:s8] =	ssyncset.s32 @!p0 $0xFFFFF086;
	s6 =	sadd.s32 @!p0 s3, s7;
	s7 =	simm.s32 @!p0 $0x108  }
0x21: {  	s3 =	sadd.s32 s3, s9;
	s6 =	sadd.s32 @!p0 $0x88, s6;
	s7 =	simm.s32 @p2 $0x1082  }
0x22: {  	[simem:s7], [sflag:s8] =	dma.local @!p0 [hbm:s6], $0xF7A  }
0x23: {  	s9 =	sor.u32 $0xD0000000, s2;
	s6 =	simm.s32 $0x108;
	_ =	swait.ge @!p0 [sflag:s8], $0x0  }
0x24: {  	s3 =	sadd.s32 $0x88, s3;
	s6 =	simm.s32 @!p1 $0x1082;
	[sflag:s4] =	ssyncset.s32 $0xFFFFF086  }
0x25: {  	[simem:s6], [sflag:s4] =	dma.local [hbm:s3], $0xF7A  }
0x26: {  	[smem:$0x3F98] =	sst s1;
	(tag) =	ssettag s2;
	_ =	strace s9  }
0x27: {  	s1 =	sld [smem:$0x3FA8]  }
0x28: {  	s2 =	sld [smem:$0x3FA9]  }
0x29: {  	s4 =	sld [smem:$0x3FAB]  }
0x2a: {  	p0 =	seq.s32 s5, $0x0;
	s5 =	sld [smem:$0x3FAC]  }
0x2b: {  	s6 =	sld [smem:$0x3FAD]  }
0x2c: {  	s7 =	sld [smem:$0x3FAE]  }
0x2d: {  	s3 =	simm.s32 $0x108;
	s8 =	sld [smem:$0x3FAF]  }
0x2e: {  	s3 =	simm.s32 @!p0 $0x1082;
	s9 =	sld [smem:$0x3FB0]  }
0x2f: {  	lr =	sadd.s32 s0, s3;
	s0 =	sld [smem:$0x3FA7]  }
0x30: {  	s3 =	sld [smem:$0x3FAA]  }
0x31: {  	[smem:$0x3FB3] =	sst s10  }
0x32: {  	s10 =	sld [smem:$0x3FB1];
	_ =	sdelay $0x3  }
0x33: {  	p0 =	seq.s32 s10, $0x1;
	s10 =	sld [smem:$0x3FB3];
	_ =	sdelay $0x3  }
0x34: {  	[smem:$0x3FB3] =	sst s10  }
0x35: {  	s10 =	sld [smem:$0x3FB2];
	_ =	sdelay $0x3  }
0x36: {  	p1 =	seq.s32 s10, $0x1;
	s10 =	sld [smem:$0x3FB3];
	_ =	sdelay $0x3  }
0x37: {  	[smem:$0x3FB3] =	sst s10  }
0x38: {  	s10 =	sld [smem:$0x3FB4]  }
0x39: {  	_ = 	snop;
	(pc) =	sbr.ind lr, $3  }
0x3a: {  	_ = 	snop  }
0x3b: {  	_ = 	snop  }
0x3c: {  	p2 =	seq.s32 s10, $0x1;
	s10 =	sld [smem:$0x3FB3]  }
0x3d: {  	_ =	shalt  }
0x3e: {  	_ =	shalt  }
0x3f: {  	_ =	shalt  }
0x40: {  	_ =	shalt  }
0x41: {  	_ =	shalt  }
0x42: {  	_ =	shalt  }
0x43: {  	_ =	shalt  }
0x44: {  	_ =	shalt  }
0x45: {  	_ =	shalt  }
0x46: {  	_ =	shalt  }
0x47: {  	_ =	shalt  }
0x48: {  	_ =	shalt  }
0x49: {  	_ =	shalt  }
0x4a: {  	_ =	shalt  }
0x4b: {  	_ =	shalt  }
0x4c: {  	_ =	shalt  }
0x4d: {  	_ =	shalt  }
0x4e: {  	_ =	shalt  }
0x4f: {  	_ =	shalt  }
0x50: {  	_ =	shalt  }
0x51: {  	_ =	shalt  }
0x52: {  	_ =	shalt  }
0x53: {  	_ =	shalt  }
0x54: {  	_ =	shalt  }
0x55: {  	_ =	shalt  }
0x56: {  	_ =	shalt  }
0x57: {  	_ =	shalt  }
0x58: {  	_ =	shalt  }
0x59: {  	_ =	shalt  }
0x5a: {  	_ =	shalt  }
0x5b: {  	_ =	shalt  }
0x5c: {  	_ =	shalt  }
0x5d: {  	_ =	shalt  }
0x5e: {  	_ =	shalt  }
0x5f: {  	_ =	shalt  }
0x60: {  	_ =	shalt  }
0x61: {  	_ =	shalt  }
0x62: {  	_ =	shalt  }
0x63: {  	_ =	shalt  }
0x64: {  	_ =	shalt  }
0x65: {  	_ =	shalt  }
0x66: {  	_ =	shalt  }
0x67: {  	_ =	shalt  }
0x68: {  	_ =	shalt  }
0x69: {  	_ =	shalt  }
0x6a: {  	_ =	shalt  }
0x6b: {  	_ =	shalt  }
0x6c: {  	_ =	shalt  }
0x6d: {  	_ =	shalt  }
0x6e: {  	_ =	shalt  }
0x6f: {  	_ =	shalt  }
0x70: {  	_ =	shalt  }
0x71: {  	_ =	shalt  }
0x72: {  	_ =	shalt  }
0x73: {  	_ =	shalt  }
0x74: {  	_ =	shalt  }
0x75: {  	_ =	shalt  }
0x76: {  	_ =	shalt  }
0x77: {  	_ =	shalt  }
0x78: {  	_ =	shalt  }
0x79: {  	_ =	shalt  }
0x7a: {  	_ =	shalt  }
0x7b: {  	_ =	shalt  }
0x7c: {  	_ =	shalt  }
0x7d: {  	_ =	shalt  }
0x7e: {  	_ =	shalt  }
0x7f: {  	_ =	shalt  }
0x80: {  	_ =	shalt  }
0x81: {  	_ =	shalt  }
0x82: {  	_ =	shalt  }
0x83: {  	_ =	shalt  }
0x84: {  	_ =	shalt  }
0x85: {  	_ =	shalt  }
0x86: {  	_ =	shalt  }
0x87: {  	_ =	shalt  }
.Lfunc_end0:
.L_simem_size_0:
called_computation.4_lowered:
.L_overlay_start_0:
0x88: {  	s2 =	sld [smem:$0x3FD9]  }
0x89: {  	s3 =	sld [smem:$0x3FFE];
	_ =	sdelay $0x1  }
0x8a: {  	s1 =	srdreg.scid  }
0x8b: {  	s0 =	sand.u32 $0x1, s1  }
0x8c: {  	s17 =	sshll.u32 s0, $0xA;
	s2 =	sadd.s32 s3, s2  }
0x8d: {  	s2 =	sadd.s32 s2, s17  }
0x8e: {  	[smem:$0x3FBF] =	sst s2  }
0x8f: {  	_ = 	snop  }
0x90: {  	s2 =	sld [smem:$0x3FC8];
	(tm) =	ssettm $0x1  }
0x91: {  	s18 =	sld [smem:$0x3FFB];
	_ =	sdelay $0x3  }
0x92: {  	_ =	strace s18  }
0x93: {  	s3 =	sld [smem:$0x3FFC];
	_ =	sdelay $0x3  }
0x94: {  	_ =	strace s3  }
0x95: {  	s3 =	sld [smem:$0x3FFD];
	_ =	sdelay $0x3  }
0x96: {  	_ =	strace s3  }
0x97: {  	_ =	strace $0x8FFFFFFF  }
0x98: {  	s19 =	sld [smem:$0x3FDB];
	_ =	sdelay $0x1  }
0x99: {  	s4 =	simm.s32 $_scs_section_size  }
0x9a: {  	s5 =	simm.s32 $_size__tile_overlayer_lowered;
	s6 =	simm.s32 $_tile_overlayer_lowered  }
0x9b: {  	s22 =	simm.s32 $0x1BFF;
	s21 =	sshll.u32 s6, $0x1;
	s3 =	sadd.s32 s4, s19  }
0x9c: {  	s7 =	simm.s32 $0x0;
	s20 =	sshll.u32 s5, $0x1;
	s5 =	sadd.s32 s21, s3  }
0x9d: {  	[timem:s7], [sflag:s22] =	dma.local [hbm:s5], s20  }
0x9e: {  	_ =	swait.ge [sflag:s22], s20  }
0x9f: {  	s4 =	ssub.s32 $0x0, s20;
	[sflag:s22] =	ssyncset.done $0x0  }
0xa0: {  	[sflag:s22] =	ssyncadd.s32 s4;
	_ =	sdelay $0x1  }
0xa1: {  	s23 =	simm.s32 $0x1B8B  }
0xa2: {  	_ =	swait.ge [sflag:s23], $0x1  }
0xa3: {  	[sflag:s23] =	ssyncset.done $0x0  }
0xa4: {  	s25 =	simm.s32 $0x1B8E;
	s24 =	sld [smem:$0x3FFE];
	[sflag:s23] =	ssyncadd.s32 $0xFFFFFFFF  }
0xa5: {  	s26 =	simm.s32 $execute0_lowered;
	[smem:$0x3FD2] =	sst s25  }
0xa6: {  	s5 =	sshll.u32 s26, $0x1;
	_ =	strace $0x80000052;
	[dreg:$0x1] =	wrdreg $0xFFFFFFFF  }
0xa7: {  	s28 =	simm.s32 $_size_execute0_lowered;
	s3 =	sadd.s32 s3, s5;
	[dreg:$0x0] =	wrdreg $0x0  }
0xa8: {  	s5 =	sshll.u32 s28, $0x1;
	[dreg:$0x2] =	wrdreg s3  }
0xa9: {  	[dreg:$0x3] =	wrdreg s5  }
0xaa: {  	[dreg:$0x4] =	wrdreg $0xC0  }
0xab: {  	_ =	task [dreg:s7], $0x5FFFF  }
0xac: {  	[dreg:$0x1] =	wrdreg $0xFFFFFFFF  }
0xad: {  	[dreg:$0x0] =	wrdreg $0x60  }
0xae: {  	[dreg:$0x2] =	wrdreg s24  }
0xaf: {  	[dreg:$0x3] =	wrdreg s2  }
0xb0: {  	[dreg:$0x4] =	wrdreg $0x41000  }
0xb1: {  	[dreg:$0x5] =	wrdreg $0x9  }
0xb2: {  	_ =	task.clear_ibuf [dreg:s7], $0x6FFFF;
	_ =	strace $0x90000052  }
0xb3: {  	s29 =	simm.s32 $0x9;
	_ =	strace $0x80000054  }
0xb4: {  	_ =	swait.ge [sflag:s29], $0x1  }
0xb5: {  	[sflag:s29] =	ssyncadd.s32 $0xFFFFFFFF  }
0xb6: {  	_ =	strace $0x90000054  }
0xb7: {  	_ =	sfence  }
0xb8: {  	s30 =	sld [smem:$0x0];
	_ =	sdelay $0x2  }
0xb9: {  	s31 =	sshll.u32 s1, $0xD;
	s1 =	sshrl.u32 s1, $0x2  }
0xba: {  	s3 =	sand.u32 $0x4000, s31;
	s1 =	sadd.s32 s1, s30  }
0xbb: {  	s0 =	sor.u32 s3, s0;
	s1 =	sshll.u32 s1, $0x11  }
0xbc: {  	s0 =	sor.u32 s1, s0  }
0xbd: {  	s0 =	sadd.s32 $0x8F2B, s0  }
0xbe: {  	[sflag:s0] =	ssyncadd.remote.s32 $0x1  }
0xbf: {  	_ =	sfence.sel $0xFFFF  }
0xc0: {  	[dreg:$0x0] =	wrdreg $0xFFFFFFFF;
	(pc) =	sbr.abs _section_cstart, $3  }
0xc1: {  	[dreg:$0x1] =	wrdreg $0xFFFFFFFF  }
0xc2: {  	_ =	task.clear_ibuf [dreg:s7], $0x2FFFF;
	_ =	strace $0x9FFFFFFF  }
0xc3: {  	(tm) =	ssettm $0x7FFFFFFF  }
tec
execute0_lowered:
.L_overlay_start_1:
0x0: {  	(tag) =	ssettag $0x1  }
0x1: {  	s5 =	rddreg [dreg:$0x0]  }
0x2: {  	s10 =	rddreg [dreg:$0x1];
	s0 =	srdreg.scid  }
0x3: {  	s2 =	rddreg [dreg:$0x2];
	s1 =	stileid.u32;
	s3 =	simm.s32 $0x0  }
0x4: {  	s11 =	sand.u32 $0x1, s0;
	s0 =	rddreg [dreg:$0x3];
	s6 =	smul.u32 $0x14000, s1  }
0x5: {  	[smem:$0x7FF] =	sst s3;
	s7 =	smul.u32 $0x50000, s1  }
0x6: {  	s16 =	sshll.u32 s1, $0x6;
	s4 =	smul.u32 $0x140000, s11;
	_ =	strace $0x80000053  }
0x7: {  	s8 =	ssub.s32 $0x2, s11;
	s14 =	sadd.s32 s16, s10;
	s15 =	sshll.u32 s11, $0x5  }
0x8: {  	s16 =	sor.u32 $0x1C02, s16;
	s30 =	sshrl.u32 s8, $0x1;
	s31 =	sshrl.u32 s7, $0x2  }
0x9: {  	s14 =	sadd.s32 s15, s14;
	s15 =	simm.s32 $0x2;
	s6 =	sadd.s32 s6, s4  }
0xa: {  	s4 =	sadd.s32 $0x3A00, s5;
	s13 =	ssub.s32 s8, s30;
	s6 =	sshrl.u32 s6, $0x3  }
0xb: {  	s12 =	sadd.s32 s6, s5;
	s5 =	sshll.u32 s1, $0x1;
	s6 =	sadd.s32 s31, s2  }
0xc: {  	s7 =	sadd.s32 $0x4000, s6;
	s8 =	sadd.s32 $0x8000, s6;
	s9 =	sadd.s32 $0xC000, s6  }
0xd: {  	s10 =	sadd.s32 $0x10000, s6;
	s11 =	sadd.s32 $0x2AC00, s12;
	s12 =	smax.u32 s13, $0x1  }
0xe: {  	v0 =	vimm.f32 $0.0e+00;
	s13 =	sadd.s32 $0x10, s14;
	s14 =	simm.s32 $0x100;
	s17 =	sshrl.u32 s6, $0x3  }
.LBB2_1:
0xf: {  	s18 =	simm.s32 $0x0;
	s19 =	simm.s32 $0x200  }
.LBB2_2:
0x10: {  	p0 =	sne.s32 s19, $0xFE00;
	[tilespmem:s18+$0x170] =	vst v0  }
0x11: {  	[tilespmem:s18+$0x100] =	vst v0  }
0x12: {  	[tilespmem:s18+$0x110] =	vst v0  }
.Ltmp0:
0x13: {  	[tilespmem:s18+$0x120] =	vst v0;
	(pc) =	sbr.rel @p0 .LBB2_2-.Ltmp0, $4  }
0x14: {  	[tilespmem:s18+$0x130] =	vst v0  }
0x15: {  	[tilespmem:s18+$0x140] =	vst v0  }
0x16: {  	[tilespmem:s18+$0x150] =	vst v0  }
0x17: {  	[tilespmem:s18+$0x160] =	vst v0;
	s18 =	sshra.s32 s19, $0x2;
	s19 =	sadd.s32 $0x200, s19  }
0x18: {  	[tilespmem:s18+$0x170] =	vst v0  }
0x19: {  	[tilespmem:s18+$0x100] =	vst v0  }
0x1a: {  	[tilespmem:s18+$0x110] =	vst v0  }
0x1b: {  	[tilespmem:s18+$0x120] =	vst v0  }
0x1c: {  	[tilespmem:s18+$0x130] =	vst v0  }
0x1d: {  	[tilespmem:s18+$0x140] =	vst v0  }
0x1e: {  	[tilespmem:s18+$0x150] =	vst v0  }
0x1f: {  	[tilespmem:s18+$0x160] =	vst v0  }
0x20: {  	[spmem:s6] =	stream.linear.scatter [tilespmem:s14], [sflag:$0x2], $0x4000, $0x38;
	[tilespmem:$0x18100] =	vst v63  }
0x21: {  	_ =	swait.ge [sflag:s15], $0x4000  }
0x22: {  	[sflag:s15] =	ssyncset.done $0x0  }
0x23: {  	[sflag:s15] =	ssyncadd.s32 $0xFFFFC000  }
0x24: {  	[spmem:s7] =	stream.linear.scatter [tilespmem:s14], [sflag:$0x2], $0x4000, $0x38;
	[tilespmem:$0x18100] =	vst v63  }
0x25: {  	_ =	swait.ge [sflag:s15], $0x4000  }
0x26: {  	[sflag:s15] =	ssyncset.done $0x0  }
0x27: {  	[sflag:s15] =	ssyncadd.s32 $0xFFFFC000  }
0x28: {  	[spmem:s8] =	stream.linear.scatter [tilespmem:s14], [sflag:$0x2], $0x4000, $0x38;
	[tilespmem:$0x18100] =	vst v63  }
0x29: {  	_ =	swait.ge [sflag:s15], $0x4000  }
0x2a: {  	[sflag:s15] =	ssyncset.done $0x0  }
0x2b: {  	[sflag:s15] =	ssyncadd.s32 $0xFFFFC000  }
0x2c: {  	[spmem:s9] =	stream.linear.scatter [tilespmem:s14], [sflag:$0x2], $0x4000, $0x38;
	[tilespmem:$0x18100] =	vst v63  }
0x2d: {  	_ =	swait.ge [sflag:s15], $0x4000  }
0x2e: {  	[sflag:s15] =	ssyncset.done $0x0  }
0x2f: {  	[sflag:s15] =	ssyncadd.s32 $0xFFFFC000  }
0x30: {  	[spmem:s10] =	stream.linear.scatter [tilespmem:s14], [sflag:$0x2], $0x4000, $0x38;
	[tilespmem:$0x18100] =	vst v63  }
0x31: {  	_ =	swait.ge [sflag:s15], $0x4000  }
0x32: {  	s30 =	sadd.s32 $0x0, s5;
	[sflag:s15] =	ssyncset.done $0x0  }
0x33: {  	p0 =	sgt.u32 s30, $0x9C3;
	[sflag:s15] =	ssyncadd.s32 $0xFFFFC000  }
0x34: {  	s18 =	simm.s32 @!p0 $0x0;
	s19 =	simm.s32 @!p0 $0x3;
	[bflag:$0x0] =	sbarrier.arrive $0xFFFF  }
0x35: {  	[tilespmem:s18], [sflag:$0x3] =	stream.linear.gather @!p0 [hbm4b:s13+s18], $0x80, $0x38;
	[tilespmem:$0x18100] =	vst v63  }
0x36: {  	_ =	swait.ge @!p0 [sflag:s19], $0x80  }
0x37: {  	[sflag:s19] =	ssyncset.done @!p0 $0x0;
	p0 =	por p0, p0  }
0x38: {  	[sflag:s19] =	ssyncadd.s32 @!p0 $0xFFFFFF80;
	s20 =	sadd.s32 @!p0 $0xFFFFFFF0, s13;
	s21 =	simm.s32 @!p0 $0x80  }
0x39: {  	[tilespmem:s21], [sflag:$0x3] =	stream.linear.gather @!p0 [hbm4b:s20+s18], $0x80, $0x38;
	[tilespmem:$0x18100] =	vst v63  }
0x3a: {  	_ =	swait.ge @!p0 [sflag:s19], $0x80  }
0x3b: {  	[sflag:s19] =	ssyncset.done @!p0 $0x0  }
0x3c: {  	s20 =	simm.s32 @!p0 $0x1;
	[sflag:s19] =	ssyncadd.s32 @!p0 $0xFFFFFF80;
	s19 =	simm.s32 @!p0 $0x100  }
0x3d: {  	[tilespmem:s19], [sflag:$0x1] =	stream.indirect.gather @!p0 [hbm4b:s4+s21], $0x80, s18, s21, $0xb8;
	[tilespmem:$0x18100] =	vst v63  }
0x3e: {  	_ =	swait.ge @!p0 [sflag:s20], $0x4000  }
0x3f: {  	[sflag:s20] =	ssyncset.done @!p0 $0x0  }
0x40: {  	s31 =	sadd.s32 $0x20, s5;
	[sflag:s20] =	ssyncadd.s32 @!p0 $0xFFFFC000;
	s20 =	simm.s32 @!p0 $0x2  }
0x41: {  	[spmem:s2] =	stream.indirect.scatter.add.f32 @!p0 [tilespmem:s19], [sflag:$0x2], $0x80, s21, s21, $0xb8;
	[tilespmem:$0x18100] =	vst v63  }
0x42: {  	p2 =	sgt.u32 s31, $0x9C3;
	_ =	swait.ge @!p0 [sflag:s20], $0x4000  }
0x43: {  	s18 =	sadd.s32 $0x400, s13;
	s19 =	simm.s32 $0x40;
	[sflag:s20] =	ssyncset.done @!p0 $0x0  }
.LBB2_4:
0x44: {  	s21 =	simm.s32 @!p2 $0x0;
	s22 =	simm.s32 @!p2 $0x3;
	[sflag:s20] =	ssyncadd.s32 @!p0 $0xFFFFC000  }
0x45: {  	[tilespmem:s21], [sflag:$0x3] =	stream.linear.gather @!p2 [hbm4b:s18+s21], $0x80, $0x38;
	[tilespmem:$0x18100] =	vst v63  }
0x46: {  	s23 =	smov.u32 s19;
	s19 =	sadd.s32 $0x20, s19;
	_ =	swait.ge @!p2 [sflag:s22], $0x80  }
0x47: {  	p0 =	por p2, p2;
	p1 =	sne.s32 s19, $0x9E0;
	[sflag:s22] =	ssyncset.done @!p2 $0x0  }
0x48: {  	s20 =	sadd.s32 @!p0 $0xFFFFFFF0, s18;
	s24 =	simm.s32 @!p0 $0x80;
	[sflag:s22] =	ssyncadd.s32 @!p0 $0xFFFFFF80  }
0x49: {  	[tilespmem:s24], [sflag:$0x3] =	stream.linear.gather @!p0 [hbm4b:s20+s21], $0x80, $0x38;
	[tilespmem:$0x18100] =	vst v63  }
0x4a: {  	_ =	swait.ge @!p0 [sflag:s22], $0x80  }
0x4b: {  	[sflag:s22] =	ssyncset.done @!p0 $0x0  }
0x4c: {  	s20 =	simm.s32 @!p0 $0x1;
	[sflag:s22] =	ssyncadd.s32 @!p0 $0xFFFFFF80;
	s22 =	simm.s32 @!p0 $0x100  }
0x4d: {  	[tilespmem:s22], [sflag:$0x1] =	stream.indirect.gather @!p0 [hbm4b:s4+s24], $0x80, s21, s24, $0xb8;
	[tilespmem:$0x18100] =	vst v63  }
0x4e: {  	_ =	swait.ge @!p0 [sflag:s20], $0x4000  }
.Ltmp1:
0x4f: {  	[sflag:s20] =	ssyncset.done @!p0 $0x0;
	(pc) =	sbr.rel @p1 .LBB2_4-.Ltmp1, $4  }
0x50: {  	[sflag:s20] =	ssyncadd.s32 @!p0 $0xFFFFC000;
	s20 =	simm.s32 @!p0 $0x2  }
0x51: {  	[spmem:s2] =	stream.indirect.scatter.add.f32 @!p0 [tilespmem:s22], [sflag:$0x2], $0x80, s24, s24, $0xb8;
	[tilespmem:$0x18100] =	vst v63  }
0x52: {  	s21 =	sadd.s32 s23, s5;
	_ =	swait.ge @!p0 [sflag:s20], $0x4000  }
0x53: {  	s18 =	sadd.s32 $0x400, s18;
	p2 =	sgt.u32 s21, $0x9C3;
	[sflag:s20] =	ssyncset.done @!p0 $0x0  }
0x54: {  	s19 =	simm.s32 @!p2 $0x0;
	s21 =	simm.s32 @!p2 $0x3;
	[sflag:s20] =	ssyncadd.s32 @!p0 $0xFFFFC000  }
0x55: {  	[tilespmem:s19], [sflag:$0x3] =	stream.linear.gather @!p2 [hbm4b:s18+s19], $0x80, $0x38;
	[tilespmem:$0x18100] =	vst v63  }
0x56: {  	_ =	swait.ge @!p2 [sflag:s21], $0x80  }
0x57: {  	p0 =	por p2, p2;
	[sflag:s21] =	ssyncset.done @!p2 $0x0  }
0x58: {  	s18 =	sadd.s32 @!p0 $0xFFFFFFF0, s18;
	s20 =	simm.s32 @!p0 $0x80;
	[sflag:s21] =	ssyncadd.s32 @!p0 $0xFFFFFF80  }
0x59: {  	[tilespmem:s20], [sflag:$0x3] =	stream.linear.gather @!p0 [hbm4b:s18+s19], $0x80, $0x38;
	[tilespmem:$0x18100] =	vst v63  }
0x5a: {  	_ =	swait.ge @!p0 [sflag:s21], $0x80  }
0x5b: {  	[sflag:s21] =	ssyncset.done @!p0 $0x0  }
0x5c: {  	s18 =	simm.s32 @!p0 $0x100;
	[sflag:s21] =	ssyncadd.s32 @!p0 $0xFFFFFF80;
	s21 =	simm.s32 @!p0 $0x1  }
0x5d: {  	[tilespmem:s18], [sflag:$0x1] =	stream.indirect.gather @!p0 [hbm4b:s4+s20], $0x80, s19, s20, $0xb8;
	[tilespmem:$0x18100] =	vst v63  }
0x5e: {  	_ =	swait.ge @!p0 [sflag:s21], $0x4000  }
0x5f: {  	[sflag:s21] =	ssyncset.done @!p0 $0x0  }
0x60: {  	s19 =	simm.s32 @!p0 $0x2;
	[sflag:s21] =	ssyncadd.s32 @!p0 $0xFFFFC000  }
0x61: {  	[spmem:s2] =	stream.indirect.scatter.add.f32 @!p0 [tilespmem:s18], [sflag:$0x2], $0x80, s20, s20, $0xb8;
	[tilespmem:$0x18100] =	vst v63  }
0x62: {  	_ =	swait.ge @!p0 [sflag:s19], $0x4000  }
0x63: {  	s3 =	sadd.s32 $0x1, s3;
	[sflag:s19] =	ssyncset.done @!p0 $0x0  }
0x64: {  	[sflag:s19] =	ssyncadd.s32 @!p0 $0xFFFFC000;
	p0 =	sne.s32 s3, s12  }
.Ltmp2:
0x65: {  	[bflag:$0x0] =	sbarrier.arrive $0xFFFF;
	(pc) =	sbr.rel @p0 .LBB2_1-.Ltmp2, $4  }
0x66: {  	[hbm:s11], [sflag:s16] =	dma.local [spmem:s17], $0x2800  }
0x67: {  	_ =	swait.ge [sflag:s15], $0x2800  }
0x68: {  	[sflag:s15] =	ssyncset.done $0x0  }
0x69: {  	[sflag:s15] =	ssyncadd.s32 $0xFFFFD800  }
0x6a: {  	_ =	sfence.sel $0x180000  }
0x6b: {  	[bflag:$0x0] =	sbarrier.arrive $0xFFFF  }
0x6c: {  	p0 =	sne.s32 s1, $0x0;
	_ =	strace $0x90000053  }
0x6d: {  	s0 =	sadd.s32 @!p0 $0x100000, s0;
	[bflag:$0x2] =	sbarrier.arrive $0xFFFF  }
0x6e: {  	[sflag:s0] =	ssyncadd.tile.s32 @!p0 $0x1;
	_ =	shalt  }
.Lfunc_end2:
_tile_overlayer_lowered:
.L_overlay_start_2:
0x6f: {  	(tag) =	ssettag $0x2  }
0x70: {  	s0 =	rddreg [dreg:$0x0];
	s2 =	stileid.u32  }
0x71: {  	s1 =	rddreg [dreg:$0x1];
	p0 =	sne.s32 s2, $0x0  }
0x72: {  	s3 =	rddreg [dreg:$0x2];
	[bflag:$0x3] =	sbarrier.arrive $0xFFFF;
	s2 =	simm.s32 @!p0 $0x1C02  }
0x73: {  	[timem:s3], [sflag:s2] =	dma.local @!p0 [hbm:s0], s1  }
0x74: {  	s0 =	simm.s32 @!p0 $0x2  }
0x75: {  	_ =	swait.ge @!p0 [sflag:s0], s1  }
0x76: {  	s1 =	ssub.s32 @!p0 $0x0, s1;
	[sflag:s0] =	ssyncset.done @!p0 $0x0  }
0x77: {  	[sflag:s0] =	ssyncadd.s32 @!p0 s1  }
0x78: {  	[bflag:$0x3] =	sbarrier.arrive $0xFFFF  }
0x79: {  	_ =	shalt  }

</sc_bundles>
